<compile_context>
chip_gen: v7x
topology: tpu7x:2x2x1
jax: 0.10.2.dev20260603
libtpu: 0.0.44.dev20260713+nightly
codegen_flags: <defaults>
</compile_context>

<pallas_src>
import functools

import jax
import jax.numpy as jnp
from jax import lax
from jax.experimental import pallas as pl
from jax.experimental.pallas import tpu as pltpu
from jax.experimental.pallas import tpu_sc as plsc

_G = 17911
_B, _N, _D = 4, 8192, 768
_EMB = 128
_TOP = 5000
_RTOT = _B * _TOP

def _mono(v):
    b = lax.bitcast_convert_type(v, jnp.int32)
    return jnp.where(b >= 0, b, jnp.full_like(b, 2147483647) - b)


_KB = 1024
_NB = _N // _KB
_GBF = 4480


def _rank_body(xrow_ref, grn_ref, ppi_ref, w_ref, b_ref, o_ref, f_ref,
               mrow, macc):
    w = w_ref[...]
    f_ref[...] = (
        jnp.dot(grn_ref[...], w[:_EMB, :], preferred_element_type=jnp.float32)
        + jnp.dot(ppi_ref[...], w[_EMB:, :], preferred_element_type=jnp.float32)
        + b_ref[...]
    )

    mrow[0, :] = _mono(xrow_ref[0, 0, :])
    ii = lax.broadcasted_iota(jnp.int32, (_KB, _KB), 1)
    jj = lax.broadcasted_iota(jnp.int32, (_KB, _KB), 0)
    tie_mask = jj < ii

    def a_loop(a, carry):
        mi = mrow[0, pl.ds(a * _KB, _KB)][None, :]
        macc[...] = ((mrow[0, pl.ds(a * _KB, _KB)][:, None] > mi)
                     | ((mrow[0, pl.ds(a * _KB, _KB)][:, None] == mi)
                        & tie_mask)).astype(jnp.float32)

        def lo_loop(b, carry2):
            mj = mrow[0, pl.ds(b * _KB, _KB)][:, None]
            macc[...] += (mj >= mi).astype(jnp.float32)
            return carry2

        def hi_loop(b, carry2):
            mj = mrow[0, pl.ds(b * _KB, _KB)][:, None]
            macc[...] += (mj > mi).astype(jnp.float32)
            return carry2

        lax.fori_loop(0, a, lo_loop, 0)
        lax.fori_loop(a + 1, _NB, hi_loop, 0)
        o_ref[0, 0, pl.ds(a * _KB, _KB)] = jnp.sum(
            macc[...], axis=0).astype(jnp.int32)
        return carry

    lax.fori_loop(0, _NB, a_loop, 0)


def _rank_fc1_call(x_raw, grn, ppi, w, b2d):
    x3 = x_raw.reshape(_B, 1, _N)
    ranks, fc1 = pl.pallas_call(
        _rank_body,
        grid=(_B,),
        in_specs=[
            pl.BlockSpec((1, 1, _N), lambda b: (b, 0, 0)),
            pl.BlockSpec((_GBF, _EMB), lambda b: (b, 0)),
            pl.BlockSpec((_GBF, _EMB), lambda b: (b, 0)),
            pl.BlockSpec((2 * _EMB, _EMB), lambda b: (0, 0)),
            pl.BlockSpec((1, _EMB), lambda b: (0, 0)),
        ],
        out_specs=[
            pl.BlockSpec((1, 1, _N), lambda b: (b, 0, 0)),
            pl.BlockSpec((_GBF, _EMB), lambda b: (b, 0)),
        ],
        out_shape=[
            jax.ShapeDtypeStruct((_B, 1, _N), jnp.int32),
            jax.ShapeDtypeStruct((_G, _EMB), jnp.float32),
        ],
        scratch_shapes=[
            pltpu.VMEM((1, _N), jnp.int32),
            pltpu.VMEM((_KB, _KB), jnp.float32),
        ],
    )(x3, grn, ppi, w, b2d)
    return ranks.reshape(_B, _N), fc1


_CH = 2048
_PC = 200
_PCX = 40


def _sc_select_gather(ranks, xraw, xind, xflat, fc1):
    mesh = plsc.VectorSubcoreMesh(core_axis_name="c", subcore_axis_name="s")
    core_rows = 2 * _TOP
    nchunks = core_rows // _PC

    @functools.partial(
        pl.kernel,
        mesh=mesh,
        compiler_params=pltpu.CompilerParams(needs_layout_passes=False),
        out_type=[
            jax.ShapeDtypeStruct((_RTOT, _D), jnp.float32),
            jax.ShapeDtypeStruct((_RTOT, _EMB), jnp.float32),
            jax.ShapeDtypeStruct((_RTOT,), jnp.float32),
            jax.ShapeDtypeStruct((_RTOT,), jnp.int32),
            jax.ShapeDtypeStruct((_RTOT,), jnp.int32),
        ],
        scratch_types=[
            pltpu.VMEM((_CH,), jnp.int32),
            pltpu.VMEM((_CH,), jnp.float32),
            pltpu.VMEM((_CH,), jnp.int32),
            pltpu.VMEM((_TOP,), jnp.int32),
            pltpu.VMEM((_TOP,), jnp.float32),
            pltpu.VMEM((_TOP,), jnp.int32),
            pltpu.VMEM((_PC,), jnp.int32),
            pltpu.VMEM((_PC,), jnp.int32),
            pltpu.VMEM((_PCX, _D), jnp.float32),
            pltpu.VMEM((_PCX, _D), jnp.float32),
            pltpu.VMEM((_PC, _EMB), jnp.float32),
            pltpu.SemaphoreType.DMA,
            pltpu.SemaphoreType.DMA,
            pltpu.SemaphoreType.DMA,
        ],
    )
    def k(ranks_h, xraw_h, xind_h, xflat_h, fc1_h,
          xg_h, sel_h, rg_h, tixs_h, tgis_h,
          rank_c, val_c, gid_c, tix, trg, tgi, idx_c, gidx_c,
          xrow_a, xrow_b, selb, sem_a, sem_b, sem_c):
        core = lax.axis_index("c")
        s = lax.axis_index("s")

        @pl.when(s < 2)
        def phase1():
            b = core * 2 + s
            base = b * _N

            def outer(cc, carry):
                off = base + cc * _CH
                pltpu.sync_copy(ranks_h.at[pl.ds(off, _CH)], rank_c)
                pltpu.sync_copy(xraw_h.at[pl.ds(off, _CH)], val_c)
                pltpu.sync_copy(xind_h.at[pl.ds(off, _CH)], gid_c)

                def inner(kk, carry2):
                    rv = rank_c[pl.ds(kk * 16, 16)]
                    vv = val_c[pl.ds(kk * 16, 16)]
                    gv = gid_c[pl.ds(kk * 16, 16)]
                    ig = (off + kk * 16
                          + lax.broadcasted_iota(jnp.int32, (16,), 0))
                    m = rv < _TOP
                    plsc.store_scatter(tix, [rv], ig, mask=m)
                    plsc.store_scatter(trg, [rv], vv, mask=m)
                    plsc.store_scatter(tgi, [rv], gv, mask=m)
                    return carry2

                lax.fori_loop(0, _CH // 16, inner, 0)
                return carry

            lax.fori_loop(0, _N // _CH, outer, 0)

            stage = core * core_rows + s * _TOP
            pltpu.sync_copy(tix, tixs_h.at[pl.ds(stage, _TOP)])
            pltpu.sync_copy(tgi, tgis_h.at[pl.ds(stage, _TOP)])
            pltpu.sync_copy(trg, rg_h.at[pl.ds(b * _TOP, _TOP)])

        plsc.subcore_barrier()

        for q in range(4):
            c = q * 16 + (15 - s)

            @pl.when(c < nchunks)
            def chunk():
                cbase = core * core_rows + c * _PC
                pltpu.sync_copy(tixs_h.at[pl.ds(cbase, _PC)], idx_c)
                pltpu.sync_copy(tgis_h.at[pl.ds(cbase, _PC)], gidx_c)
                selcp = pltpu.async_copy(fc1_h.at[gidx_c], selb, sem_c)
                nx = _PC // _PCX
                xbufs = (xrow_a, xrow_b)
                xsems = (sem_a, sem_b)
                cps = [None, None]
                cps[0] = pltpu.async_copy(
                    xflat_h.at[idx_c.at[pl.ds(0, _PCX)]], xrow_a, sem_a)
                for i in range(nx):
                    bsl = i % 2
                    if i + 1 < nx:
                        cps[(i + 1) % 2] = pltpu.async_copy(
                            xflat_h.at[idx_c.at[pl.ds((i + 1) * _PCX, _PCX)]],
                            xbufs[(i + 1) % 2], xsems[(i + 1) % 2])
                    cps[bsl].wait()
                    pltpu.sync_copy(xbufs[bsl],
                                    xg_h.at[pl.ds(cbase + i * _PCX, _PCX)])
                selcp.wait()
                pltpu.sync_copy(selb, sel_h.at[pl.ds(cbase, _PC)])

    return k(ranks, xraw, xind, xflat, fc1)


_RB = 800


def _mlp_body(xg_ref, sel_ref, rg_ref, wx_ref, ws_ref, wr_ref, cb_ref,
              t1w_ref, t1b_ref, t2w_ref, t2b_ref, lng_ref, lnb_ref,
              pw_ref, pb_ref, o_ref):
    r = rg_ref[...]
    h1 = jnp.maximum(r * t1w_ref[...] + t1b_ref[...], 0.0)
    remb = (jnp.dot(h1.astype(jnp.bfloat16),
                    t2w_ref[...].astype(jnp.bfloat16),
                    preferred_element_type=jnp.float32)
            + t2b_ref[...])
    h2 = (jnp.dot(xg_ref[...].astype(jnp.bfloat16),
                  wx_ref[...].astype(jnp.bfloat16),
                  preferred_element_type=jnp.float32)
          + jnp.dot(sel_ref[...].astype(jnp.bfloat16),
                    ws_ref[...].astype(jnp.bfloat16),
                    preferred_element_type=jnp.float32)
          + jnp.dot(remb.astype(jnp.bfloat16),
                    wr_ref[...].astype(jnp.bfloat16),
                    preferred_element_type=jnp.float32)
          + cb_ref[...])
    mu = jnp.mean(h2, axis=1, keepdims=True)
    d0 = h2 - mu
    var = jnp.mean(d0 * d0, axis=1, keepdims=True)
    hn = d0 * lax.rsqrt(var + 1e-5) * lng_ref[...] + lnb_ref[...]
    hg = hn * (1.0 / (1.0 + jnp.exp(-1.702 * hn)))
    o_ref[...] = (jnp.dot(hg.astype(jnp.bfloat16),
                          pw_ref[...].astype(jnp.bfloat16),
                          preferred_element_type=jnp.float32)
                  + pb_ref[...])


def _mlp_call(xg, sel, rg2d, wx, ws, wr, cb, t1w, t1b, t2w, t2b,
              lng, lnb, pw, pb):
    full = lambda shape: pl.BlockSpec(shape, lambda i: tuple(0 for _ in shape))
    return pl.pallas_call(
        _mlp_body,
        grid=(_RTOT // _RB,),
        in_specs=[
            pl.BlockSpec((_RB, _D), lambda i: (i, 0)),
            pl.BlockSpec((_RB, _EMB), lambda i: (i, 0)),
            pl.BlockSpec((_RB, 1), lambda i: (i, 0)),
            full((_D, _D)),
            full((_EMB, _D)),
            full((_EMB, _D)),
            full((1, _D)),
            full((1, 50)),
            full((1, 50)),
            full((50, _EMB)),
            full((1, _EMB)),
            full((1, _D)),
            full((1, _D)),
            full((_D, _D)),
            full((1, _D)),
        ],
        out_specs=pl.BlockSpec((_RB, _D), lambda i: (i, 0)),
        out_shape=jax.ShapeDtypeStruct((_RTOT, _D), jnp.float32),
    )(xg, sel, rg2d, wx, ws, wr, cb, t1w, t1b, t2w, t2b, lng, lnb, pw, pb)


def kernel(x, x_raw, x_indices, grn_emb, ppi_emb, fc1_w, fc1_b, t1_w, t1_b,
           t2_w, t2_b, cat_fc_w, cat_fc_b, ln_g, ln_b, proj_w, proj_b):
    ranks, fc1_out = _rank_fc1_call(x_raw, grn_emb, ppi_emb, fc1_w,
                                    fc1_b.reshape(1, _EMB))
    xg, sel, rg, _, _ = _sc_select_gather(
        ranks.reshape(-1),
        x_raw.reshape(-1),
        x_indices.reshape(-1),
        x.reshape(_B * _N, _D),
        fc1_out,
    )
    y = _mlp_call(
        xg, sel, rg.reshape(_RTOT, 1),
        cat_fc_w[:_D], cat_fc_w[_D:_D + _EMB], cat_fc_w[_D + _EMB:],
        cat_fc_b.reshape(1, _D), t1_w, t1_b.reshape(1, 50), t2_w,
        t2_b.reshape(1, _EMB), ln_g.reshape(1, _D), ln_b.reshape(1, _D),
        proj_w, proj_b.reshape(1, _D),
    )
    return y.reshape(_B, _TOP, _D)

# --- scband reference (transcript-rebuilt; emitter-appended) ---
"""Pipeline reference for scband-gene-gene-operator-8022998909685 (READ-ONLY COPY).

The authoritative reference and input builder live on the scoring server;
editing this copy changes nothing except your own understanding.
"""

import jax, jax.numpy as jnp
import numpy as np

G = 17911
B, N, D = 4, 8192, 768
EMB = 128
TOP = 5000

def setup_inputs(seed: int = 0) -> dict:
    key = jax.random.key(seed)
    ks = jax.random.split(key, 20)
    s = 0.02
    inp = {}
    inp['x'] = jax.random.normal(ks[0], (B, N, D), dtype=jnp.float32)
    inp['x_raw'] = jax.random.normal(ks[1], (B, N), dtype=jnp.float32)
    inp['x_indices'] = jax.random.randint(ks[2], (B, N), 0, G, dtype=jnp.int32)
    # learned params
    inp['grn_emb'] = jax.random.normal(ks[3], (G, EMB), dtype=jnp.float32) * s
    inp['ppi_emb'] = jax.random.normal(ks[4], (G, EMB), dtype=jnp.float32) * s
    inp['fc1_w'] = jax.random.normal(ks[5], (256, 128), dtype=jnp.float32) * s
    inp['fc1_b'] = jnp.zeros((128,), dtype=jnp.float32)
    # TwoLayerMLP token_emb: 1 -> 50 -> 128
    inp['t1_w'] = jax.random.normal(ks[6], (1, 50), dtype=jnp.float32) * s
    inp['t1_b'] = jnp.zeros((50,), dtype=jnp.float32)
    inp['t2_w'] = jax.random.normal(ks[7], (50, 128), dtype=jnp.float32) * s
    inp['t2_b'] = jnp.zeros((128,), dtype=jnp.float32)
    # concat_embeddings: Linear(768+128+128 -> 768), LayerNorm, QuickGELU, Linear(768 -> 768)
    inp['cat_fc_w'] = jax.random.normal(ks[8], (D + 128 + 128, D), dtype=jnp.float32) * s
    inp['cat_fc_b'] = jnp.zeros((D,), dtype=jnp.float32)
    inp['ln_g'] = jnp.ones((D,), dtype=jnp.float32)
    inp['ln_b'] = jnp.zeros((D,), dtype=jnp.float32)
    inp['proj_w'] = jax.random.normal(ks[9], (D, D), dtype=jnp.float32) * s
    inp['proj_b'] = jnp.zeros((D,), dtype=jnp.float32)
    return inp

def reference(x, x_raw, x_indices, grn_emb, ppi_emb, fc1_w, fc1_b, t1_w, t1_b, t2_w, t2_b, cat_fc_w, cat_fc_b, ln_g, ln_b, proj_w, proj_b):
    # token_emb(x_raw.unsqueeze(2)) -> TwoLayerMLP (relu between layers)
    h = jnp.maximum(x_raw[..., None] @ t1_w + t1_b, 0.0)
    x_raw_emb = h @ t2_w + t2_b  # [B, N, 128]
    # gene_emb = cat([grn, ppi], dim=1) -> [G, 256]; fc1 -> [G, 128]
    gene_emb = jnp.concatenate([grn_emb, ppi_emb], axis=1)
    fc1_out = gene_emb @ fc1_w + fc1_b
    # selected_emb = fc1_out[arange(B)[:,None], x_indices] (fc1_out identical per batch)
    selected = jnp.take(fc1_out, x_indices, axis=0)  # [B, N, 128]
    # x = cat([x, selected_emb], dim=2) then concat with raw-expression embedding
    xc = jnp.concatenate([x, selected, x_raw_emb], axis=2)  # [B, N, 1024]
    # concat_embeddings: Linear -> LayerNorm -> QuickGELU -> Linear
    h2 = xc @ cat_fc_w + cat_fc_b
    mu = jnp.mean(h2, axis=-1, keepdims=True)
    var = jnp.var(h2, axis=-1, keepdims=True)
    h2 = (h2 - mu) / jnp.sqrt(var + 1e-5) * ln_g + ln_b
    h2 = h2 * jax.nn.sigmoid(1.702 * h2)
    merged = h2 @ proj_w + proj_b  # [B, N, 768]
    # top-k masking: keep top_seq_len genes by raw expression
    _, top_idx = jax.lax.top_k(x_raw, TOP)
    top = jnp.take_along_axis(merged, top_idx[..., None], axis=1)  # [B, TOP, 768]
    return top

if __name__ == "__main__":
    import jax
    _d = setup_inputs()
    print(jax.jit(kernel)(*tuple(_d.values())))

</pallas_src>

<mosaic_0001>
#map = affine_map<(d0, d1) -> (0)>
#map1 = affine_map<(d0, d1) -> (0, 0)>
module attributes {stable_mosaic.version = 14 : i64} {
  func.func @k(%arg0: i32, %arg1: i32, %arg2: memref<32768xi32, #tpu.memory_space<hbm>>, %arg3: memref<32768xf32, #tpu.memory_space<hbm>>, %arg4: memref<32768xi32, #tpu.memory_space<hbm>>, %arg5: memref<32768x768xf32, #tpu.memory_space<hbm>>, %arg6: memref<17911x128xf32, #tpu.memory_space<hbm>>, %arg7: memref<20000x768xf32, #tpu.memory_space<hbm>>, %arg8: memref<20000x128xf32, #tpu.memory_space<hbm>>, %arg9: memref<20000xf32, #tpu.memory_space<hbm>>, %arg10: memref<20000xi32, #tpu.memory_space<hbm>>, %arg11: memref<20000xi32, #tpu.memory_space<hbm>>, %arg12: memref<2048xi32, #tpu.memory_space<vmem>>, %arg13: memref<2048xf32, #tpu.memory_space<vmem>>, %arg14: memref<2048xi32, #tpu.memory_space<vmem>>, %arg15: memref<5000xi32, #tpu.memory_space<vmem>>, %arg16: memref<5000xf32, #tpu.memory_space<vmem>>, %arg17: memref<5000xi32, #tpu.memory_space<vmem>>, %arg18: memref<200xi32, #tpu.memory_space<vmem>>, %arg19: memref<200xi32, #tpu.memory_space<vmem>>, %arg20: memref<40x768xf32, #tpu.memory_space<vmem>>, %arg21: memref<40x768xf32, #tpu.memory_space<vmem>>, %arg22: memref<200x128xf32, #tpu.memory_space<vmem>>, %arg23: memref<!tpu.dma_semaphore, #tpu.memory_space<semaphore_mem>>, %arg24: memref<!tpu.dma_semaphore, #tpu.memory_space<semaphore_mem>>, %arg25: memref<!tpu.dma_semaphore, #tpu.memory_space<semaphore_mem>>) attributes {dimension_semantics = [#tpu.dimension_semantics<core_parallel>, #tpu.dimension_semantics<subcore_parallel>], iteration_bounds = array<i64: 2, 16>, scalar_prefetch = 0 : i64, scratch_operands = 14 : i64, tpu.core_type = #tpu.core_type<sc_vector_subcore>, window_params = [{transform_indices = #map}, {transform_indices = #map}, {transform_indices = #map}, {transform_indices = #map1}, {transform_indices = #map1}, {transform_indices = #map1}, {transform_indices = #map1}, {transform_indices = #map}, {transform_indices = #map}, {transform_indices = #map}]} {
    %lt3A = arith.constant 2 : i32
    %lt3A_0 = arith.cmpi slt, %arg1, %lt3A : i32
    %convert_element_type3A = arith.extui %lt3A_0 : i1 to i32
    %cond3A = arith.constant 0 : i32
    %cond3A_1 = arith.cmpi ne, %convert_element_type3A, %cond3A : i32
    scf.if %cond3A_1 {
      %mul3A = arith.constant 2 : i32
      %mul3A_36 = arith.muli %arg0, %mul3A : i32
      %add3A_37 = arith.addi %mul3A_36, %arg1 : i32
      %mul3A_38 = arith.constant 8192 : i32
      %mul3A_39 = arith.muli %add3A_37, %mul3A_38 : i32
      %scan3A = arith.constant 0 : i32
      %scan3A_40 = arith.constant 0 : i32
      %scan3A_41 = arith.constant 4 : i32
      %scan3A_42 = arith.addi %scan3A_40, %scan3A_41 : i32
      %scan3A_43 = arith.constant 1 : i32
      scf.for %scan3A_52 = %scan3A_40 to %scan3A_42 step %scan3A_43  : i32 {
        %mul3A_53 = arith.constant 2048 : i32
        %mul3A_54 = arith.muli %scan3A_52, %mul3A_53 : i32
        %add3A_55 = arith.addi %mul3A_39, %mul3A_54 : i32
        "tpu.region"() ({
          %run_scoped3A = tpu.sem_alloc : memref<!tpu.dma_semaphore, #tpu.memory_space<semaphore_mem>>
          %dma_start3A = tpu.memref_slice %arg2[%add3A_55] : memref<32768xi32, #tpu.memory_space<hbm>> -> memref<2048xi32, #tpu.memory_space<hbm>>
          %dma_start3A_62 = tpu.memref_slice %arg2[%add3A_55] : memref<32768xi32, #tpu.memory_space<hbm>> -> memref<2048xi32, #tpu.memory_space<hbm>>
          tpu.enqueue_dma source(%dma_start3A_62 : memref<2048xi32, #tpu.memory_space<hbm>>) target(%arg12 : memref<2048xi32, #tpu.memory_space<vmem>>) target_semaphore(%run_scoped3A : memref<!tpu.dma_semaphore, #tpu.memory_space<semaphore_mem>>)
          %dma_wait3A = tpu.memref_slice %arg2[%add3A_55] : memref<32768xi32, #tpu.memory_space<hbm>> -> memref<2048xi32, #tpu.memory_space<hbm>>
          %dma_wait3A_63 = tpu.memref_slice %arg2[%add3A_55] : memref<32768xi32, #tpu.memory_space<hbm>> -> memref<2048xi32, #tpu.memory_space<hbm>>
          tpu.wait_dma2 semaphore(%run_scoped3A : memref<!tpu.dma_semaphore, #tpu.memory_space<semaphore_mem>>) src(%dma_wait3A_63 : memref<2048xi32, #tpu.memory_space<hbm>>) dst(%arg12 : memref<2048xi32, #tpu.memory_space<vmem>>)
          tpu.yield
        }) : () -> ()
        "tpu.region"() ({
          %run_scoped3A = tpu.sem_alloc : memref<!tpu.dma_semaphore, #tpu.memory_space<semaphore_mem>>
          %dma_start3A = tpu.memref_slice %arg3[%add3A_55] : memref<32768xf32, #tpu.memory_space<hbm>> -> memref<2048xf32, #tpu.memory_space<hbm>>
          %dma_start3A_62 = tpu.memref_slice %arg3[%add3A_55] : memref<32768xf32, #tpu.memory_space<hbm>> -> memref<2048xf32, #tpu.memory_space<hbm>>
          tpu.enqueue_dma source(%dma_start3A_62 : memref<2048xf32, #tpu.memory_space<hbm>>) target(%arg13 : memref<2048xf32, #tpu.memory_space<vmem>>) target_semaphore(%run_scoped3A : memref<!tpu.dma_semaphore, #tpu.memory_space<semaphore_mem>>)
          %dma_wait3A = tpu.memref_slice %arg3[%add3A_55] : memref<32768xf32, #tpu.memory_space<hbm>> -> memref<2048xf32, #tpu.memory_space<hbm>>
          %dma_wait3A_63 = tpu.memref_slice %arg3[%add3A_55] : memref<32768xf32, #tpu.memory_space<hbm>> -> memref<2048xf32, #tpu.memory_space<hbm>>
          tpu.wait_dma2 semaphore(%run_scoped3A : memref<!tpu.dma_semaphore, #tpu.memory_space<semaphore_mem>>) src(%dma_wait3A_63 : memref<2048xf32, #tpu.memory_space<hbm>>) dst(%arg13 : memref<2048xf32, #tpu.memory_space<vmem>>)
          tpu.yield
        }) : () -> ()
        "tpu.region"() ({
          %run_scoped3A = tpu.sem_alloc : memref<!tpu.dma_semaphore, #tpu.memory_space<semaphore_mem>>
          %dma_start3A = tpu.memref_slice %arg4[%add3A_55] : memref<32768xi32, #tpu.memory_space<hbm>> -> memref<2048xi32, #tpu.memory_space<hbm>>
          %dma_start3A_62 = tpu.memref_slice %arg4[%add3A_55] : memref<32768xi32, #tpu.memory_space<hbm>> -> memref<2048xi32, #tpu.memory_space<hbm>>
          tpu.enqueue_dma source(%dma_start3A_62 : memref<2048xi32, #tpu.memory_space<hbm>>) target(%arg14 : memref<2048xi32, #tpu.memory_space<vmem>>) target_semaphore(%run_scoped3A : memref<!tpu.dma_semaphore, #tpu.memory_space<semaphore_mem>>)
          %dma_wait3A = tpu.memref_slice %arg4[%add3A_55] : memref<32768xi32, #tpu.memory_space<hbm>> -> memref<2048xi32, #tpu.memory_space<hbm>>
          %dma_wait3A_63 = tpu.memref_slice %arg4[%add3A_55] : memref<32768xi32, #tpu.memory_space<hbm>> -> memref<2048xi32, #tpu.memory_space<hbm>>
          tpu.wait_dma2 semaphore(%run_scoped3A : memref<!tpu.dma_semaphore, #tpu.memory_space<semaphore_mem>>) src(%dma_wait3A_63 : memref<2048xi32, #tpu.memory_space<hbm>>) dst(%arg14 : memref<2048xi32, #tpu.memory_space<vmem>>)
          tpu.yield
        }) : () -> ()
        %scan3A_56 = arith.constant 0 : i32
        %scan3A_57 = arith.constant 0 : i32
        %scan3A_58 = arith.constant 128 : i32
        %scan3A_59 = arith.addi %scan3A_57, %scan3A_58 : i32
        %scan3A_60 = arith.constant 1 : i32
        scf.for %scan3A_62 = %scan3A_57 to %scan3A_59 step %scan3A_60  : i32 {
          %mul3A_63 = arith.constant 16 : i32
          %mul3A_64 = arith.muli %scan3A_62, %mul3A_63 : i32
          %get3A = arith.index_cast %mul3A_64 : i32 to index
          %get3A_65 = tpu.vector_load %arg12[%get3A] {strides = array<i32>} : memref<2048xi32, #tpu.memory_space<vmem>>, vector<16xi32>,
          %mul3A_66 = arith.constant 16 : i32
          %mul3A_67 = arith.muli %scan3A_62, %mul3A_66 : i32
          %get3A_68 = arith.index_cast %mul3A_67 : i32 to index
          %get3A_69 = tpu.vector_load %arg13[%get3A_68] {strides = array<i32>} : memref<2048xf32, #tpu.memory_space<vmem>>, vector<16xf32>,
          %mul3A_70 = arith.constant 16 : i32
          %mul3A_71 = arith.muli %scan3A_62, %mul3A_70 : i32
          %get3A_72 = arith.index_cast %mul3A_71 : i32 to index
          %get3A_73 = tpu.vector_load %arg14[%get3A_72] {strides = array<i32>} : memref<2048xi32, #tpu.memory_space<vmem>>, vector<16xi32>,
          %mul3A_74 = arith.constant 16 : i32
          %mul3A_75 = arith.muli %scan3A_62, %mul3A_74 : i32
          %add3A_76 = arith.addi %add3A_55, %mul3A_75 : i32
          %iota3A = tpu.iota {dimensions = array<i32: 0>} : vector<16xi32>
          %add3A_77 = vector.broadcast %add3A_76 : i32 to vector<16xi32>
          %add3A_78 = arith.addi %add3A_77, %iota3A : vector<16xi32>
          %lt3A_79 = arith.constant 5000 : i32
          %lt3A_80 = vector.broadcast %lt3A_79 : i32 to vector<16xi32>
          %lt3A_81 = arith.cmpi slt, %get3A_65, %lt3A_80 : vector<16xi32>
          tpu.vector_store_idx %arg15[%get3A_65], %add3A_78 masked %lt3A_81 : memref<5000xi32, #tpu.memory_space<vmem>>[vector<16xi32>], vector<16xi32>, vector<16xi1>
          tpu.vector_store_idx %arg16[%get3A_65], %get3A_69 masked %lt3A_81 : memref<5000xf32, #tpu.memory_space<vmem>>[vector<16xi32>], vector<16xf32>, vector<16xi1>
          tpu.vector_store_idx %arg17[%get3A_65], %get3A_73 masked %lt3A_81 : memref<5000xi32, #tpu.memory_space<vmem>>[vector<16xi32>], vector<16xi32>, vector<16xi1>
        }
        %scan3A_61 = arith.constant 128 : i32
      }
      %scan3A_44 = arith.constant 4 : i32
      %mul3A_45 = arith.constant 10000 : i32
      %mul3A_46 = arith.muli %arg0, %mul3A_45 : i32
      %mul3A_47 = arith.constant 5000 : i32
      %mul3A_48 = arith.muli %arg1, %mul3A_47 : i32
      %add3A_49 = arith.addi %mul3A_46, %mul3A_48 : i32
      "tpu.region"() ({
        %run_scoped3A = tpu.sem_alloc : memref<!tpu.dma_semaphore, #tpu.memory_space<semaphore_mem>>
        %dma_start3A = tpu.memref_slice %arg10[%add3A_49] : memref<20000xi32, #tpu.memory_space<hbm>> -> memref<5000xi32, #tpu.memory_space<hbm>>
        %dma_start3A_52 = tpu.memref_slice %arg10[%add3A_49] : memref<20000xi32, #tpu.memory_space<hbm>> -> memref<5000xi32, #tpu.memory_space<hbm>>
        tpu.enqueue_dma source(%arg15 : memref<5000xi32, #tpu.memory_space<vmem>>) target(%dma_start3A_52 : memref<5000xi32, #tpu.memory_space<hbm>>) target_semaphore(%run_scoped3A : memref<!tpu.dma_semaphore, #tpu.memory_space<semaphore_mem>>)
        %dma_wait3A = tpu.memref_slice %arg10[%add3A_49] : memref<20000xi32, #tpu.memory_space<hbm>> -> memref<5000xi32, #tpu.memory_space<hbm>>
        %dma_wait3A_53 = tpu.memref_slice %arg10[%add3A_49] : memref<20000xi32, #tpu.memory_space<hbm>> -> memref<5000xi32, #tpu.memory_space<hbm>>
        tpu.wait_dma2 semaphore(%run_scoped3A : memref<!tpu.dma_semaphore, #tpu.memory_space<semaphore_mem>>) src(%arg15 : memref<5000xi32, #tpu.memory_space<vmem>>) dst(%dma_wait3A_53 : memref<5000xi32, #tpu.memory_space<hbm>>)
        tpu.yield
      }) : () -> ()
      "tpu.region"() ({
        %run_scoped3A = tpu.sem_alloc : memref<!tpu.dma_semaphore, #tpu.memory_space<semaphore_mem>>
        %dma_start3A = tpu.memref_slice %arg11[%add3A_49] : memref<20000xi32, #tpu.memory_space<hbm>> -> memref<5000xi32, #tpu.memory_space<hbm>>
        %dma_start3A_52 = tpu.memref_slice %arg11[%add3A_49] : memref<20000xi32, #tpu.memory_space<hbm>> -> memref<5000xi32, #tpu.memory_space<hbm>>
        tpu.enqueue_dma source(%arg17 : memref<5000xi32, #tpu.memory_space<vmem>>) target(%dma_start3A_52 : memref<5000xi32, #tpu.memory_space<hbm>>) target_semaphore(%run_scoped3A : memref<!tpu.dma_semaphore, #tpu.memory_space<semaphore_mem>>)
        %dma_wait3A = tpu.memref_slice %arg11[%add3A_49] : memref<20000xi32, #tpu.memory_space<hbm>> -> memref<5000xi32, #tpu.memory_space<hbm>>
        %dma_wait3A_53 = tpu.memref_slice %arg11[%add3A_49] : memref<20000xi32, #tpu.memory_space<hbm>> -> memref<5000xi32, #tpu.memory_space<hbm>>
        tpu.wait_dma2 semaphore(%run_scoped3A : memref<!tpu.dma_semaphore, #tpu.memory_space<semaphore_mem>>) src(%arg17 : memref<5000xi32, #tpu.memory_space<vmem>>) dst(%dma_wait3A_53 : memref<5000xi32, #tpu.memory_space<hbm>>)
        tpu.yield
      }) : () -> ()
      %mul3A_50 = arith.constant 5000 : i32
      %mul3A_51 = arith.muli %add3A_37, %mul3A_50 : i32
      "tpu.region"() ({
        %run_scoped3A = tpu.sem_alloc : memref<!tpu.dma_semaphore, #tpu.memory_space<semaphore_mem>>
        %dma_start3A = tpu.memref_slice %arg9[%mul3A_51] : memref<20000xf32, #tpu.memory_space<hbm>> -> memref<5000xf32, #tpu.memory_space<hbm>>
        %dma_start3A_52 = tpu.memref_slice %arg9[%mul3A_51] : memref<20000xf32, #tpu.memory_space<hbm>> -> memref<5000xf32, #tpu.memory_space<hbm>>
        tpu.enqueue_dma source(%arg16 : memref<5000xf32, #tpu.memory_space<vmem>>) target(%dma_start3A_52 : memref<5000xf32, #tpu.memory_space<hbm>>) target_semaphore(%run_scoped3A : memref<!tpu.dma_semaphore, #tpu.memory_space<semaphore_mem>>)
        %dma_wait3A = tpu.memref_slice %arg9[%mul3A_51] : memref<20000xf32, #tpu.memory_space<hbm>> -> memref<5000xf32, #tpu.memory_space<hbm>>
        %dma_wait3A_53 = tpu.memref_slice %arg9[%mul3A_51] : memref<20000xf32, #tpu.memory_space<hbm>> -> memref<5000xf32, #tpu.memory_space<hbm>>
        tpu.wait_dma2 semaphore(%run_scoped3A : memref<!tpu.dma_semaphore, #tpu.memory_space<semaphore_mem>>) src(%arg16 : memref<5000xf32, #tpu.memory_space<vmem>>) dst(%dma_wait3A_53 : memref<5000xf32, #tpu.memory_space<hbm>>)
        tpu.yield
      }) : () -> ()
    } else {
    }
    %barrier3A = arith.constant 0 : index
    tpu.barrier barrier_id(%barrier3A)
    %sub3A = arith.constant 15 : i32
    %sub3A_2 = arith.subi %sub3A, %arg1 : i32
    %add3A = arith.constant 0 : i32
    %add3A_3 = arith.addi %add3A, %sub3A_2 : i32
    %lt3A_4 = arith.constant 50 : i32
    %lt3A_5 = arith.cmpi slt, %add3A_3, %lt3A_4 : i32
    %convert_element_type3A_6 = arith.extui %lt3A_5 : i1 to i32
    %cond3A_7 = arith.constant 0 : i32
    %cond3A_8 = arith.cmpi ne, %convert_element_type3A_6, %cond3A_7 : i32
    scf.if %cond3A_8 {
      %mul3A = arith.constant 10000 : i32
      %mul3A_36 = arith.muli %arg0, %mul3A : i32
      %mul3A_37 = arith.constant 200 : i32
      %mul3A_38 = arith.muli %add3A_3, %mul3A_37 : i32
      %add3A_39 = arith.addi %mul3A_36, %mul3A_38 : i32
      "tpu.region"() ({
        %run_scoped3A = tpu.sem_alloc : memref<!tpu.dma_semaphore, #tpu.memory_space<semaphore_mem>>
        %dma_start3A_104 = tpu.memref_slice %arg10[%add3A_39] : memref<20000xi32, #tpu.memory_space<hbm>> -> memref<200xi32, #tpu.memory_space<hbm>>
        %dma_start3A_105 = tpu.memref_slice %arg10[%add3A_39] : memref<20000xi32, #tpu.memory_space<hbm>> -> memref<200xi32, #tpu.memory_space<hbm>>
        tpu.enqueue_dma source(%dma_start3A_105 : memref<200xi32, #tpu.memory_space<hbm>>) target(%arg18 : memref<200xi32, #tpu.memory_space<vmem>>) target_semaphore(%run_scoped3A : memref<!tpu.dma_semaphore, #tpu.memory_space<semaphore_mem>>)
        %dma_wait3A_106 = tpu.memref_slice %arg10[%add3A_39] : memref<20000xi32, #tpu.memory_space<hbm>> -> memref<200xi32, #tpu.memory_space<hbm>>
        %dma_wait3A_107 = tpu.memref_slice %arg10[%add3A_39] : memref<20000xi32, #tpu.memory_space<hbm>> -> memref<200xi32, #tpu.memory_space<hbm>>
        tpu.wait_dma2 semaphore(%run_scoped3A : memref<!tpu.dma_semaphore, #tpu.memory_space<semaphore_mem>>) src(%dma_wait3A_107 : memref<200xi32, #tpu.memory_space<hbm>>) dst(%arg18 : memref<200xi32, #tpu.memory_space<vmem>>)
        tpu.yield
      }) : () -> ()
      "tpu.region"() ({
        %run_scoped3A = tpu.sem_alloc : memref<!tpu.dma_semaphore, #tpu.memory_space<semaphore_mem>>
        %dma_start3A_104 = tpu.memref_slice %arg11[%add3A_39] : memref<20000xi32, #tpu.memory_space<hbm>> -> memref<200xi32, #tpu.memory_space<hbm>>
        %dma_start3A_105 = tpu.memref_slice %arg11[%add3A_39] : memref<20000xi32, #tpu.memory_space<hbm>> -> memref<200xi32, #tpu.memory_space<hbm>>
        tpu.enqueue_dma source(%dma_start3A_105 : memref<200xi32, #tpu.memory_space<hbm>>) target(%arg19 : memref<200xi32, #tpu.memory_space<vmem>>) target_semaphore(%run_scoped3A : memref<!tpu.dma_semaphore, #tpu.memory_space<semaphore_mem>>)
        %dma_wait3A_106 = tpu.memref_slice %arg11[%add3A_39] : memref<20000xi32, #tpu.memory_space<hbm>> -> memref<200xi32, #tpu.memory_space<hbm>>
        %dma_wait3A_107 = tpu.memref_slice %arg11[%add3A_39] : memref<20000xi32, #tpu.memory_space<hbm>> -> memref<200xi32, #tpu.memory_space<hbm>>
        tpu.wait_dma2 semaphore(%run_scoped3A : memref<!tpu.dma_semaphore, #tpu.memory_space<semaphore_mem>>) src(%dma_wait3A_107 : memref<200xi32, #tpu.memory_space<hbm>>) dst(%arg19 : memref<200xi32, #tpu.memory_space<vmem>>)
        tpu.yield
      }) : () -> ()
      %dma_start3A = arith.constant 0 : i32
      %dma_start3A_40 = arith.constant 0 : i32
      %dma_start3A_41 = tpu.memref_slice %arg6[%dma_start3A, %dma_start3A_40] : memref<17911x128xf32, #tpu.memory_space<hbm>> -> memref<17911x128xf32, #tpu.memory_space<hbm>>
      tpu.enqueue_indirect_dma source(%dma_start3A_41 : memref<17911x128xf32, #tpu.memory_space<hbm>>) target(%arg22 : memref<200x128xf32, #tpu.memory_space<vmem>>) offsets(%arg19 : memref<200xi32, #tpu.memory_space<vmem>>) semaphore(%arg25 : memref<!tpu.dma_semaphore, #tpu.memory_space<semaphore_mem>>)
      %dma_start3A_42 = arith.constant 0 : i32
      %dma_start3A_43 = tpu.memref_slice %arg18[%dma_start3A_42] : memref<200xi32, #tpu.memory_space<vmem>> -> memref<40xi32, #tpu.memory_space<vmem>>
      %dma_start3A_44 = arith.constant 0 : i32
      %dma_start3A_45 = arith.constant 0 : i32
      %dma_start3A_46 = tpu.memref_slice %arg5[%dma_start3A_44, %dma_start3A_45] : memref<32768x768xf32, #tpu.memory_space<hbm>> -> memref<32768x768xf32, #tpu.memory_space<hbm>>
      tpu.enqueue_indirect_dma source(%dma_start3A_46 : memref<32768x768xf32, #tpu.memory_space<hbm>>) target(%arg20 : memref<40x768xf32, #tpu.memory_space<vmem>>) offsets(%dma_start3A_43 : memref<40xi32, #tpu.memory_space<vmem>>) semaphore(%arg23 : memref<!tpu.dma_semaphore, #tpu.memory_space<semaphore_mem>>)
      %dma_start3A_47 = arith.constant 40 : i32
      %dma_start3A_48 = tpu.memref_slice %arg18[%dma_start3A_47] : memref<200xi32, #tpu.memory_space<vmem>> -> memref<40xi32, #tpu.memory_space<vmem>>
      %dma_start3A_49 = arith.constant 0 : i32
      %dma_start3A_50 = arith.constant 0 : i32
      %dma_start3A_51 = tpu.memref_slice %arg5[%dma_start3A_49, %dma_start3A_50] : memref<32768x768xf32, #tpu.memory_space<hbm>> -> memref<32768x768xf32, #tpu.memory_space<hbm>>
      tpu.enqueue_indirect_dma source(%dma_start3A_51 : memref<32768x768xf32, #tpu.memory_space<hbm>>) target(%arg21 : memref<40x768xf32, #tpu.memory_space<vmem>>) offsets(%dma_start3A_48 : memref<40xi32, #tpu.memory_space<vmem>>) semaphore(%arg24 : memref<!tpu.dma_semaphore, #tpu.memory_space<semaphore_mem>>)
      %dma_wait3A = arith.constant 0 : i32
      %dma_wait3A_52 = tpu.memref_slice %arg18[%dma_wait3A] : memref<200xi32, #tpu.memory_space<vmem>> -> memref<40xi32, #tpu.memory_space<vmem>>
      %dma_wait3A_53 = arith.constant 0 : i32
      %dma_wait3A_54 = arith.constant 0 : i32
      %dma_wait3A_55 = tpu.memref_slice %arg5[%dma_wait3A_53, %dma_wait3A_54] : memref<32768x768xf32, #tpu.memory_space<hbm>> -> memref<32768x768xf32, #tpu.memory_space<hbm>>
      tpu.wait_indirect_dma semaphore(%arg23 : memref<!tpu.dma_semaphore, #tpu.memory_space<semaphore_mem>>) src(%dma_wait3A_55 : memref<32768x768xf32, #tpu.memory_space<hbm>>) dst(%arg20 : memref<40x768xf32, #tpu.memory_space<vmem>>)
      %add3A_56 = arith.constant 0 : i32
      %add3A_57 = arith.addi %add3A_39, %add3A_56 : i32
      "tpu.region"() ({
        %run_scoped3A = tpu.sem_alloc : memref<!tpu.dma_semaphore, #tpu.memory_space<semaphore_mem>>
        %dma_start3A_104 = arith.constant 0 : i32
        %dma_start3A_105 = tpu.memref_slice %arg7[%add3A_57, %dma_start3A_104] : memref<20000x768xf32, #tpu.memory_space<hbm>> -> memref<40x768xf32, #tpu.memory_space<hbm>>
        %dma_start3A_106 = arith.constant 0 : i32
        %dma_start3A_107 = tpu.memref_slice %arg7[%add3A_57, %dma_start3A_106] : memref<20000x768xf32, #tpu.memory_space<hbm>> -> memref<40x768xf32, #tpu.memory_space<hbm>>
        tpu.enqueue_dma source(%arg20 : memref<40x768xf32, #tpu.memory_space<vmem>>) target(%dma_start3A_107 : memref<40x768xf32, #tpu.memory_space<hbm>>) target_semaphore(%run_scoped3A : memref<!tpu.dma_semaphore, #tpu.memory_space<semaphore_mem>>)
        %dma_wait3A_108 = arith.constant 0 : i32
        %dma_wait3A_109 = tpu.memref_slice %arg7[%add3A_57, %dma_wait3A_108] : memref<20000x768xf32, #tpu.memory_space<hbm>> -> memref<40x768xf32, #tpu.memory_space<hbm>>
        %dma_wait3A_110 = arith.constant 0 : i32
        %dma_wait3A_111 = tpu.memref_slice %arg7[%add3A_57, %dma_wait3A_110] : memref<20000x768xf32, #tpu.memory_space<hbm>> -> memref<40x768xf32, #tpu.memory_space<hbm>>
        tpu.wait_dma2 semaphore(%run_scoped3A : memref<!tpu.dma_semaphore, #tpu.memory_space<semaphore_mem>>) src(%arg20 : memref<40x768xf32, #tpu.memory_space<vmem>>) dst(%dma_wait3A_111 : memref<40x768xf32, #tpu.memory_space<hbm>>)
        tpu.yield
      }) : () -> ()
      %dma_start3A_58 = arith.constant 80 : i32
      %dma_start3A_59 = tpu.memref_slice %arg18[%dma_start3A_58] : memref<200xi32, #tpu.memory_space<vmem>> -> memref<40xi32, #tpu.memory_space<vmem>>
      %dma_start3A_60 = arith.constant 0 : i32
      %dma_start3A_61 = arith.constant 0 : i32
      %dma_start3A_62 = tpu.memref_slice %arg5[%dma_start3A_60, %dma_start3A_61] : memref<32768x768xf32, #tpu.memory_space<hbm>> -> memref<32768x768xf32, #tpu.memory_space<hbm>>
      tpu.enqueue_indirect_dma source(%dma_start3A_62 : memref<32768x768xf32, #tpu.memory_space<hbm>>) target(%arg20 : memref<40x768xf32, #tpu.memory_space<vmem>>) offsets(%dma_start3A_59 : memref<40xi32, #tpu.memory_space<vmem>>) semaphore(%arg23 : memref<!tpu.dma_semaphore, #tpu.memory_space<semaphore_mem>>)
      %dma_wait3A_63 = arith.constant 40 : i32
      %dma_wait3A_64 = tpu.memref_slice %arg18[%dma_wait3A_63] : memref<200xi32, #tpu.memory_space<vmem>> -> memref<40xi32, #tpu.memory_space<vmem>>
      %dma_wait3A_65 = arith.constant 0 : i32
      %dma_wait3A_66 = arith.constant 0 : i32
      %dma_wait3A_67 = tpu.memref_slice %arg5[%dma_wait3A_65, %dma_wait3A_66] : memref<32768x768xf32, #tpu.memory_space<hbm>> -> memref<32768x768xf32, #tpu.memory_space<hbm>>
      tpu.wait_indirect_dma semaphore(%arg24 : memref<!tpu.dma_semaphore, #tpu.memory_space<semaphore_mem>>) src(%dma_wait3A_67 : memref<32768x768xf32, #tpu.memory_space<hbm>>) dst(%arg21 : memref<40x768xf32, #tpu.memory_space<vmem>>)
      %add3A_68 = arith.constant 40 : i32
      %add3A_69 = arith.addi %add3A_39, %add3A_68 : i32
      "tpu.region"() ({
        %run_scoped3A = tpu.sem_alloc : memref<!tpu.dma_semaphore, #tpu.memory_space<semaphore_mem>>
        %dma_start3A_104 = arith.constant 0 : i32
        %dma_start3A_105 = tpu.memref_slice %arg7[%add3A_69, %dma_start3A_104] : memref<20000x768xf32, #tpu.memory_space<hbm>> -> memref<40x768xf32, #tpu.memory_space<hbm>>
        %dma_start3A_106 = arith.constant 0 : i32
        %dma_start3A_107 = tpu.memref_slice %arg7[%add3A_69, %dma_start3A_106] : memref<20000x768xf32, #tpu.memory_space<hbm>> -> memref<40x768xf32, #tpu.memory_space<hbm>>
        tpu.enqueue_dma source(%arg21 : memref<40x768xf32, #tpu.memory_space<vmem>>) target(%dma_start3A_107 : memref<40x768xf32, #tpu.memory_space<hbm>>) target_semaphore(%run_scoped3A : memref<!tpu.dma_semaphore, #tpu.memory_space<semaphore_mem>>)
        %dma_wait3A_108 = arith.constant 0 : i32
        %dma_wait3A_109 = tpu.memref_slice %arg7[%add3A_69, %dma_wait3A_108] : memref<20000x768xf32, #tpu.memory_space<hbm>> -> memref<40x768xf32, #tpu.memory_space<hbm>>
        %dma_wait3A_110 = arith.constant 0 : i32
        %dma_wait3A_111 = tpu.memref_slice %arg7[%add3A_69, %dma_wait3A_110] : memref<20000x768xf32, #tpu.memory_space<hbm>> -> memref<40x768xf32, #tpu.memory_space<hbm>>
        tpu.wait_dma2 semaphore(%run_scoped3A : memref<!tpu.dma_semaphore, #tpu.memory_space<semaphore_mem>>) src(%arg21 : memref<40x768xf32, #tpu.memory_space<vmem>>) dst(%dma_wait3A_111 : memref<40x768xf32, #tpu.memory_space<hbm>>)
        tpu.yield
      }) : () -> ()
      %dma_start3A_70 = arith.constant 120 : i32
      %dma_start3A_71 = tpu.memref_slice %arg18[%dma_start3A_70] : memref<200xi32, #tpu.memory_space<vmem>> -> memref<40xi32, #tpu.memory_space<vmem>>
      %dma_start3A_72 = arith.constant 0 : i32
      %dma_start3A_73 = arith.constant 0 : i32
      %dma_start3A_74 = tpu.memref_slice %arg5[%dma_start3A_72, %dma_start3A_73] : memref<32768x768xf32, #tpu.memory_space<hbm>> -> memref<32768x768xf32, #tpu.memory_space<hbm>>
      tpu.enqueue_indirect_dma source(%dma_start3A_74 : memref<32768x768xf32, #tpu.memory_space<hbm>>) target(%arg21 : memref<40x768xf32, #tpu.memory_space<vmem>>) offsets(%dma_start3A_71 : memref<40xi32, #tpu.memory_space<vmem>>) semaphore(%arg24 : memref<!tpu.dma_semaphore, #tpu.memory_space<semaphore_mem>>)
      %dma_wait3A_75 = arith.constant 80 : i32
      %dma_wait3A_76 = tpu.memref_slice %arg18[%dma_wait3A_75] : memref<200xi32, #tpu.memory_space<vmem>> -> memref<40xi32, #tpu.memory_space<vmem>>
      %dma_wait3A_77 = arith.constant 0 : i32
      %dma_wait3A_78 = arith.constant 0 : i32
      %dma_wait3A_79 = tpu.memref_slice %arg5[%dma_wait3A_77, %dma_wait3A_78] : memref<32768x768xf32, #tpu.memory_space<hbm>> -> memref<32768x768xf32, #tpu.memory_space<hbm>>
      tpu.wait_indirect_dma semaphore(%arg23 : memref<!tpu.dma_semaphore, #tpu.memory_space<semaphore_mem>>) src(%dma_wait3A_79 : memref<32768x768xf32, #tpu.memory_space<hbm>>) dst(%arg20 : memref<40x768xf32, #tpu.memory_space<vmem>>)
      %add3A_80 = arith.constant 80 : i32
      %add3A_81 = arith.addi %add3A_39, %add3A_80 : i32
      "tpu.region"() ({
        %run_scoped3A = tpu.sem_alloc : memref<!tpu.dma_semaphore, #tpu.memory_space<semaphore_mem>>
        %dma_start3A_104 = arith.constant 0 : i32
        %dma_start3A_105 = tpu.memref_slice %arg7[%add3A_81, %dma_start3A_104] : memref<20000x768xf32, #tpu.memory_space<hbm>> -> memref<40x768xf32, #tpu.memory_space<hbm>>
        %dma_start3A_106 = arith.constant 0 : i32
        %dma_start3A_107 = tpu.memref_slice %arg7[%add3A_81, %dma_start3A_106] : memref<20000x768xf32, #tpu.memory_space<hbm>> -> memref<40x768xf32, #tpu.memory_space<hbm>>
        tpu.enqueue_dma source(%arg20 : memref<40x768xf32, #tpu.memory_space<vmem>>) target(%dma_start3A_107 : memref<40x768xf32, #tpu.memory_space<hbm>>) target_semaphore(%run_scoped3A : memref<!tpu.dma_semaphore, #tpu.memory_space<semaphore_mem>>)
        %dma_wait3A_108 = arith.constant 0 : i32
        %dma_wait3A_109 = tpu.memref_slice %arg7[%add3A_81, %dma_wait3A_108] : memref<20000x768xf32, #tpu.memory_space<hbm>> -> memref<40x768xf32, #tpu.memory_space<hbm>>
        %dma_wait3A_110 = arith.constant 0 : i32
        %dma_wait3A_111 = tpu.memref_slice %arg7[%add3A_81, %dma_wait3A_110] : memref<20000x768xf32, #tpu.memory_space<hbm>> -> memref<40x768xf32, #tpu.memory_space<hbm>>
        tpu.wait_dma2 semaphore(%run_scoped3A : memref<!tpu.dma_semaphore, #tpu.memory_space<semaphore_mem>>) src(%arg20 : memref<40x768xf32, #tpu.memory_space<vmem>>) dst(%dma_wait3A_111 : memref<40x768xf32, #tpu.memory_space<hbm>>)
        tpu.yield
      }) : () -> ()
      %dma_start3A_82 = arith.constant 160 : i32
      %dma_start3A_83 = tpu.memref_slice %arg18[%dma_start3A_82] : memref<200xi32, #tpu.memory_space<vmem>> -> memref<40xi32, #tpu.memory_space<vmem>>
      %dma_start3A_84 = arith.constant 0 : i32
      %dma_start3A_85 = arith.constant 0 : i32
      %dma_start3A_86 = tpu.memref_slice %arg5[%dma_start3A_84, %dma_start3A_85] : memref<32768x768xf32, #tpu.memory_space<hbm>> -> memref<32768x768xf32, #tpu.memory_space<hbm>>
      tpu.enqueue_indirect_dma source(%dma_start3A_86 : memref<32768x768xf32, #tpu.memory_space<hbm>>) target(%arg20 : memref<40x768xf32, #tpu.memory_space<vmem>>) offsets(%dma_start3A_83 : memref<40xi32, #tpu.memory_space<vmem>>) semaphore(%arg23 : memref<!tpu.dma_semaphore, #tpu.memory_space<semaphore_mem>>)
      %dma_wait3A_87 = arith.constant 120 : i32
      %dma_wait3A_88 = tpu.memref_slice %arg18[%dma_wait3A_87] : memref<200xi32, #tpu.memory_space<vmem>> -> memref<40xi32, #tpu.memory_space<vmem>>
      %dma_wait3A_89 = arith.constant 0 : i32
      %dma_wait3A_90 = arith.constant 0 : i32
      %dma_wait3A_91 = tpu.memref_slice %arg5[%dma_wait3A_89, %dma_wait3A_90] : memref<32768x768xf32, #tpu.memory_space<hbm>> -> memref<32768x768xf32, #tpu.memory_space<hbm>>
      tpu.wait_indirect_dma semaphore(%arg24 : memref<!tpu.dma_semaphore, #tpu.memory_space<semaphore_mem>>) src(%dma_wait3A_91 : memref<32768x768xf32, #tpu.memory_space<hbm>>) dst(%arg21 : memref<40x768xf32, #tpu.memory_space<vmem>>)
      %add3A_92 = arith.constant 120 : i32
      %add3A_93 = arith.addi %add3A_39, %add3A_92 : i32
      "tpu.region"() ({
        %run_scoped3A = tpu.sem_alloc : memref<!tpu.dma_semaphore, #tpu.memory_space<semaphore_mem>>
        %dma_start3A_104 = arith.constant 0 : i32
        %dma_start3A_105 = tpu.memref_slice %arg7[%add3A_93, %dma_start3A_104] : memref<20000x768xf32, #tpu.memory_space<hbm>> -> memref<40x768xf32, #tpu.memory_space<hbm>>
        %dma_start3A_106 = arith.constant 0 : i32
        %dma_start3A_107 = tpu.memref_slice %arg7[%add3A_93, %dma_start3A_106] : memref<20000x768xf32, #tpu.memory_space<hbm>> -> memref<40x768xf32, #tpu.memory_space<hbm>>
        tpu.enqueue_dma source(%arg21 : memref<40x768xf32, #tpu.memory_space<vmem>>) target(%dma_start3A_107 : memref<40x768xf32, #tpu.memory_space<hbm>>) target_semaphore(%run_scoped3A : memref<!tpu.dma_semaphore, #tpu.memory_space<semaphore_mem>>)
        %dma_wait3A_108 = arith.constant 0 : i32
        %dma_wait3A_109 = tpu.memref_slice %arg7[%add3A_93, %dma_wait3A_108] : memref<20000x768xf32, #tpu.memory_space<hbm>> -> memref<40x768xf32, #tpu.memory_space<hbm>>
        %dma_wait3A_110 = arith.constant 0 : i32
        %dma_wait3A_111 = tpu.memref_slice %arg7[%add3A_93, %dma_wait3A_110] : memref<20000x768xf32, #tpu.memory_space<hbm>> -> memref<40x768xf32, #tpu.memory_space<hbm>>
        tpu.wait_dma2 semaphore(%run_scoped3A : memref<!tpu.dma_semaphore, #tpu.memory_space<semaphore_mem>>) src(%arg21 : memref<40x768xf32, #tpu.memory_space<vmem>>) dst(%dma_wait3A_111 : memref<40x768xf32, #tpu.memory_space<hbm>>)
        tpu.yield
      }) : () -> ()
      %dma_wait3A_94 = arith.constant 160 : i32
      %dma_wait3A_95 = tpu.memref_slice %arg18[%dma_wait3A_94] : memref<200xi32, #tpu.memory_space<vmem>> -> memref<40xi32, #tpu.memory_space<vmem>>
      %dma_wait3A_96 = arith.constant 0 : i32
      %dma_wait3A_97 = arith.constant 0 : i32
      %dma_wait3A_98 = tpu.memref_slice %arg5[%dma_wait3A_96, %dma_wait3A_97] : memref<32768x768xf32, #tpu.memory_space<hbm>> -> memref<32768x768xf32, #tpu.memory_space<hbm>>
      tpu.wait_indirect_dma semaphore(%arg23 : memref<!tpu.dma_semaphore, #tpu.memory_space<semaphore_mem>>) src(%dma_wait3A_98 : memref<32768x768xf32, #tpu.memory_space<hbm>>) dst(%arg20 : memref<40x768xf32, #tpu.memory_space<vmem>>)
      %add3A_99 = arith.constant 160 : i32
      %add3A_100 = arith.addi %add3A_39, %add3A_99 : i32
      "tpu.region"() ({
        %run_scoped3A = tpu.sem_alloc : memref<!tpu.dma_semaphore, #tpu.memory_space<semaphore_mem>>
        %dma_start3A_104 = arith.constant 0 : i32
        %dma_start3A_105 = tpu.memref_slice %arg7[%add3A_100, %dma_start3A_104] : memref<20000x768xf32, #tpu.memory_space<hbm>> -> memref<40x768xf32, #tpu.memory_space<hbm>>
        %dma_start3A_106 = arith.constant 0 : i32
        %dma_start3A_107 = tpu.memref_slice %arg7[%add3A_100, %dma_start3A_106] : memref<20000x768xf32, #tpu.memory_space<hbm>> -> memref<40x768xf32, #tpu.memory_space<hbm>>
        tpu.enqueue_dma source(%arg20 : memref<40x768xf32, #tpu.memory_space<vmem>>) target(%dma_start3A_107 : memref<40x768xf32, #tpu.memory_space<hbm>>) target_semaphore(%run_scoped3A : memref<!tpu.dma_semaphore, #tpu.memory_space<semaphore_mem>>)
        %dma_wait3A_108 = arith.constant 0 : i32
        %dma_wait3A_109 = tpu.memref_slice %arg7[%add3A_100, %dma_wait3A_108] : memref<20000x768xf32, #tpu.memory_space<hbm>> -> memref<40x768xf32, #tpu.memory_space<hbm>>
        %dma_wait3A_110 = arith.constant 0 : i32
        %dma_wait3A_111 = tpu.memref_slice %arg7[%add3A_100, %dma_wait3A_110] : memref<20000x768xf32, #tpu.memory_space<hbm>> -> memref<40x768xf32, #tpu.memory_space<hbm>>
        tpu.wait_dma2 semaphore(%run_scoped3A : memref<!tpu.dma_semaphore, #tpu.memory_space<semaphore_mem>>) src(%arg20 : memref<40x768xf32, #tpu.memory_space<vmem>>) dst(%dma_wait3A_111 : memref<40x768xf32, #tpu.memory_space<hbm>>)
        tpu.yield
      }) : () -> ()
      %dma_wait3A_101 = arith.constant 0 : i32
      %dma_wait3A_102 = arith.constant 0 : i32
      %dma_wait3A_103 = tpu.memref_slice %arg6[%dma_wait3A_101, %dma_wait3A_102] : memref<17911x128xf32, #tpu.memory_space<hbm>> -> memref<17911x128xf32, #tpu.memory_space<hbm>>
      tpu.wait_indirect_dma semaphore(%arg25 : memref<!tpu.dma_semaphore, #tpu.memory_space<semaphore_mem>>) src(%dma_wait3A_103 : memref<17911x128xf32, #tpu.memory_space<hbm>>) dst(%arg22 : memref<200x128xf32, #tpu.memory_space<vmem>>)
      "tpu.region"() ({
        %run_scoped3A = tpu.sem_alloc : memref<!tpu.dma_semaphore, #tpu.memory_space<semaphore_mem>>
        %dma_start3A_104 = arith.constant 0 : i32
        %dma_start3A_105 = tpu.memref_slice %arg8[%add3A_39, %dma_start3A_104] : memref<20000x128xf32, #tpu.memory_space<hbm>> -> memref<200x128xf32, #tpu.memory_space<hbm>>
        %dma_start3A_106 = arith.constant 0 : i32
        %dma_start3A_107 = tpu.memref_slice %arg8[%add3A_39, %dma_start3A_106] : memref<20000x128xf32, #tpu.memory_space<hbm>> -> memref<200x128xf32, #tpu.memory_space<hbm>>
        tpu.enqueue_dma source(%arg22 : memref<200x128xf32, #tpu.memory_space<vmem>>) target(%dma_start3A_107 : memref<200x128xf32, #tpu.memory_space<hbm>>) target_semaphore(%run_scoped3A : memref<!tpu.dma_semaphore, #tpu.memory_space<semaphore_mem>>)
        %dma_wait3A_108 = arith.constant 0 : i32
        %dma_wait3A_109 = tpu.memref_slice %arg8[%add3A_39, %dma_wait3A_108] : memref<20000x128xf32, #tpu.memory_space<hbm>> -> memref<200x128xf32, #tpu.memory_space<hbm>>
        %dma_wait3A_110 = arith.constant 0 : i32
        %dma_wait3A_111 = tpu.memref_slice %arg8[%add3A_39, %dma_wait3A_110] : memref<20000x128xf32, #tpu.memory_space<hbm>> -> memref<200x128xf32, #tpu.memory_space<hbm>>
        tpu.wait_dma2 semaphore(%run_scoped3A : memref<!tpu.dma_semaphore, #tpu.memory_space<semaphore_mem>>) src(%arg22 : memref<200x128xf32, #tpu.memory_space<vmem>>) dst(%dma_wait3A_111 : memref<200x128xf32, #tpu.memory_space<hbm>>)
        tpu.yield
      }) : () -> ()
    } else {
    }
    %sub3A_9 = arith.constant 15 : i32
    %sub3A_10 = arith.subi %sub3A_9, %arg1 : i32
    %add3A_11 = arith.constant 16 : i32
    %add3A_12 = arith.addi %add3A_11, %sub3A_10 : i32
    %lt3A_13 = arith.constant 50 : i32
    %lt3A_14 = arith.cmpi slt, %add3A_12, %lt3A_13 : i32
    %convert_element_type3A_15 = arith.extui %lt3A_14 : i1 to i32
    %cond3A_16 = arith.constant 0 : i32
    %cond3A_17 = arith.cmpi ne, %convert_element_type3A_15, %cond3A_16 : i32
    scf.if %cond3A_17 {
      %mul3A = arith.constant 10000 : i32
      %mul3A_36 = arith.muli %arg0, %mul3A : i32
      %mul3A_37 = arith.constant 200 : i32
      %mul3A_38 = arith.muli %add3A_12, %mul3A_37 : i32
      %add3A_39 = arith.addi %mul3A_36, %mul3A_38 : i32
      "tpu.region"() ({
        %run_scoped3A = tpu.sem_alloc : memref<!tpu.dma_semaphore, #tpu.memory_space<semaphore_mem>>
        %dma_start3A_104 = tpu.memref_slice %arg10[%add3A_39] : memref<20000xi32, #tpu.memory_space<hbm>> -> memref<200xi32, #tpu.memory_space<hbm>>
        %dma_start3A_105 = tpu.memref_slice %arg10[%add3A_39] : memref<20000xi32, #tpu.memory_space<hbm>> -> memref<200xi32, #tpu.memory_space<hbm>>
        tpu.enqueue_dma source(%dma_start3A_105 : memref<200xi32, #tpu.memory_space<hbm>>) target(%arg18 : memref<200xi32, #tpu.memory_space<vmem>>) target_semaphore(%run_scoped3A : memref<!tpu.dma_semaphore, #tpu.memory_space<semaphore_mem>>)
        %dma_wait3A_106 = tpu.memref_slice %arg10[%add3A_39] : memref<20000xi32, #tpu.memory_space<hbm>> -> memref<200xi32, #tpu.memory_space<hbm>>
        %dma_wait3A_107 = tpu.memref_slice %arg10[%add3A_39] : memref<20000xi32, #tpu.memory_space<hbm>> -> memref<200xi32, #tpu.memory_space<hbm>>
        tpu.wait_dma2 semaphore(%run_scoped3A : memref<!tpu.dma_semaphore, #tpu.memory_space<semaphore_mem>>) src(%dma_wait3A_107 : memref<200xi32, #tpu.memory_space<hbm>>) dst(%arg18 : memref<200xi32, #tpu.memory_space<vmem>>)
        tpu.yield
      }) : () -> ()
      "tpu.region"() ({
        %run_scoped3A = tpu.sem_alloc : memref<!tpu.dma_semaphore, #tpu.memory_space<semaphore_mem>>
        %dma_start3A_104 = tpu.memref_slice %arg11[%add3A_39] : memref<20000xi32, #tpu.memory_space<hbm>> -> memref<200xi32, #tpu.memory_space<hbm>>
        %dma_start3A_105 = tpu.memref_slice %arg11[%add3A_39] : memref<20000xi32, #tpu.memory_space<hbm>> -> memref<200xi32, #tpu.memory_space<hbm>>
        tpu.enqueue_dma source(%dma_start3A_105 : memref<200xi32, #tpu.memory_space<hbm>>) target(%arg19 : memref<200xi32, #tpu.memory_space<vmem>>) target_semaphore(%run_scoped3A : memref<!tpu.dma_semaphore, #tpu.memory_space<semaphore_mem>>)
        %dma_wait3A_106 = tpu.memref_slice %arg11[%add3A_39] : memref<20000xi32, #tpu.memory_space<hbm>> -> memref<200xi32, #tpu.memory_space<hbm>>
        %dma_wait3A_107 = tpu.memref_slice %arg11[%add3A_39] : memref<20000xi32, #tpu.memory_space<hbm>> -> memref<200xi32, #tpu.memory_space<hbm>>
        tpu.wait_dma2 semaphore(%run_scoped3A : memref<!tpu.dma_semaphore, #tpu.memory_space<semaphore_mem>>) src(%dma_wait3A_107 : memref<200xi32, #tpu.memory_space<hbm>>) dst(%arg19 : memref<200xi32, #tpu.memory_space<vmem>>)
        tpu.yield
      }) : () -> ()
      %dma_start3A = arith.constant 0 : i32
      %dma_start3A_40 = arith.constant 0 : i32
      %dma_start3A_41 = tpu.memref_slice %arg6[%dma_start3A, %dma_start3A_40] : memref<17911x128xf32, #tpu.memory_space<hbm>> -> memref<17911x128xf32, #tpu.memory_space<hbm>>
      tpu.enqueue_indirect_dma source(%dma_start3A_41 : memref<17911x128xf32, #tpu.memory_space<hbm>>) target(%arg22 : memref<200x128xf32, #tpu.memory_space<vmem>>) offsets(%arg19 : memref<200xi32, #tpu.memory_space<vmem>>) semaphore(%arg25 : memref<!tpu.dma_semaphore, #tpu.memory_space<semaphore_mem>>)
      %dma_start3A_42 = arith.constant 0 : i32
      %dma_start3A_43 = tpu.memref_slice %arg18[%dma_start3A_42] : memref<200xi32, #tpu.memory_space<vmem>> -> memref<40xi32, #tpu.memory_space<vmem>>
      %dma_start3A_44 = arith.constant 0 : i32
      %dma_start3A_45 = arith.constant 0 : i32
      %dma_start3A_46 = tpu.memref_slice %arg5[%dma_start3A_44, %dma_start3A_45] : memref<32768x768xf32, #tpu.memory_space<hbm>> -> memref<32768x768xf32, #tpu.memory_space<hbm>>
      tpu.enqueue_indirect_dma source(%dma_start3A_46 : memref<32768x768xf32, #tpu.memory_space<hbm>>) target(%arg20 : memref<40x768xf32, #tpu.memory_space<vmem>>) offsets(%dma_start3A_43 : memref<40xi32, #tpu.memory_space<vmem>>) semaphore(%arg23 : memref<!tpu.dma_semaphore, #tpu.memory_space<semaphore_mem>>)
      %dma_start3A_47 = arith.constant 40 : i32
      %dma_start3A_48 = tpu.memref_slice %arg18[%dma_start3A_47] : memref<200xi32, #tpu.memory_space<vmem>> -> memref<40xi32, #tpu.memory_space<vmem>>
      %dma_start3A_49 = arith.constant 0 : i32
      %dma_start3A_50 = arith.constant 0 : i32
      %dma_start3A_51 = tpu.memref_slice %arg5[%dma_start3A_49, %dma_start3A_50] : memref<32768x768xf32, #tpu.memory_space<hbm>> -> memref<32768x768xf32, #tpu.memory_space<hbm>>
      tpu.enqueue_indirect_dma source(%dma_start3A_51 : memref<32768x768xf32, #tpu.memory_space<hbm>>) target(%arg21 : memref<40x768xf32, #tpu.memory_space<vmem>>) offsets(%dma_start3A_48 : memref<40xi32, #tpu.memory_space<vmem>>) semaphore(%arg24 : memref<!tpu.dma_semaphore, #tpu.memory_space<semaphore_mem>>)
      %dma_wait3A = arith.constant 0 : i32
      %dma_wait3A_52 = tpu.memref_slice %arg18[%dma_wait3A] : memref<200xi32, #tpu.memory_space<vmem>> -> memref<40xi32, #tpu.memory_space<vmem>>
      %dma_wait3A_53 = arith.constant 0 : i32
      %dma_wait3A_54 = arith.constant 0 : i32
      %dma_wait3A_55 = tpu.memref_slice %arg5[%dma_wait3A_53, %dma_wait3A_54] : memref<32768x768xf32, #tpu.memory_space<hbm>> -> memref<32768x768xf32, #tpu.memory_space<hbm>>
      tpu.wait_indirect_dma semaphore(%arg23 : memref<!tpu.dma_semaphore, #tpu.memory_space<semaphore_mem>>) src(%dma_wait3A_55 : memref<32768x768xf32, #tpu.memory_space<hbm>>) dst(%arg20 : memref<40x768xf32, #tpu.memory_space<vmem>>)
      %add3A_56 = arith.constant 0 : i32
      %add3A_57 = arith.addi %add3A_39, %add3A_56 : i32
      "tpu.region"() ({
        %run_scoped3A = tpu.sem_alloc : memref<!tpu.dma_semaphore, #tpu.memory_space<semaphore_mem>>
        %dma_start3A_104 = arith.constant 0 : i32
        %dma_start3A_105 = tpu.memref_slice %arg7[%add3A_57, %dma_start3A_104] : memref<20000x768xf32, #tpu.memory_space<hbm>> -> memref<40x768xf32, #tpu.memory_space<hbm>>
        %dma_start3A_106 = arith.constant 0 : i32
        %dma_start3A_107 = tpu.memref_slice %arg7[%add3A_57, %dma_start3A_106] : memref<20000x768xf32, #tpu.memory_space<hbm>> -> memref<40x768xf32, #tpu.memory_space<hbm>>
        tpu.enqueue_dma source(%arg20 : memref<40x768xf32, #tpu.memory_space<vmem>>) target(%dma_start3A_107 : memref<40x768xf32, #tpu.memory_space<hbm>>) target_semaphore(%run_scoped3A : memref<!tpu.dma_semaphore, #tpu.memory_space<semaphore_mem>>)
        %dma_wait3A_108 = arith.constant 0 : i32
        %dma_wait3A_109 = tpu.memref_slice %arg7[%add3A_57, %dma_wait3A_108] : memref<20000x768xf32, #tpu.memory_space<hbm>> -> memref<40x768xf32, #tpu.memory_space<hbm>>
        %dma_wait3A_110 = arith.constant 0 : i32
        %dma_wait3A_111 = tpu.memref_slice %arg7[%add3A_57, %dma_wait3A_110] : memref<20000x768xf32, #tpu.memory_space<hbm>> -> memref<40x768xf32, #tpu.memory_space<hbm>>
        tpu.wait_dma2 semaphore(%run_scoped3A : memref<!tpu.dma_semaphore, #tpu.memory_space<semaphore_mem>>) src(%arg20 : memref<40x768xf32, #tpu.memory_space<vmem>>) dst(%dma_wait3A_111 : memref<40x768xf32, #tpu.memory_space<hbm>>)
        tpu.yield
      }) : () -> ()
      %dma_start3A_58 = arith.constant 80 : i32
      %dma_start3A_59 = tpu.memref_slice %arg18[%dma_start3A_58] : memref<200xi32, #tpu.memory_space<vmem>> -> memref<40xi32, #tpu.memory_space<vmem>>
      %dma_start3A_60 = arith.constant 0 : i32
      %dma_start3A_61 = arith.constant 0 : i32
      %dma_start3A_62 = tpu.memref_slice %arg5[%dma_start3A_60, %dma_start3A_61] : memref<32768x768xf32, #tpu.memory_space<hbm>> -> memref<32768x768xf32, #tpu.memory_space<hbm>>
      tpu.enqueue_indirect_dma source(%dma_start3A_62 : memref<32768x768xf32, #tpu.memory_space<hbm>>) target(%arg20 : memref<40x768xf32, #tpu.memory_space<vmem>>) offsets(%dma_start3A_59 : memref<40xi32, #tpu.memory_space<vmem>>) semaphore(%arg23 : memref<!tpu.dma_semaphore, #tpu.memory_space<semaphore_mem>>)
      %dma_wait3A_63 = arith.constant 40 : i32
      %dma_wait3A_64 = tpu.memref_slice %arg18[%dma_wait3A_63] : memref<200xi32, #tpu.memory_space<vmem>> -> memref<40xi32, #tpu.memory_space<vmem>>
      %dma_wait3A_65 = arith.constant 0 : i32
      %dma_wait3A_66 = arith.constant 0 : i32
      %dma_wait3A_67 = tpu.memref_slice %arg5[%dma_wait3A_65, %dma_wait3A_66] : memref<32768x768xf32, #tpu.memory_space<hbm>> -> memref<32768x768xf32, #tpu.memory_space<hbm>>
      tpu.wait_indirect_dma semaphore(%arg24 : memref<!tpu.dma_semaphore, #tpu.memory_space<semaphore_mem>>) src(%dma_wait3A_67 : memref<32768x768xf32, #tpu.memory_space<hbm>>) dst(%arg21 : memref<40x768xf32, #tpu.memory_space<vmem>>)
      %add3A_68 = arith.constant 40 : i32
      %add3A_69 = arith.addi %add3A_39, %add3A_68 : i32
      "tpu.region"() ({
        %run_scoped3A = tpu.sem_alloc : memref<!tpu.dma_semaphore, #tpu.memory_space<semaphore_mem>>
        %dma_start3A_104 = arith.constant 0 : i32
        %dma_start3A_105 = tpu.memref_slice %arg7[%add3A_69, %dma_start3A_104] : memref<20000x768xf32, #tpu.memory_space<hbm>> -> memref<40x768xf32, #tpu.memory_space<hbm>>
        %dma_start3A_106 = arith.constant 0 : i32
        %dma_start3A_107 = tpu.memref_slice %arg7[%add3A_69, %dma_start3A_106] : memref<20000x768xf32, #tpu.memory_space<hbm>> -> memref<40x768xf32, #tpu.memory_space<hbm>>
        tpu.enqueue_dma source(%arg21 : memref<40x768xf32, #tpu.memory_space<vmem>>) target(%dma_start3A_107 : memref<40x768xf32, #tpu.memory_space<hbm>>) target_semaphore(%run_scoped3A : memref<!tpu.dma_semaphore, #tpu.memory_space<semaphore_mem>>)
        %dma_wait3A_108 = arith.constant 0 : i32
        %dma_wait3A_109 = tpu.memref_slice %arg7[%add3A_69, %dma_wait3A_108] : memref<20000x768xf32, #tpu.memory_space<hbm>> -> memref<40x768xf32, #tpu.memory_space<hbm>>
        %dma_wait3A_110 = arith.constant 0 : i32
        %dma_wait3A_111 = tpu.memref_slice %arg7[%add3A_69, %dma_wait3A_110] : memref<20000x768xf32, #tpu.memory_space<hbm>> -> memref<40x768xf32, #tpu.memory_space<hbm>>
        tpu.wait_dma2 semaphore(%run_scoped3A : memref<!tpu.dma_semaphore, #tpu.memory_space<semaphore_mem>>) src(%arg21 : memref<40x768xf32, #tpu.memory_space<vmem>>) dst(%dma_wait3A_111 : memref<40x768xf32, #tpu.memory_space<hbm>>)
        tpu.yield
      }) : () -> ()
      %dma_start3A_70 = arith.constant 120 : i32
      %dma_start3A_71 = tpu.memref_slice %arg18[%dma_start3A_70] : memref<200xi32, #tpu.memory_space<vmem>> -> memref<40xi32, #tpu.memory_space<vmem>>
      %dma_start3A_72 = arith.constant 0 : i32
      %dma_start3A_73 = arith.constant 0 : i32
      %dma_start3A_74 = tpu.memref_slice %arg5[%dma_start3A_72, %dma_start3A_73] : memref<32768x768xf32, #tpu.memory_space<hbm>> -> memref<32768x768xf32, #tpu.memory_space<hbm>>
      tpu.enqueue_indirect_dma source(%dma_start3A_74 : memref<32768x768xf32, #tpu.memory_space<hbm>>) target(%arg21 : memref<40x768xf32, #tpu.memory_space<vmem>>) offsets(%dma_start3A_71 : memref<40xi32, #tpu.memory_space<vmem>>) semaphore(%arg24 : memref<!tpu.dma_semaphore, #tpu.memory_space<semaphore_mem>>)
      %dma_wait3A_75 = arith.constant 80 : i32
      %dma_wait3A_76 = tpu.memref_slice %arg18[%dma_wait3A_75] : memref<200xi32, #tpu.memory_space<vmem>> -> memref<40xi32, #tpu.memory_space<vmem>>
      %dma_wait3A_77 = arith.constant 0 : i32
      %dma_wait3A_78 = arith.constant 0 : i32
      %dma_wait3A_79 = tpu.memref_slice %arg5[%dma_wait3A_77, %dma_wait3A_78] : memref<32768x768xf32, #tpu.memory_space<hbm>> -> memref<32768x768xf32, #tpu.memory_space<hbm>>
      tpu.wait_indirect_dma semaphore(%arg23 : memref<!tpu.dma_semaphore, #tpu.memory_space<semaphore_mem>>) src(%dma_wait3A_79 : memref<32768x768xf32, #tpu.memory_space<hbm>>) dst(%arg20 : memref<40x768xf32, #tpu.memory_space<vmem>>)
      %add3A_80 = arith.constant 80 : i32
      %add3A_81 = arith.addi %add3A_39, %add3A_80 : i32
      "tpu.region"() ({
        %run_scoped3A = tpu.sem_alloc : memref<!tpu.dma_semaphore, #tpu.memory_space<semaphore_mem>>
        %dma_start3A_104 = arith.constant 0 : i32
        %dma_start3A_105 = tpu.memref_slice %arg7[%add3A_81, %dma_start3A_104] : memref<20000x768xf32, #tpu.memory_space<hbm>> -> memref<40x768xf32, #tpu.memory_space<hbm>>
        %dma_start3A_106 = arith.constant 0 : i32
        %dma_start3A_107 = tpu.memref_slice %arg7[%add3A_81, %dma_start3A_106] : memref<20000x768xf32, #tpu.memory_space<hbm>> -> memref<40x768xf32, #tpu.memory_space<hbm>>
        tpu.enqueue_dma source(%arg20 : memref<40x768xf32, #tpu.memory_space<vmem>>) target(%dma_start3A_107 : memref<40x768xf32, #tpu.memory_space<hbm>>) target_semaphore(%run_scoped3A : memref<!tpu.dma_semaphore, #tpu.memory_space<semaphore_mem>>)
        %dma_wait3A_108 = arith.constant 0 : i32
        %dma_wait3A_109 = tpu.memref_slice %arg7[%add3A_81, %dma_wait3A_108] : memref<20000x768xf32, #tpu.memory_space<hbm>> -> memref<40x768xf32, #tpu.memory_space<hbm>>
        %dma_wait3A_110 = arith.constant 0 : i32
        %dma_wait3A_111 = tpu.memref_slice %arg7[%add3A_81, %dma_wait3A_110] : memref<20000x768xf32, #tpu.memory_space<hbm>> -> memref<40x768xf32, #tpu.memory_space<hbm>>
        tpu.wait_dma2 semaphore(%run_scoped3A : memref<!tpu.dma_semaphore, #tpu.memory_space<semaphore_mem>>) src(%arg20 : memref<40x768xf32, #tpu.memory_space<vmem>>) dst(%dma_wait3A_111 : memref<40x768xf32, #tpu.memory_space<hbm>>)
        tpu.yield
      }) : () -> ()
      %dma_start3A_82 = arith.constant 160 : i32
      %dma_start3A_83 = tpu.memref_slice %arg18[%dma_start3A_82] : memref<200xi32, #tpu.memory_space<vmem>> -> memref<40xi32, #tpu.memory_space<vmem>>
      %dma_start3A_84 = arith.constant 0 : i32
      %dma_start3A_85 = arith.constant 0 : i32
      %dma_start3A_86 = tpu.memref_slice %arg5[%dma_start3A_84, %dma_start3A_85] : memref<32768x768xf32, #tpu.memory_space<hbm>> -> memref<32768x768xf32, #tpu.memory_space<hbm>>
      tpu.enqueue_indirect_dma source(%dma_start3A_86 : memref<32768x768xf32, #tpu.memory_space<hbm>>) target(%arg20 : memref<40x768xf32, #tpu.memory_space<vmem>>) offsets(%dma_start3A_83 : memref<40xi32, #tpu.memory_space<vmem>>) semaphore(%arg23 : memref<!tpu.dma_semaphore, #tpu.memory_space<semaphore_mem>>)
      %dma_wait3A_87 = arith.constant 120 : i32
      %dma_wait3A_88 = tpu.memref_slice %arg18[%dma_wait3A_87] : memref<200xi32, #tpu.memory_space<vmem>> -> memref<40xi32, #tpu.memory_space<vmem>>
      %dma_wait3A_89 = arith.constant 0 : i32
      %dma_wait3A_90 = arith.constant 0 : i32
      %dma_wait3A_91 = tpu.memref_slice %arg5[%dma_wait3A_89, %dma_wait3A_90] : memref<32768x768xf32, #tpu.memory_space<hbm>> -> memref<32768x768xf32, #tpu.memory_space<hbm>>
      tpu.wait_indirect_dma semaphore(%arg24 : memref<!tpu.dma_semaphore, #tpu.memory_space<semaphore_mem>>) src(%dma_wait3A_91 : memref<32768x768xf32, #tpu.memory_space<hbm>>) dst(%arg21 : memref<40x768xf32, #tpu.memory_space<vmem>>)
      %add3A_92 = arith.constant 120 : i32
      %add3A_93 = arith.addi %add3A_39, %add3A_92 : i32
      "tpu.region"() ({
        %run_scoped3A = tpu.sem_alloc : memref<!tpu.dma_semaphore, #tpu.memory_space<semaphore_mem>>
        %dma_start3A_104 = arith.constant 0 : i32
        %dma_start3A_105 = tpu.memref_slice %arg7[%add3A_93, %dma_start3A_104] : memref<20000x768xf32, #tpu.memory_space<hbm>> -> memref<40x768xf32, #tpu.memory_space<hbm>>
        %dma_start3A_106 = arith.constant 0 : i32
        %dma_start3A_107 = tpu.memref_slice %arg7[%add3A_93, %dma_start3A_106] : memref<20000x768xf32, #tpu.memory_space<hbm>> -> memref<40x768xf32, #tpu.memory_space<hbm>>
        tpu.enqueue_dma source(%arg21 : memref<40x768xf32, #tpu.memory_space<vmem>>) target(%dma_start3A_107 : memref<40x768xf32, #tpu.memory_space<hbm>>) target_semaphore(%run_scoped3A : memref<!tpu.dma_semaphore, #tpu.memory_space<semaphore_mem>>)
        %dma_wait3A_108 = arith.constant 0 : i32
        %dma_wait3A_109 = tpu.memref_slice %arg7[%add3A_93, %dma_wait3A_108] : memref<20000x768xf32, #tpu.memory_space<hbm>> -> memref<40x768xf32, #tpu.memory_space<hbm>>
        %dma_wait3A_110 = arith.constant 0 : i32
        %dma_wait3A_111 = tpu.memref_slice %arg7[%add3A_93, %dma_wait3A_110] : memref<20000x768xf32, #tpu.memory_space<hbm>> -> memref<40x768xf32, #tpu.memory_space<hbm>>
        tpu.wait_dma2 semaphore(%run_scoped3A : memref<!tpu.dma_semaphore, #tpu.memory_space<semaphore_mem>>) src(%arg21 : memref<40x768xf32, #tpu.memory_space<vmem>>) dst(%dma_wait3A_111 : memref<40x768xf32, #tpu.memory_space<hbm>>)
        tpu.yield
      }) : () -> ()
      %dma_wait3A_94 = arith.constant 160 : i32
      %dma_wait3A_95 = tpu.memref_slice %arg18[%dma_wait3A_94] : memref<200xi32, #tpu.memory_space<vmem>> -> memref<40xi32, #tpu.memory_space<vmem>>
      %dma_wait3A_96 = arith.constant 0 : i32
      %dma_wait3A_97 = arith.constant 0 : i32
      %dma_wait3A_98 = tpu.memref_slice %arg5[%dma_wait3A_96, %dma_wait3A_97] : memref<32768x768xf32, #tpu.memory_space<hbm>> -> memref<32768x768xf32, #tpu.memory_space<hbm>>
      tpu.wait_indirect_dma semaphore(%arg23 : memref<!tpu.dma_semaphore, #tpu.memory_space<semaphore_mem>>) src(%dma_wait3A_98 : memref<32768x768xf32, #tpu.memory_space<hbm>>) dst(%arg20 : memref<40x768xf32, #tpu.memory_space<vmem>>)
      %add3A_99 = arith.constant 160 : i32
      %add3A_100 = arith.addi %add3A_39, %add3A_99 : i32
      "tpu.region"() ({
        %run_scoped3A = tpu.sem_alloc : memref<!tpu.dma_semaphore, #tpu.memory_space<semaphore_mem>>
        %dma_start3A_104 = arith.constant 0 : i32
        %dma_start3A_105 = tpu.memref_slice %arg7[%add3A_100, %dma_start3A_104] : memref<20000x768xf32, #tpu.memory_space<hbm>> -> memref<40x768xf32, #tpu.memory_space<hbm>>
        %dma_start3A_106 = arith.constant 0 : i32
        %dma_start3A_107 = tpu.memref_slice %arg7[%add3A_100, %dma_start3A_106] : memref<20000x768xf32, #tpu.memory_space<hbm>> -> memref<40x768xf32, #tpu.memory_space<hbm>>
        tpu.enqueue_dma source(%arg20 : memref<40x768xf32, #tpu.memory_space<vmem>>) target(%dma_start3A_107 : memref<40x768xf32, #tpu.memory_space<hbm>>) target_semaphore(%run_scoped3A : memref<!tpu.dma_semaphore, #tpu.memory_space<semaphore_mem>>)
        %dma_wait3A_108 = arith.constant 0 : i32
        %dma_wait3A_109 = tpu.memref_slice %arg7[%add3A_100, %dma_wait3A_108] : memref<20000x768xf32, #tpu.memory_space<hbm>> -> memref<40x768xf32, #tpu.memory_space<hbm>>
        %dma_wait3A_110 = arith.constant 0 : i32
        %dma_wait3A_111 = tpu.memref_slice %arg7[%add3A_100, %dma_wait3A_110] : memref<20000x768xf32, #tpu.memory_space<hbm>> -> memref<40x768xf32, #tpu.memory_space<hbm>>
        tpu.wait_dma2 semaphore(%run_scoped3A : memref<!tpu.dma_semaphore, #tpu.memory_space<semaphore_mem>>) src(%arg20 : memref<40x768xf32, #tpu.memory_space<vmem>>) dst(%dma_wait3A_111 : memref<40x768xf32, #tpu.memory_space<hbm>>)
        tpu.yield
      }) : () -> ()
      %dma_wait3A_101 = arith.constant 0 : i32
      %dma_wait3A_102 = arith.constant 0 : i32
      %dma_wait3A_103 = tpu.memref_slice %arg6[%dma_wait3A_101, %dma_wait3A_102] : memref<17911x128xf32, #tpu.memory_space<hbm>> -> memref<17911x128xf32, #tpu.memory_space<hbm>>
      tpu.wait_indirect_dma semaphore(%arg25 : memref<!tpu.dma_semaphore, #tpu.memory_space<semaphore_mem>>) src(%dma_wait3A_103 : memref<17911x128xf32, #tpu.memory_space<hbm>>) dst(%arg22 : memref<200x128xf32, #tpu.memory_space<vmem>>)
      "tpu.region"() ({
        %run_scoped3A = tpu.sem_alloc : memref<!tpu.dma_semaphore, #tpu.memory_space<semaphore_mem>>
        %dma_start3A_104 = arith.constant 0 : i32
        %dma_start3A_105 = tpu.memref_slice %arg8[%add3A_39, %dma_start3A_104] : memref<20000x128xf32, #tpu.memory_space<hbm>> -> memref<200x128xf32, #tpu.memory_space<hbm>>
        %dma_start3A_106 = arith.constant 0 : i32
        %dma_start3A_107 = tpu.memref_slice %arg8[%add3A_39, %dma_start3A_106] : memref<20000x128xf32, #tpu.memory_space<hbm>> -> memref<200x128xf32, #tpu.memory_space<hbm>>
        tpu.enqueue_dma source(%arg22 : memref<200x128xf32, #tpu.memory_space<vmem>>) target(%dma_start3A_107 : memref<200x128xf32, #tpu.memory_space<hbm>>) target_semaphore(%run_scoped3A : memref<!tpu.dma_semaphore, #tpu.memory_space<semaphore_mem>>)
        %dma_wait3A_108 = arith.constant 0 : i32
        %dma_wait3A_109 = tpu.memref_slice %arg8[%add3A_39, %dma_wait3A_108] : memref<20000x128xf32, #tpu.memory_space<hbm>> -> memref<200x128xf32, #tpu.memory_space<hbm>>
        %dma_wait3A_110 = arith.constant 0 : i32
        %dma_wait3A_111 = tpu.memref_slice %arg8[%add3A_39, %dma_wait3A_110] : memref<20000x128xf32, #tpu.memory_space<hbm>> -> memref<200x128xf32, #tpu.memory_space<hbm>>
        tpu.wait_dma2 semaphore(%run_scoped3A : memref<!tpu.dma_semaphore, #tpu.memory_space<semaphore_mem>>) src(%arg22 : memref<200x128xf32, #tpu.memory_space<vmem>>) dst(%dma_wait3A_111 : memref<200x128xf32, #tpu.memory_space<hbm>>)
        tpu.yield
      }) : () -> ()
    } else {
    }
    %sub3A_18 = arith.constant 15 : i32
    %sub3A_19 = arith.subi %sub3A_18, %arg1 : i32
    %add3A_20 = arith.constant 32 : i32
    %add3A_21 = arith.addi %add3A_20, %sub3A_19 : i32
    %lt3A_22 = arith.constant 50 : i32
    %lt3A_23 = arith.cmpi slt, %add3A_21, %lt3A_22 : i32
    %convert_element_type3A_24 = arith.extui %lt3A_23 : i1 to i32
    %cond3A_25 = arith.constant 0 : i32
    %cond3A_26 = arith.cmpi ne, %convert_element_type3A_24, %cond3A_25 : i32
    scf.if %cond3A_26 {
      %mul3A = arith.constant 10000 : i32
      %mul3A_36 = arith.muli %arg0, %mul3A : i32
      %mul3A_37 = arith.constant 200 : i32
      %mul3A_38 = arith.muli %add3A_21, %mul3A_37 : i32
      %add3A_39 = arith.addi %mul3A_36, %mul3A_38 : i32
      "tpu.region"() ({
        %run_scoped3A = tpu.sem_alloc : memref<!tpu.dma_semaphore, #tpu.memory_space<semaphore_mem>>
        %dma_start3A_104 = tpu.memref_slice %arg10[%add3A_39] : memref<20000xi32, #tpu.memory_space<hbm>> -> memref<200xi32, #tpu.memory_space<hbm>>
        %dma_start3A_105 = tpu.memref_slice %arg10[%add3A_39] : memref<20000xi32, #tpu.memory_space<hbm>> -> memref<200xi32, #tpu.memory_space<hbm>>
        tpu.enqueue_dma source(%dma_start3A_105 : memref<200xi32, #tpu.memory_space<hbm>>) target(%arg18 : memref<200xi32, #tpu.memory_space<vmem>>) target_semaphore(%run_scoped3A : memref<!tpu.dma_semaphore, #tpu.memory_space<semaphore_mem>>)
        %dma_wait3A_106 = tpu.memref_slice %arg10[%add3A_39] : memref<20000xi32, #tpu.memory_space<hbm>> -> memref<200xi32, #tpu.memory_space<hbm>>
        %dma_wait3A_107 = tpu.memref_slice %arg10[%add3A_39] : memref<20000xi32, #tpu.memory_space<hbm>> -> memref<200xi32, #tpu.memory_space<hbm>>
        tpu.wait_dma2 semaphore(%run_scoped3A : memref<!tpu.dma_semaphore, #tpu.memory_space<semaphore_mem>>) src(%dma_wait3A_107 : memref<200xi32, #tpu.memory_space<hbm>>) dst(%arg18 : memref<200xi32, #tpu.memory_space<vmem>>)
        tpu.yield
      }) : () -> ()
      "tpu.region"() ({
        %run_scoped3A = tpu.sem_alloc : memref<!tpu.dma_semaphore, #tpu.memory_space<semaphore_mem>>
        %dma_start3A_104 = tpu.memref_slice %arg11[%add3A_39] : memref<20000xi32, #tpu.memory_space<hbm>> -> memref<200xi32, #tpu.memory_space<hbm>>
        %dma_start3A_105 = tpu.memref_slice %arg11[%add3A_39] : memref<20000xi32, #tpu.memory_space<hbm>> -> memref<200xi32, #tpu.memory_space<hbm>>
        tpu.enqueue_dma source(%dma_start3A_105 : memref<200xi32, #tpu.memory_space<hbm>>) target(%arg19 : memref<200xi32, #tpu.memory_space<vmem>>) target_semaphore(%run_scoped3A : memref<!tpu.dma_semaphore, #tpu.memory_space<semaphore_mem>>)
        %dma_wait3A_106 = tpu.memref_slice %arg11[%add3A_39] : memref<20000xi32, #tpu.memory_space<hbm>> -> memref<200xi32, #tpu.memory_space<hbm>>
        %dma_wait3A_107 = tpu.memref_slice %arg11[%add3A_39] : memref<20000xi32, #tpu.memory_space<hbm>> -> memref<200xi32, #tpu.memory_space<hbm>>
        tpu.wait_dma2 semaphore(%run_scoped3A : memref<!tpu.dma_semaphore, #tpu.memory_space<semaphore_mem>>) src(%dma_wait3A_107 : memref<200xi32, #tpu.memory_space<hbm>>) dst(%arg19 : memref<200xi32, #tpu.memory_space<vmem>>)
        tpu.yield
      }) : () -> ()
      %dma_start3A = arith.constant 0 : i32
      %dma_start3A_40 = arith.constant 0 : i32
      %dma_start3A_41 = tpu.memref_slice %arg6[%dma_start3A, %dma_start3A_40] : memref<17911x128xf32, #tpu.memory_space<hbm>> -> memref<17911x128xf32, #tpu.memory_space<hbm>>
      tpu.enqueue_indirect_dma source(%dma_start3A_41 : memref<17911x128xf32, #tpu.memory_space<hbm>>) target(%arg22 : memref<200x128xf32, #tpu.memory_space<vmem>>) offsets(%arg19 : memref<200xi32, #tpu.memory_space<vmem>>) semaphore(%arg25 : memref<!tpu.dma_semaphore, #tpu.memory_space<semaphore_mem>>)
      %dma_start3A_42 = arith.constant 0 : i32
      %dma_start3A_43 = tpu.memref_slice %arg18[%dma_start3A_42] : memref<200xi32, #tpu.memory_space<vmem>> -> memref<40xi32, #tpu.memory_space<vmem>>
      %dma_start3A_44 = arith.constant 0 : i32
      %dma_start3A_45 = arith.constant 0 : i32
      %dma_start3A_46 = tpu.memref_slice %arg5[%dma_start3A_44, %dma_start3A_45] : memref<32768x768xf32, #tpu.memory_space<hbm>> -> memref<32768x768xf32, #tpu.memory_space<hbm>>
      tpu.enqueue_indirect_dma source(%dma_start3A_46 : memref<32768x768xf32, #tpu.memory_space<hbm>>) target(%arg20 : memref<40x768xf32, #tpu.memory_space<vmem>>) offsets(%dma_start3A_43 : memref<40xi32, #tpu.memory_space<vmem>>) semaphore(%arg23 : memref<!tpu.dma_semaphore, #tpu.memory_space<semaphore_mem>>)
      %dma_start3A_47 = arith.constant 40 : i32
      %dma_start3A_48 = tpu.memref_slice %arg18[%dma_start3A_47] : memref<200xi32, #tpu.memory_space<vmem>> -> memref<40xi32, #tpu.memory_space<vmem>>
      %dma_start3A_49 = arith.constant 0 : i32
      %dma_start3A_50 = arith.constant 0 : i32
      %dma_start3A_51 = tpu.memref_slice %arg5[%dma_start3A_49, %dma_start3A_50] : memref<32768x768xf32, #tpu.memory_space<hbm>> -> memref<32768x768xf32, #tpu.memory_space<hbm>>
      tpu.enqueue_indirect_dma source(%dma_start3A_51 : memref<32768x768xf32, #tpu.memory_space<hbm>>) target(%arg21 : memref<40x768xf32, #tpu.memory_space<vmem>>) offsets(%dma_start3A_48 : memref<40xi32, #tpu.memory_space<vmem>>) semaphore(%arg24 : memref<!tpu.dma_semaphore, #tpu.memory_space<semaphore_mem>>)
      %dma_wait3A = arith.constant 0 : i32
      %dma_wait3A_52 = tpu.memref_slice %arg18[%dma_wait3A] : memref<200xi32, #tpu.memory_space<vmem>> -> memref<40xi32, #tpu.memory_space<vmem>>
      %dma_wait3A_53 = arith.constant 0 : i32
      %dma_wait3A_54 = arith.constant 0 : i32
      %dma_wait3A_55 = tpu.memref_slice %arg5[%dma_wait3A_53, %dma_wait3A_54] : memref<32768x768xf32, #tpu.memory_space<hbm>> -> memref<32768x768xf32, #tpu.memory_space<hbm>>
      tpu.wait_indirect_dma semaphore(%arg23 : memref<!tpu.dma_semaphore, #tpu.memory_space<semaphore_mem>>) src(%dma_wait3A_55 : memref<32768x768xf32, #tpu.memory_space<hbm>>) dst(%arg20 : memref<40x768xf32, #tpu.memory_space<vmem>>)
      %add3A_56 = arith.constant 0 : i32
      %add3A_57 = arith.addi %add3A_39, %add3A_56 : i32
      "tpu.region"() ({
        %run_scoped3A = tpu.sem_alloc : memref<!tpu.dma_semaphore, #tpu.memory_space<semaphore_mem>>
        %dma_start3A_104 = arith.constant 0 : i32
        %dma_start3A_105 = tpu.memref_slice %arg7[%add3A_57, %dma_start3A_104] : memref<20000x768xf32, #tpu.memory_space<hbm>> -> memref<40x768xf32, #tpu.memory_space<hbm>>
        %dma_start3A_106 = arith.constant 0 : i32
        %dma_start3A_107 = tpu.memref_slice %arg7[%add3A_57, %dma_start3A_106] : memref<20000x768xf32, #tpu.memory_space<hbm>> -> memref<40x768xf32, #tpu.memory_space<hbm>>
        tpu.enqueue_dma source(%arg20 : memref<40x768xf32, #tpu.memory_space<vmem>>) target(%dma_start3A_107 : memref<40x768xf32, #tpu.memory_space<hbm>>) target_semaphore(%run_scoped3A : memref<!tpu.dma_semaphore, #tpu.memory_space<semaphore_mem>>)
        %dma_wait3A_108 = arith.constant 0 : i32
        %dma_wait3A_109 = tpu.memref_slice %arg7[%add3A_57, %dma_wait3A_108] : memref<20000x768xf32, #tpu.memory_space<hbm>> -> memref<40x768xf32, #tpu.memory_space<hbm>>
        %dma_wait3A_110 = arith.constant 0 : i32
        %dma_wait3A_111 = tpu.memref_slice %arg7[%add3A_57, %dma_wait3A_110] : memref<20000x768xf32, #tpu.memory_space<hbm>> -> memref<40x768xf32, #tpu.memory_space<hbm>>
        tpu.wait_dma2 semaphore(%run_scoped3A : memref<!tpu.dma_semaphore, #tpu.memory_space<semaphore_mem>>) src(%arg20 : memref<40x768xf32, #tpu.memory_space<vmem>>) dst(%dma_wait3A_111 : memref<40x768xf32, #tpu.memory_space<hbm>>)
        tpu.yield
      }) : () -> ()
      %dma_start3A_58 = arith.constant 80 : i32
      %dma_start3A_59 = tpu.memref_slice %arg18[%dma_start3A_58] : memref<200xi32, #tpu.memory_space<vmem>> -> memref<40xi32, #tpu.memory_space<vmem>>
      %dma_start3A_60 = arith.constant 0 : i32
      %dma_start3A_61 = arith.constant 0 : i32
      %dma_start3A_62 = tpu.memref_slice %arg5[%dma_start3A_60, %dma_start3A_61] : memref<32768x768xf32, #tpu.memory_space<hbm>> -> memref<32768x768xf32, #tpu.memory_space<hbm>>
      tpu.enqueue_indirect_dma source(%dma_start3A_62 : memref<32768x768xf32, #tpu.memory_space<hbm>>) target(%arg20 : memref<40x768xf32, #tpu.memory_space<vmem>>) offsets(%dma_start3A_59 : memref<40xi32, #tpu.memory_space<vmem>>) semaphore(%arg23 : memref<!tpu.dma_semaphore, #tpu.memory_space<semaphore_mem>>)
      %dma_wait3A_63 = arith.constant 40 : i32
      %dma_wait3A_64 = tpu.memref_slice %arg18[%dma_wait3A_63] : memref<200xi32, #tpu.memory_space<vmem>> -> memref<40xi32, #tpu.memory_space<vmem>>
      %dma_wait3A_65 = arith.constant 0 : i32
      %dma_wait3A_66 = arith.constant 0 : i32
      %dma_wait3A_67 = tpu.memref_slice %arg5[%dma_wait3A_65, %dma_wait3A_66] : memref<32768x768xf32, #tpu.memory_space<hbm>> -> memref<32768x768xf32, #tpu.memory_space<hbm>>
      tpu.wait_indirect_dma semaphore(%arg24 : memref<!tpu.dma_semaphore, #tpu.memory_space<semaphore_mem>>) src(%dma_wait3A_67 : memref<32768x768xf32, #tpu.memory_space<hbm>>) dst(%arg21 : memref<40x768xf32, #tpu.memory_space<vmem>>)
      %add3A_68 = arith.constant 40 : i32
      %add3A_69 = arith.addi %add3A_39, %add3A_68 : i32
      "tpu.region"() ({
        %run_scoped3A = tpu.sem_alloc : memref<!tpu.dma_semaphore, #tpu.memory_space<semaphore_mem>>
        %dma_start3A_104 = arith.constant 0 : i32
        %dma_start3A_105 = tpu.memref_slice %arg7[%add3A_69, %dma_start3A_104] : memref<20000x768xf32, #tpu.memory_space<hbm>> -> memref<40x768xf32, #tpu.memory_space<hbm>>
        %dma_start3A_106 = arith.constant 0 : i32
        %dma_start3A_107 = tpu.memref_slice %arg7[%add3A_69, %dma_start3A_106] : memref<20000x768xf32, #tpu.memory_space<hbm>> -> memref<40x768xf32, #tpu.memory_space<hbm>>
        tpu.enqueue_dma source(%arg21 : memref<40x768xf32, #tpu.memory_space<vmem>>) target(%dma_start3A_107 : memref<40x768xf32, #tpu.memory_space<hbm>>) target_semaphore(%run_scoped3A : memref<!tpu.dma_semaphore, #tpu.memory_space<semaphore_mem>>)
        %dma_wait3A_108 = arith.constant 0 : i32
        %dma_wait3A_109 = tpu.memref_slice %arg7[%add3A_69, %dma_wait3A_108] : memref<20000x768xf32, #tpu.memory_space<hbm>> -> memref<40x768xf32, #tpu.memory_space<hbm>>
        %dma_wait3A_110 = arith.constant 0 : i32
        %dma_wait3A_111 = tpu.memref_slice %arg7[%add3A_69, %dma_wait3A_110] : memref<20000x768xf32, #tpu.memory_space<hbm>> -> memref<40x768xf32, #tpu.memory_space<hbm>>
        tpu.wait_dma2 semaphore(%run_scoped3A : memref<!tpu.dma_semaphore, #tpu.memory_space<semaphore_mem>>) src(%arg21 : memref<40x768xf32, #tpu.memory_space<vmem>>) dst(%dma_wait3A_111 : memref<40x768xf32, #tpu.memory_space<hbm>>)
        tpu.yield
      }) : () -> ()
      %dma_start3A_70 = arith.constant 120 : i32
      %dma_start3A_71 = tpu.memref_slice %arg18[%dma_start3A_70] : memref<200xi32, #tpu.memory_space<vmem>> -> memref<40xi32, #tpu.memory_space<vmem>>
      %dma_start3A_72 = arith.constant 0 : i32
      %dma_start3A_73 = arith.constant 0 : i32
      %dma_start3A_74 = tpu.memref_slice %arg5[%dma_start3A_72, %dma_start3A_73] : memref<32768x768xf32, #tpu.memory_space<hbm>> -> memref<32768x768xf32, #tpu.memory_space<hbm>>
      tpu.enqueue_indirect_dma source(%dma_start3A_74 : memref<32768x768xf32, #tpu.memory_space<hbm>>) target(%arg21 : memref<40x768xf32, #tpu.memory_space<vmem>>) offsets(%dma_start3A_71 : memref<40xi32, #tpu.memory_space<vmem>>) semaphore(%arg24 : memref<!tpu.dma_semaphore, #tpu.memory_space<semaphore_mem>>)
      %dma_wait3A_75 = arith.constant 80 : i32
      %dma_wait3A_76 = tpu.memref_slice %arg18[%dma_wait3A_75] : memref<200xi32, #tpu.memory_space<vmem>> -> memref<40xi32, #tpu.memory_space<vmem>>
      %dma_wait3A_77 = arith.constant 0 : i32
      %dma_wait3A_78 = arith.constant 0 : i32
      %dma_wait3A_79 = tpu.memref_slice %arg5[%dma_wait3A_77, %dma_wait3A_78] : memref<32768x768xf32, #tpu.memory_space<hbm>> -> memref<32768x768xf32, #tpu.memory_space<hbm>>
      tpu.wait_indirect_dma semaphore(%arg23 : memref<!tpu.dma_semaphore, #tpu.memory_space<semaphore_mem>>) src(%dma_wait3A_79 : memref<32768x768xf32, #tpu.memory_space<hbm>>) dst(%arg20 : memref<40x768xf32, #tpu.memory_space<vmem>>)
      %add3A_80 = arith.constant 80 : i32
      %add3A_81 = arith.addi %add3A_39, %add3A_80 : i32
      "tpu.region"() ({
        %run_scoped3A = tpu.sem_alloc : memref<!tpu.dma_semaphore, #tpu.memory_space<semaphore_mem>>
        %dma_start3A_104 = arith.constant 0 : i32
        %dma_start3A_105 = tpu.memref_slice %arg7[%add3A_81, %dma_start3A_104] : memref<20000x768xf32, #tpu.memory_space<hbm>> -> memref<40x768xf32, #tpu.memory_space<hbm>>
        %dma_start3A_106 = arith.constant 0 : i32
        %dma_start3A_107 = tpu.memref_slice %arg7[%add3A_81, %dma_start3A_106] : memref<20000x768xf32, #tpu.memory_space<hbm>> -> memref<40x768xf32, #tpu.memory_space<hbm>>
        tpu.enqueue_dma source(%arg20 : memref<40x768xf32, #tpu.memory_space<vmem>>) target(%dma_start3A_107 : memref<40x768xf32, #tpu.memory_space<hbm>>) target_semaphore(%run_scoped3A : memref<!tpu.dma_semaphore, #tpu.memory_space<semaphore_mem>>)
        %dma_wait3A_108 = arith.constant 0 : i32
        %dma_wait3A_109 = tpu.memref_slice %arg7[%add3A_81, %dma_wait3A_108] : memref<20000x768xf32, #tpu.memory_space<hbm>> -> memref<40x768xf32, #tpu.memory_space<hbm>>
        %dma_wait3A_110 = arith.constant 0 : i32
        %dma_wait3A_111 = tpu.memref_slice %arg7[%add3A_81, %dma_wait3A_110] : memref<20000x768xf32, #tpu.memory_space<hbm>> -> memref<40x768xf32, #tpu.memory_space<hbm>>
        tpu.wait_dma2 semaphore(%run_scoped3A : memref<!tpu.dma_semaphore, #tpu.memory_space<semaphore_mem>>) src(%arg20 : memref<40x768xf32, #tpu.memory_space<vmem>>) dst(%dma_wait3A_111 : memref<40x768xf32, #tpu.memory_space<hbm>>)
        tpu.yield
      }) : () -> ()
      %dma_start3A_82 = arith.constant 160 : i32
      %dma_start3A_83 = tpu.memref_slice %arg18[%dma_start3A_82] : memref<200xi32, #tpu.memory_space<vmem>> -> memref<40xi32, #tpu.memory_space<vmem>>
      %dma_start3A_84 = arith.constant 0 : i32
      %dma_start3A_85 = arith.constant 0 : i32
      %dma_start3A_86 = tpu.memref_slice %arg5[%dma_start3A_84, %dma_start3A_85] : memref<32768x768xf32, #tpu.memory_space<hbm>> -> memref<32768x768xf32, #tpu.memory_space<hbm>>
      tpu.enqueue_indirect_dma source(%dma_start3A_86 : memref<32768x768xf32, #tpu.memory_space<hbm>>) target(%arg20 : memref<40x768xf32, #tpu.memory_space<vmem>>) offsets(%dma_start3A_83 : memref<40xi32, #tpu.memory_space<vmem>>) semaphore(%arg23 : memref<!tpu.dma_semaphore, #tpu.memory_space<semaphore_mem>>)
      %dma_wait3A_87 = arith.constant 120 : i32
      %dma_wait3A_88 = tpu.memref_slice %arg18[%dma_wait3A_87] : memref<200xi32, #tpu.memory_space<vmem>> -> memref<40xi32, #tpu.memory_space<vmem>>
      %dma_wait3A_89 = arith.constant 0 : i32
      %dma_wait3A_90 = arith.constant 0 : i32
      %dma_wait3A_91 = tpu.memref_slice %arg5[%dma_wait3A_89, %dma_wait3A_90] : memref<32768x768xf32, #tpu.memory_space<hbm>> -> memref<32768x768xf32, #tpu.memory_space<hbm>>
      tpu.wait_indirect_dma semaphore(%arg24 : memref<!tpu.dma_semaphore, #tpu.memory_space<semaphore_mem>>) src(%dma_wait3A_91 : memref<32768x768xf32, #tpu.memory_space<hbm>>) dst(%arg21 : memref<40x768xf32, #tpu.memory_space<vmem>>)
      %add3A_92 = arith.constant 120 : i32
      %add3A_93 = arith.addi %add3A_39, %add3A_92 : i32
      "tpu.region"() ({
        %run_scoped3A = tpu.sem_alloc : memref<!tpu.dma_semaphore, #tpu.memory_space<semaphore_mem>>
        %dma_start3A_104 = arith.constant 0 : i32
        %dma_start3A_105 = tpu.memref_slice %arg7[%add3A_93, %dma_start3A_104] : memref<20000x768xf32, #tpu.memory_space<hbm>> -> memref<40x768xf32, #tpu.memory_space<hbm>>
        %dma_start3A_106 = arith.constant 0 : i32
        %dma_start3A_107 = tpu.memref_slice %arg7[%add3A_93, %dma_start3A_106] : memref<20000x768xf32, #tpu.memory_space<hbm>> -> memref<40x768xf32, #tpu.memory_space<hbm>>
        tpu.enqueue_dma source(%arg21 : memref<40x768xf32, #tpu.memory_space<vmem>>) target(%dma_start3A_107 : memref<40x768xf32, #tpu.memory_space<hbm>>) target_semaphore(%run_scoped3A : memref<!tpu.dma_semaphore, #tpu.memory_space<semaphore_mem>>)
        %dma_wait3A_108 = arith.constant 0 : i32
        %dma_wait3A_109 = tpu.memref_slice %arg7[%add3A_93, %dma_wait3A_108] : memref<20000x768xf32, #tpu.memory_space<hbm>> -> memref<40x768xf32, #tpu.memory_space<hbm>>
        %dma_wait3A_110 = arith.constant 0 : i32
        %dma_wait3A_111 = tpu.memref_slice %arg7[%add3A_93, %dma_wait3A_110] : memref<20000x768xf32, #tpu.memory_space<hbm>> -> memref<40x768xf32, #tpu.memory_space<hbm>>
        tpu.wait_dma2 semaphore(%run_scoped3A : memref<!tpu.dma_semaphore, #tpu.memory_space<semaphore_mem>>) src(%arg21 : memref<40x768xf32, #tpu.memory_space<vmem>>) dst(%dma_wait3A_111 : memref<40x768xf32, #tpu.memory_space<hbm>>)
        tpu.yield
      }) : () -> ()
      %dma_wait3A_94 = arith.constant 160 : i32
      %dma_wait3A_95 = tpu.memref_slice %arg18[%dma_wait3A_94] : memref<200xi32, #tpu.memory_space<vmem>> -> memref<40xi32, #tpu.memory_space<vmem>>
      %dma_wait3A_96 = arith.constant 0 : i32
      %dma_wait3A_97 = arith.constant 0 : i32
      %dma_wait3A_98 = tpu.memref_slice %arg5[%dma_wait3A_96, %dma_wait3A_97] : memref<32768x768xf32, #tpu.memory_space<hbm>> -> memref<32768x768xf32, #tpu.memory_space<hbm>>
      tpu.wait_indirect_dma semaphore(%arg23 : memref<!tpu.dma_semaphore, #tpu.memory_space<semaphore_mem>>) src(%dma_wait3A_98 : memref<32768x768xf32, #tpu.memory_space<hbm>>) dst(%arg20 : memref<40x768xf32, #tpu.memory_space<vmem>>)
      %add3A_99 = arith.constant 160 : i32
      %add3A_100 = arith.addi %add3A_39, %add3A_99 : i32
      "tpu.region"() ({
        %run_scoped3A = tpu.sem_alloc : memref<!tpu.dma_semaphore, #tpu.memory_space<semaphore_mem>>
        %dma_start3A_104 = arith.constant 0 : i32
        %dma_start3A_105 = tpu.memref_slice %arg7[%add3A_100, %dma_start3A_104] : memref<20000x768xf32, #tpu.memory_space<hbm>> -> memref<40x768xf32, #tpu.memory_space<hbm>>
        %dma_start3A_106 = arith.constant 0 : i32
        %dma_start3A_107 = tpu.memref_slice %arg7[%add3A_100, %dma_start3A_106] : memref<20000x768xf32, #tpu.memory_space<hbm>> -> memref<40x768xf32, #tpu.memory_space<hbm>>
        tpu.enqueue_dma source(%arg20 : memref<40x768xf32, #tpu.memory_space<vmem>>) target(%dma_start3A_107 : memref<40x768xf32, #tpu.memory_space<hbm>>) target_semaphore(%run_scoped3A : memref<!tpu.dma_semaphore, #tpu.memory_space<semaphore_mem>>)
        %dma_wait3A_108 = arith.constant 0 : i32
        %dma_wait3A_109 = tpu.memref_slice %arg7[%add3A_100, %dma_wait3A_108] : memref<20000x768xf32, #tpu.memory_space<hbm>> -> memref<40x768xf32, #tpu.memory_space<hbm>>
        %dma_wait3A_110 = arith.constant 0 : i32
        %dma_wait3A_111 = tpu.memref_slice %arg7[%add3A_100, %dma_wait3A_110] : memref<20000x768xf32, #tpu.memory_space<hbm>> -> memref<40x768xf32, #tpu.memory_space<hbm>>
        tpu.wait_dma2 semaphore(%run_scoped3A : memref<!tpu.dma_semaphore, #tpu.memory_space<semaphore_mem>>) src(%arg20 : memref<40x768xf32, #tpu.memory_space<vmem>>) dst(%dma_wait3A_111 : memref<40x768xf32, #tpu.memory_space<hbm>>)
        tpu.yield
      }) : () -> ()
      %dma_wait3A_101 = arith.constant 0 : i32
      %dma_wait3A_102 = arith.constant 0 : i32
      %dma_wait3A_103 = tpu.memref_slice %arg6[%dma_wait3A_101, %dma_wait3A_102] : memref<17911x128xf32, #tpu.memory_space<hbm>> -> memref<17911x128xf32, #tpu.memory_space<hbm>>
      tpu.wait_indirect_dma semaphore(%arg25 : memref<!tpu.dma_semaphore, #tpu.memory_space<semaphore_mem>>) src(%dma_wait3A_103 : memref<17911x128xf32, #tpu.memory_space<hbm>>) dst(%arg22 : memref<200x128xf32, #tpu.memory_space<vmem>>)
      "tpu.region"() ({
        %run_scoped3A = tpu.sem_alloc : memref<!tpu.dma_semaphore, #tpu.memory_space<semaphore_mem>>
        %dma_start3A_104 = arith.constant 0 : i32
        %dma_start3A_105 = tpu.memref_slice %arg8[%add3A_39, %dma_start3A_104] : memref<20000x128xf32, #tpu.memory_space<hbm>> -> memref<200x128xf32, #tpu.memory_space<hbm>>
        %dma_start3A_106 = arith.constant 0 : i32
        %dma_start3A_107 = tpu.memref_slice %arg8[%add3A_39, %dma_start3A_106] : memref<20000x128xf32, #tpu.memory_space<hbm>> -> memref<200x128xf32, #tpu.memory_space<hbm>>
        tpu.enqueue_dma source(%arg22 : memref<200x128xf32, #tpu.memory_space<vmem>>) target(%dma_start3A_107 : memref<200x128xf32, #tpu.memory_space<hbm>>) target_semaphore(%run_scoped3A : memref<!tpu.dma_semaphore, #tpu.memory_space<semaphore_mem>>)
        %dma_wait3A_108 = arith.constant 0 : i32
        %dma_wait3A_109 = tpu.memref_slice %arg8[%add3A_39, %dma_wait3A_108] : memref<20000x128xf32, #tpu.memory_space<hbm>> -> memref<200x128xf32, #tpu.memory_space<hbm>>
        %dma_wait3A_110 = arith.constant 0 : i32
        %dma_wait3A_111 = tpu.memref_slice %arg8[%add3A_39, %dma_wait3A_110] : memref<20000x128xf32, #tpu.memory_space<hbm>> -> memref<200x128xf32, #tpu.memory_space<hbm>>
        tpu.wait_dma2 semaphore(%run_scoped3A : memref<!tpu.dma_semaphore, #tpu.memory_space<semaphore_mem>>) src(%arg22 : memref<200x128xf32, #tpu.memory_space<vmem>>) dst(%dma_wait3A_111 : memref<200x128xf32, #tpu.memory_space<hbm>>)
        tpu.yield
      }) : () -> ()
    } else {
    }
    %sub3A_27 = arith.constant 15 : i32
    %sub3A_28 = arith.subi %sub3A_27, %arg1 : i32
    %add3A_29 = arith.constant 48 : i32
    %add3A_30 = arith.addi %add3A_29, %sub3A_28 : i32
    %lt3A_31 = arith.constant 50 : i32
    %lt3A_32 = arith.cmpi slt, %add3A_30, %lt3A_31 : i32
    %convert_element_type3A_33 = arith.extui %lt3A_32 : i1 to i32
    %cond3A_34 = arith.constant 0 : i32
    %cond3A_35 = arith.cmpi ne, %convert_element_type3A_33, %cond3A_34 : i32
    scf.if %cond3A_35 {
      %mul3A = arith.constant 10000 : i32
      %mul3A_36 = arith.muli %arg0, %mul3A : i32
      %mul3A_37 = arith.constant 200 : i32
      %mul3A_38 = arith.muli %add3A_30, %mul3A_37 : i32
      %add3A_39 = arith.addi %mul3A_36, %mul3A_38 : i32
      "tpu.region"() ({
        %run_scoped3A = tpu.sem_alloc : memref<!tpu.dma_semaphore, #tpu.memory_space<semaphore_mem>>
        %dma_start3A_104 = tpu.memref_slice %arg10[%add3A_39] : memref<20000xi32, #tpu.memory_space<hbm>> -> memref<200xi32, #tpu.memory_space<hbm>>
        %dma_start3A_105 = tpu.memref_slice %arg10[%add3A_39] : memref<20000xi32, #tpu.memory_space<hbm>> -> memref<200xi32, #tpu.memory_space<hbm>>
        tpu.enqueue_dma source(%dma_start3A_105 : memref<200xi32, #tpu.memory_space<hbm>>) target(%arg18 : memref<200xi32, #tpu.memory_space<vmem>>) target_semaphore(%run_scoped3A : memref<!tpu.dma_semaphore, #tpu.memory_space<semaphore_mem>>)
        %dma_wait3A_106 = tpu.memref_slice %arg10[%add3A_39] : memref<20000xi32, #tpu.memory_space<hbm>> -> memref<200xi32, #tpu.memory_space<hbm>>
        %dma_wait3A_107 = tpu.memref_slice %arg10[%add3A_39] : memref<20000xi32, #tpu.memory_space<hbm>> -> memref<200xi32, #tpu.memory_space<hbm>>
        tpu.wait_dma2 semaphore(%run_scoped3A : memref<!tpu.dma_semaphore, #tpu.memory_space<semaphore_mem>>) src(%dma_wait3A_107 : memref<200xi32, #tpu.memory_space<hbm>>) dst(%arg18 : memref<200xi32, #tpu.memory_space<vmem>>)
        tpu.yield
      }) : () -> ()
      "tpu.region"() ({
        %run_scoped3A = tpu.sem_alloc : memref<!tpu.dma_semaphore, #tpu.memory_space<semaphore_mem>>
        %dma_start3A_104 = tpu.memref_slice %arg11[%add3A_39] : memref<20000xi32, #tpu.memory_space<hbm>> -> memref<200xi32, #tpu.memory_space<hbm>>
        %dma_start3A_105 = tpu.memref_slice %arg11[%add3A_39] : memref<20000xi32, #tpu.memory_space<hbm>> -> memref<200xi32, #tpu.memory_space<hbm>>
        tpu.enqueue_dma source(%dma_start3A_105 : memref<200xi32, #tpu.memory_space<hbm>>) target(%arg19 : memref<200xi32, #tpu.memory_space<vmem>>) target_semaphore(%run_scoped3A : memref<!tpu.dma_semaphore, #tpu.memory_space<semaphore_mem>>)
        %dma_wait3A_106 = tpu.memref_slice %arg11[%add3A_39] : memref<20000xi32, #tpu.memory_space<hbm>> -> memref<200xi32, #tpu.memory_space<hbm>>
        %dma_wait3A_107 = tpu.memref_slice %arg11[%add3A_39] : memref<20000xi32, #tpu.memory_space<hbm>> -> memref<200xi32, #tpu.memory_space<hbm>>
        tpu.wait_dma2 semaphore(%run_scoped3A : memref<!tpu.dma_semaphore, #tpu.memory_space<semaphore_mem>>) src(%dma_wait3A_107 : memref<200xi32, #tpu.memory_space<hbm>>) dst(%arg19 : memref<200xi32, #tpu.memory_space<vmem>>)
        tpu.yield
      }) : () -> ()
      %dma_start3A = arith.constant 0 : i32
      %dma_start3A_40 = arith.constant 0 : i32
      %dma_start3A_41 = tpu.memref_slice %arg6[%dma_start3A, %dma_start3A_40] : memref<17911x128xf32, #tpu.memory_space<hbm>> -> memref<17911x128xf32, #tpu.memory_space<hbm>>
      tpu.enqueue_indirect_dma source(%dma_start3A_41 : memref<17911x128xf32, #tpu.memory_space<hbm>>) target(%arg22 : memref<200x128xf32, #tpu.memory_space<vmem>>) offsets(%arg19 : memref<200xi32, #tpu.memory_space<vmem>>) semaphore(%arg25 : memref<!tpu.dma_semaphore, #tpu.memory_space<semaphore_mem>>)
      %dma_start3A_42 = arith.constant 0 : i32
      %dma_start3A_43 = tpu.memref_slice %arg18[%dma_start3A_42] : memref<200xi32, #tpu.memory_space<vmem>> -> memref<40xi32, #tpu.memory_space<vmem>>
      %dma_start3A_44 = arith.constant 0 : i32
      %dma_start3A_45 = arith.constant 0 : i32
      %dma_start3A_46 = tpu.memref_slice %arg5[%dma_start3A_44, %dma_start3A_45] : memref<32768x768xf32, #tpu.memory_space<hbm>> -> memref<32768x768xf32, #tpu.memory_space<hbm>>
      tpu.enqueue_indirect_dma source(%dma_start3A_46 : memref<32768x768xf32, #tpu.memory_space<hbm>>) target(%arg20 : memref<40x768xf32, #tpu.memory_space<vmem>>) offsets(%dma_start3A_43 : memref<40xi32, #tpu.memory_space<vmem>>) semaphore(%arg23 : memref<!tpu.dma_semaphore, #tpu.memory_space<semaphore_mem>>)
      %dma_start3A_47 = arith.constant 40 : i32
      %dma_start3A_48 = tpu.memref_slice %arg18[%dma_start3A_47] : memref<200xi32, #tpu.memory_space<vmem>> -> memref<40xi32, #tpu.memory_space<vmem>>
      %dma_start3A_49 = arith.constant 0 : i32
      %dma_start3A_50 = arith.constant 0 : i32
      %dma_start3A_51 = tpu.memref_slice %arg5[%dma_start3A_49, %dma_start3A_50] : memref<32768x768xf32, #tpu.memory_space<hbm>> -> memref<32768x768xf32, #tpu.memory_space<hbm>>
      tpu.enqueue_indirect_dma source(%dma_start3A_51 : memref<32768x768xf32, #tpu.memory_space<hbm>>) target(%arg21 : memref<40x768xf32, #tpu.memory_space<vmem>>) offsets(%dma_start3A_48 : memref<40xi32, #tpu.memory_space<vmem>>) semaphore(%arg24 : memref<!tpu.dma_semaphore, #tpu.memory_space<semaphore_mem>>)
      %dma_wait3A = arith.constant 0 : i32
      %dma_wait3A_52 = tpu.memref_slice %arg18[%dma_wait3A] : memref<200xi32, #tpu.memory_space<vmem>> -> memref<40xi32, #tpu.memory_space<vmem>>
      %dma_wait3A_53 = arith.constant 0 : i32
      %dma_wait3A_54 = arith.constant 0 : i32
      %dma_wait3A_55 = tpu.memref_slice %arg5[%dma_wait3A_53, %dma_wait3A_54] : memref<32768x768xf32, #tpu.memory_space<hbm>> -> memref<32768x768xf32, #tpu.memory_space<hbm>>
      tpu.wait_indirect_dma semaphore(%arg23 : memref<!tpu.dma_semaphore, #tpu.memory_space<semaphore_mem>>) src(%dma_wait3A_55 : memref<32768x768xf32, #tpu.memory_space<hbm>>) dst(%arg20 : memref<40x768xf32, #tpu.memory_space<vmem>>)
      %add3A_56 = arith.constant 0 : i32
      %add3A_57 = arith.addi %add3A_39, %add3A_56 : i32
      "tpu.region"() ({
        %run_scoped3A = tpu.sem_alloc : memref<!tpu.dma_semaphore, #tpu.memory_space<semaphore_mem>>
        %dma_start3A_104 = arith.constant 0 : i32
        %dma_start3A_105 = tpu.memref_slice %arg7[%add3A_57, %dma_start3A_104] : memref<20000x768xf32, #tpu.memory_space<hbm>> -> memref<40x768xf32, #tpu.memory_space<hbm>>
        %dma_start3A_106 = arith.constant 0 : i32
        %dma_start3A_107 = tpu.memref_slice %arg7[%add3A_57, %dma_start3A_106] : memref<20000x768xf32, #tpu.memory_space<hbm>> -> memref<40x768xf32, #tpu.memory_space<hbm>>
        tpu.enqueue_dma source(%arg20 : memref<40x768xf32, #tpu.memory_space<vmem>>) target(%dma_start3A_107 : memref<40x768xf32, #tpu.memory_space<hbm>>) target_semaphore(%run_scoped3A : memref<!tpu.dma_semaphore, #tpu.memory_space<semaphore_mem>>)
        %dma_wait3A_108 = arith.constant 0 : i32
        %dma_wait3A_109 = tpu.memref_slice %arg7[%add3A_57, %dma_wait3A_108] : memref<20000x768xf32, #tpu.memory_space<hbm>> -> memref<40x768xf32, #tpu.memory_space<hbm>>
        %dma_wait3A_110 = arith.constant 0 : i32
        %dma_wait3A_111 = tpu.memref_slice %arg7[%add3A_57, %dma_wait3A_110] : memref<20000x768xf32, #tpu.memory_space<hbm>> -> memref<40x768xf32, #tpu.memory_space<hbm>>
        tpu.wait_dma2 semaphore(%run_scoped3A : memref<!tpu.dma_semaphore, #tpu.memory_space<semaphore_mem>>) src(%arg20 : memref<40x768xf32, #tpu.memory_space<vmem>>) dst(%dma_wait3A_111 : memref<40x768xf32, #tpu.memory_space<hbm>>)
        tpu.yield
      }) : () -> ()
      %dma_start3A_58 = arith.constant 80 : i32
      %dma_start3A_59 = tpu.memref_slice %arg18[%dma_start3A_58] : memref<200xi32, #tpu.memory_space<vmem>> -> memref<40xi32, #tpu.memory_space<vmem>>
      %dma_start3A_60 = arith.constant 0 : i32
      %dma_start3A_61 = arith.constant 0 : i32
      %dma_start3A_62 = tpu.memref_slice %arg5[%dma_start3A_60, %dma_start3A_61] : memref<32768x768xf32, #tpu.memory_space<hbm>> -> memref<32768x768xf32, #tpu.memory_space<hbm>>
      tpu.enqueue_indirect_dma source(%dma_start3A_62 : memref<32768x768xf32, #tpu.memory_space<hbm>>) target(%arg20 : memref<40x768xf32, #tpu.memory_space<vmem>>) offsets(%dma_start3A_59 : memref<40xi32, #tpu.memory_space<vmem>>) semaphore(%arg23 : memref<!tpu.dma_semaphore, #tpu.memory_space<semaphore_mem>>)
      %dma_wait3A_63 = arith.constant 40 : i32
      %dma_wait3A_64 = tpu.memref_slice %arg18[%dma_wait3A_63] : memref<200xi32, #tpu.memory_space<vmem>> -> memref<40xi32, #tpu.memory_space<vmem>>
      %dma_wait3A_65 = arith.constant 0 : i32
      %dma_wait3A_66 = arith.constant 0 : i32
      %dma_wait3A_67 = tpu.memref_slice %arg5[%dma_wait3A_65, %dma_wait3A_66] : memref<32768x768xf32, #tpu.memory_space<hbm>> -> memref<32768x768xf32, #tpu.memory_space<hbm>>
      tpu.wait_indirect_dma semaphore(%arg24 : memref<!tpu.dma_semaphore, #tpu.memory_space<semaphore_mem>>) src(%dma_wait3A_67 : memref<32768x768xf32, #tpu.memory_space<hbm>>) dst(%arg21 : memref<40x768xf32, #tpu.memory_space<vmem>>)
      %add3A_68 = arith.constant 40 : i32
      %add3A_69 = arith.addi %add3A_39, %add3A_68 : i32
      "tpu.region"() ({
        %run_scoped3A = tpu.sem_alloc : memref<!tpu.dma_semaphore, #tpu.memory_space<semaphore_mem>>
        %dma_start3A_104 = arith.constant 0 : i32
        %dma_start3A_105 = tpu.memref_slice %arg7[%add3A_69, %dma_start3A_104] : memref<20000x768xf32, #tpu.memory_space<hbm>> -> memref<40x768xf32, #tpu.memory_space<hbm>>
        %dma_start3A_106 = arith.constant 0 : i32
        %dma_start3A_107 = tpu.memref_slice %arg7[%add3A_69, %dma_start3A_106] : memref<20000x768xf32, #tpu.memory_space<hbm>> -> memref<40x768xf32, #tpu.memory_space<hbm>>
        tpu.enqueue_dma source(%arg21 : memref<40x768xf32, #tpu.memory_space<vmem>>) target(%dma_start3A_107 : memref<40x768xf32, #tpu.memory_space<hbm>>) target_semaphore(%run_scoped3A : memref<!tpu.dma_semaphore, #tpu.memory_space<semaphore_mem>>)
        %dma_wait3A_108 = arith.constant 0 : i32
        %dma_wait3A_109 = tpu.memref_slice %arg7[%add3A_69, %dma_wait3A_108] : memref<20000x768xf32, #tpu.memory_space<hbm>> -> memref<40x768xf32, #tpu.memory_space<hbm>>
        %dma_wait3A_110 = arith.constant 0 : i32
        %dma_wait3A_111 = tpu.memref_slice %arg7[%add3A_69, %dma_wait3A_110] : memref<20000x768xf32, #tpu.memory_space<hbm>> -> memref<40x768xf32, #tpu.memory_space<hbm>>
        tpu.wait_dma2 semaphore(%run_scoped3A : memref<!tpu.dma_semaphore, #tpu.memory_space<semaphore_mem>>) src(%arg21 : memref<40x768xf32, #tpu.memory_space<vmem>>) dst(%dma_wait3A_111 : memref<40x768xf32, #tpu.memory_space<hbm>>)
        tpu.yield
      }) : () -> ()
      %dma_start3A_70 = arith.constant 120 : i32
      %dma_start3A_71 = tpu.memref_slice %arg18[%dma_start3A_70] : memref<200xi32, #tpu.memory_space<vmem>> -> memref<40xi32, #tpu.memory_space<vmem>>
      %dma_start3A_72 = arith.constant 0 : i32
      %dma_start3A_73 = arith.constant 0 : i32
      %dma_start3A_74 = tpu.memref_slice %arg5[%dma_start3A_72, %dma_start3A_73] : memref<32768x768xf32, #tpu.memory_space<hbm>> -> memref<32768x768xf32, #tpu.memory_space<hbm>>
      tpu.enqueue_indirect_dma source(%dma_start3A_74 : memref<32768x768xf32, #tpu.memory_space<hbm>>) target(%arg21 : memref<40x768xf32, #tpu.memory_space<vmem>>) offsets(%dma_start3A_71 : memref<40xi32, #tpu.memory_space<vmem>>) semaphore(%arg24 : memref<!tpu.dma_semaphore, #tpu.memory_space<semaphore_mem>>)
      %dma_wait3A_75 = arith.constant 80 : i32
      %dma_wait3A_76 = tpu.memref_slice %arg18[%dma_wait3A_75] : memref<200xi32, #tpu.memory_space<vmem>> -> memref<40xi32, #tpu.memory_space<vmem>>
      %dma_wait3A_77 = arith.constant 0 : i32
      %dma_wait3A_78 = arith.constant 0 : i32
      %dma_wait3A_79 = tpu.memref_slice %arg5[%dma_wait3A_77, %dma_wait3A_78] : memref<32768x768xf32, #tpu.memory_space<hbm>> -> memref<32768x768xf32, #tpu.memory_space<hbm>>
      tpu.wait_indirect_dma semaphore(%arg23 : memref<!tpu.dma_semaphore, #tpu.memory_space<semaphore_mem>>) src(%dma_wait3A_79 : memref<32768x768xf32, #tpu.memory_space<hbm>>) dst(%arg20 : memref<40x768xf32, #tpu.memory_space<vmem>>)
      %add3A_80 = arith.constant 80 : i32
      %add3A_81 = arith.addi %add3A_39, %add3A_80 : i32
      "tpu.region"() ({
        %run_scoped3A = tpu.sem_alloc : memref<!tpu.dma_semaphore, #tpu.memory_space<semaphore_mem>>
        %dma_start3A_104 = arith.constant 0 : i32
        %dma_start3A_105 = tpu.memref_slice %arg7[%add3A_81, %dma_start3A_104] : memref<20000x768xf32, #tpu.memory_space<hbm>> -> memref<40x768xf32, #tpu.memory_space<hbm>>
        %dma_start3A_106 = arith.constant 0 : i32
        %dma_start3A_107 = tpu.memref_slice %arg7[%add3A_81, %dma_start3A_106] : memref<20000x768xf32, #tpu.memory_space<hbm>> -> memref<40x768xf32, #tpu.memory_space<hbm>>
        tpu.enqueue_dma source(%arg20 : memref<40x768xf32, #tpu.memory_space<vmem>>) target(%dma_start3A_107 : memref<40x768xf32, #tpu.memory_space<hbm>>) target_semaphore(%run_scoped3A : memref<!tpu.dma_semaphore, #tpu.memory_space<semaphore_mem>>)
        %dma_wait3A_108 = arith.constant 0 : i32
        %dma_wait3A_109 = tpu.memref_slice %arg7[%add3A_81, %dma_wait3A_108] : memref<20000x768xf32, #tpu.memory_space<hbm>> -> memref<40x768xf32, #tpu.memory_space<hbm>>
        %dma_wait3A_110 = arith.constant 0 : i32
        %dma_wait3A_111 = tpu.memref_slice %arg7[%add3A_81, %dma_wait3A_110] : memref<20000x768xf32, #tpu.memory_space<hbm>> -> memref<40x768xf32, #tpu.memory_space<hbm>>
        tpu.wait_dma2 semaphore(%run_scoped3A : memref<!tpu.dma_semaphore, #tpu.memory_space<semaphore_mem>>) src(%arg20 : memref<40x768xf32, #tpu.memory_space<vmem>>) dst(%dma_wait3A_111 : memref<40x768xf32, #tpu.memory_space<hbm>>)
        tpu.yield
      }) : () -> ()
      %dma_start3A_82 = arith.constant 160 : i32
      %dma_start3A_83 = tpu.memref_slice %arg18[%dma_start3A_82] : memref<200xi32, #tpu.memory_space<vmem>> -> memref<40xi32, #tpu.memory_space<vmem>>
      %dma_start3A_84 = arith.constant 0 : i32
      %dma_start3A_85 = arith.constant 0 : i32
      %dma_start3A_86 = tpu.memref_slice %arg5[%dma_start3A_84, %dma_start3A_85] : memref<32768x768xf32, #tpu.memory_space<hbm>> -> memref<32768x768xf32, #tpu.memory_space<hbm>>
      tpu.enqueue_indirect_dma source(%dma_start3A_86 : memref<32768x768xf32, #tpu.memory_space<hbm>>) target(%arg20 : memref<40x768xf32, #tpu.memory_space<vmem>>) offsets(%dma_start3A_83 : memref<40xi32, #tpu.memory_space<vmem>>) semaphore(%arg23 : memref<!tpu.dma_semaphore, #tpu.memory_space<semaphore_mem>>)
      %dma_wait3A_87 = arith.constant 120 : i32
      %dma_wait3A_88 = tpu.memref_slice %arg18[%dma_wait3A_87] : memref<200xi32, #tpu.memory_space<vmem>> -> memref<40xi32, #tpu.memory_space<vmem>>
      %dma_wait3A_89 = arith.constant 0 : i32
      %dma_wait3A_90 = arith.constant 0 : i32
      %dma_wait3A_91 = tpu.memref_slice %arg5[%dma_wait3A_89, %dma_wait3A_90] : memref<32768x768xf32, #tpu.memory_space<hbm>> -> memref<32768x768xf32, #tpu.memory_space<hbm>>
      tpu.wait_indirect_dma semaphore(%arg24 : memref<!tpu.dma_semaphore, #tpu.memory_space<semaphore_mem>>) src(%dma_wait3A_91 : memref<32768x768xf32, #tpu.memory_space<hbm>>) dst(%arg21 : memref<40x768xf32, #tpu.memory_space<vmem>>)
      %add3A_92 = arith.constant 120 : i32
      %add3A_93 = arith.addi %add3A_39, %add3A_92 : i32
      "tpu.region"() ({
        %run_scoped3A = tpu.sem_alloc : memref<!tpu.dma_semaphore, #tpu.memory_space<semaphore_mem>>
        %dma_start3A_104 = arith.constant 0 : i32
        %dma_start3A_105 = tpu.memref_slice %arg7[%add3A_93, %dma_start3A_104] : memref<20000x768xf32, #tpu.memory_space<hbm>> -> memref<40x768xf32, #tpu.memory_space<hbm>>
        %dma_start3A_106 = arith.constant 0 : i32
        %dma_start3A_107 = tpu.memref_slice %arg7[%add3A_93, %dma_start3A_106] : memref<20000x768xf32, #tpu.memory_space<hbm>> -> memref<40x768xf32, #tpu.memory_space<hbm>>
        tpu.enqueue_dma source(%arg21 : memref<40x768xf32, #tpu.memory_space<vmem>>) target(%dma_start3A_107 : memref<40x768xf32, #tpu.memory_space<hbm>>) target_semaphore(%run_scoped3A : memref<!tpu.dma_semaphore, #tpu.memory_space<semaphore_mem>>)
        %dma_wait3A_108 = arith.constant 0 : i32
        %dma_wait3A_109 = tpu.memref_slice %arg7[%add3A_93, %dma_wait3A_108] : memref<20000x768xf32, #tpu.memory_space<hbm>> -> memref<40x768xf32, #tpu.memory_space<hbm>>
        %dma_wait3A_110 = arith.constant 0 : i32
        %dma_wait3A_111 = tpu.memref_slice %arg7[%add3A_93, %dma_wait3A_110] : memref<20000x768xf32, #tpu.memory_space<hbm>> -> memref<40x768xf32, #tpu.memory_space<hbm>>
        tpu.wait_dma2 semaphore(%run_scoped3A : memref<!tpu.dma_semaphore, #tpu.memory_space<semaphore_mem>>) src(%arg21 : memref<40x768xf32, #tpu.memory_space<vmem>>) dst(%dma_wait3A_111 : memref<40x768xf32, #tpu.memory_space<hbm>>)
        tpu.yield
      }) : () -> ()
      %dma_wait3A_94 = arith.constant 160 : i32
      %dma_wait3A_95 = tpu.memref_slice %arg18[%dma_wait3A_94] : memref<200xi32, #tpu.memory_space<vmem>> -> memref<40xi32, #tpu.memory_space<vmem>>
      %dma_wait3A_96 = arith.constant 0 : i32
      %dma_wait3A_97 = arith.constant 0 : i32
      %dma_wait3A_98 = tpu.memref_slice %arg5[%dma_wait3A_96, %dma_wait3A_97] : memref<32768x768xf32, #tpu.memory_space<hbm>> -> memref<32768x768xf32, #tpu.memory_space<hbm>>
      tpu.wait_indirect_dma semaphore(%arg23 : memref<!tpu.dma_semaphore, #tpu.memory_space<semaphore_mem>>) src(%dma_wait3A_98 : memref<32768x768xf32, #tpu.memory_space<hbm>>) dst(%arg20 : memref<40x768xf32, #tpu.memory_space<vmem>>)
      %add3A_99 = arith.constant 160 : i32
      %add3A_100 = arith.addi %add3A_39, %add3A_99 : i32
      "tpu.region"() ({
        %run_scoped3A = tpu.sem_alloc : memref<!tpu.dma_semaphore, #tpu.memory_space<semaphore_mem>>
        %dma_start3A_104 = arith.constant 0 : i32
        %dma_start3A_105 = tpu.memref_slice %arg7[%add3A_100, %dma_start3A_104] : memref<20000x768xf32, #tpu.memory_space<hbm>> -> memref<40x768xf32, #tpu.memory_space<hbm>>
        %dma_start3A_106 = arith.constant 0 : i32
        %dma_start3A_107 = tpu.memref_slice %arg7[%add3A_100, %dma_start3A_106] : memref<20000x768xf32, #tpu.memory_space<hbm>> -> memref<40x768xf32, #tpu.memory_space<hbm>>
        tpu.enqueue_dma source(%arg20 : memref<40x768xf32, #tpu.memory_space<vmem>>) target(%dma_start3A_107 : memref<40x768xf32, #tpu.memory_space<hbm>>) target_semaphore(%run_scoped3A : memref<!tpu.dma_semaphore, #tpu.memory_space<semaphore_mem>>)
        %dma_wait3A_108 = arith.constant 0 : i32
        %dma_wait3A_109 = tpu.memref_slice %arg7[%add3A_100, %dma_wait3A_108] : memref<20000x768xf32, #tpu.memory_space<hbm>> -> memref<40x768xf32, #tpu.memory_space<hbm>>
        %dma_wait3A_110 = arith.constant 0 : i32
        %dma_wait3A_111 = tpu.memref_slice %arg7[%add3A_100, %dma_wait3A_110] : memref<20000x768xf32, #tpu.memory_space<hbm>> -> memref<40x768xf32, #tpu.memory_space<hbm>>
        tpu.wait_dma2 semaphore(%run_scoped3A : memref<!tpu.dma_semaphore, #tpu.memory_space<semaphore_mem>>) src(%arg20 : memref<40x768xf32, #tpu.memory_space<vmem>>) dst(%dma_wait3A_111 : memref<40x768xf32, #tpu.memory_space<hbm>>)
        tpu.yield
      }) : () -> ()
      %dma_wait3A_101 = arith.constant 0 : i32
      %dma_wait3A_102 = arith.constant 0 : i32
      %dma_wait3A_103 = tpu.memref_slice %arg6[%dma_wait3A_101, %dma_wait3A_102] : memref<17911x128xf32, #tpu.memory_space<hbm>> -> memref<17911x128xf32, #tpu.memory_space<hbm>>
      tpu.wait_indirect_dma semaphore(%arg25 : memref<!tpu.dma_semaphore, #tpu.memory_space<semaphore_mem>>) src(%dma_wait3A_103 : memref<17911x128xf32, #tpu.memory_space<hbm>>) dst(%arg22 : memref<200x128xf32, #tpu.memory_space<vmem>>)
      "tpu.region"() ({
        %run_scoped3A = tpu.sem_alloc : memref<!tpu.dma_semaphore, #tpu.memory_space<semaphore_mem>>
        %dma_start3A_104 = arith.constant 0 : i32
        %dma_start3A_105 = tpu.memref_slice %arg8[%add3A_39, %dma_start3A_104] : memref<20000x128xf32, #tpu.memory_space<hbm>> -> memref<200x128xf32, #tpu.memory_space<hbm>>
        %dma_start3A_106 = arith.constant 0 : i32
        %dma_start3A_107 = tpu.memref_slice %arg8[%add3A_39, %dma_start3A_106] : memref<20000x128xf32, #tpu.memory_space<hbm>> -> memref<200x128xf32, #tpu.memory_space<hbm>>
        tpu.enqueue_dma source(%arg22 : memref<200x128xf32, #tpu.memory_space<vmem>>) target(%dma_start3A_107 : memref<200x128xf32, #tpu.memory_space<hbm>>) target_semaphore(%run_scoped3A : memref<!tpu.dma_semaphore, #tpu.memory_space<semaphore_mem>>)
        %dma_wait3A_108 = arith.constant 0 : i32
        %dma_wait3A_109 = tpu.memref_slice %arg8[%add3A_39, %dma_wait3A_108] : memref<20000x128xf32, #tpu.memory_space<hbm>> -> memref<200x128xf32, #tpu.memory_space<hbm>>
        %dma_wait3A_110 = arith.constant 0 : i32
        %dma_wait3A_111 = tpu.memref_slice %arg8[%add3A_39, %dma_wait3A_110] : memref<20000x128xf32, #tpu.memory_space<hbm>> -> memref<200x128xf32, #tpu.memory_space<hbm>>
        tpu.wait_dma2 semaphore(%run_scoped3A : memref<!tpu.dma_semaphore, #tpu.memory_space<semaphore_mem>>) src(%arg22 : memref<200x128xf32, #tpu.memory_space<vmem>>) dst(%dma_wait3A_111 : memref<200x128xf32, #tpu.memory_space<hbm>>)
        tpu.yield
      }) : () -> ()
    } else {
    }
    return
  }
}

module attributes {stable_mosaic.version = 14 : i64} {
  func.func @_rank_body(%arg0: i32, %arg1: memref<1x1x8192xf32, #tpu.memory_space<vmem>>, %arg2: memref<4480x128xf32, #tpu.memory_space<vmem>>, %arg3: memref<4480x128xf32, #tpu.memory_space<vmem>>, %arg4: memref<256x128xf32, #tpu.memory_space<vmem>>, %arg5: memref<1x128xf32, #tpu.memory_space<vmem>>, %arg6: memref<1x1x8192xi32, #tpu.memory_space<vmem>>, %arg7: memref<4480x128xf32, #tpu.memory_space<vmem>>, %arg8: memref<1x8192xi32, #tpu.memory_space<vmem>>, %arg9: memref<1024x1024xf32, #tpu.memory_space<vmem>>) attributes {dimension_semantics = [#tpu.dimension_semantics<arbitrary>], iteration_bounds = array<i64: 4>, scalar_prefetch = 0 : i64, scratch_operands = 2 : i64, tpu.core_type = #tpu.core_type<tc>, window_params = [{transform_indices = @transform_0, window_bounds = array<i64: 1, 1, 8192>}, {transform_indices = @transform_1, window_bounds = array<i64: 4480, 128>}, {transform_indices = @transform_2, window_bounds = array<i64: 4480, 128>}, {pipeline_mode = #tpu.pipeline_mode<synchronous>, transform_indices = @transform_3, window_bounds = array<i64: 256, 128>}, {pipeline_mode = #tpu.pipeline_mode<synchronous>, transform_indices = @transform_4, window_bounds = array<i64: 1, 128>}, {transform_indices = @transform_5, window_bounds = array<i64: 1, 1, 8192>}, {transform_indices = @transform_6, window_bounds = array<i64: 4480, 128>}]} {
    %get3A = arith.constant 0 : index
    %get3A_0 = arith.constant 0 : index
    %get3A_1 = vector.load %arg4[%get3A, %get3A_0] : memref<256x128xf32, #tpu.memory_space<vmem>>, vector<256x128xf32>
    %get3A_2 = arith.constant 0 : index
    %get3A_3 = arith.constant 0 : index
    %get3A_4 = vector.load %arg2[%get3A_2, %get3A_3] : memref<4480x128xf32, #tpu.memory_space<vmem>>, vector<4480x128xf32>
    %slice3A = vector.extract_strided_slice %get3A_1 {offsets = [0, 0], sizes = [128, 128], strides = [1, 1]} : vector<256x128xf32> to vector<128x128xf32>
    %dot_general3A = arith.constant dense<0.000000e+00> : vector<4480x128xf32>
    %dot_general3A_5 = tpu.matmul %get3A_4, %slice3A, %dot_general3A {dimension_numbers = #tpu.dot_dimension_numbers<[1], [0], [0], [1], [0, 0, 1, 1], [], []>, transpose_lhs_hint = false} : vector<4480x128xf32>, vector<128x128xf32>, vector<4480x128xf32> -> vector<4480x128xf32>
    %get3A_6 = arith.constant 0 : index
    %get3A_7 = arith.constant 0 : index
    %get3A_8 = vector.load %arg3[%get3A_6, %get3A_7] : memref<4480x128xf32, #tpu.memory_space<vmem>>, vector<4480x128xf32>
    %slice3A_9 = vector.extract_strided_slice %get3A_1 {offsets = [128, 0], sizes = [128, 128], strides = [1, 1]} : vector<256x128xf32> to vector<128x128xf32>
    %dot_general3A_10 = arith.constant dense<0.000000e+00> : vector<4480x128xf32>
    %dot_general3A_11 = tpu.matmul %get3A_8, %slice3A_9, %dot_general3A_10 {dimension_numbers = #tpu.dot_dimension_numbers<[1], [0], [0], [1], [0, 0, 1, 1], [], []>, transpose_lhs_hint = false} : vector<4480x128xf32>, vector<128x128xf32>, vector<4480x128xf32> -> vector<4480x128xf32>
    %add3A = arith.addf %dot_general3A_5, %dot_general3A_11 : vector<4480x128xf32>
    %get3A_12 = arith.constant 0 : index
    %get3A_13 = arith.constant 0 : index
    %get3A_14 = vector.load %arg5[%get3A_12, %get3A_13] : memref<1x128xf32, #tpu.memory_space<vmem>>, vector<1x128xf32>
    %add3A_15 = vector.broadcast %get3A_14 : vector<1x128xf32> to vector<4480x128xf32>
    %add3A_16 = arith.addf %add3A, %add3A_15 : vector<4480x128xf32>
    %swap3A = arith.constant 0 : index
    %swap3A_17 = arith.constant 0 : index
    %swap3A_18 = vector.load %arg7[%swap3A, %swap3A_17] : memref<4480x128xf32, #tpu.memory_space<vmem>>, vector<4480x128xf32>
    tpu.vector_store %arg7[%swap3A, %swap3A_17], %add3A_16 {strides = array<i32>} : memref<4480x128xf32, #tpu.memory_space<vmem>>, vector<4480x128xf32>,
    %get3A_19 = arith.constant 0 : index
    %get3A_20 = arith.constant 0 : index
    %get3A_21 = arith.constant 0 : index
    %get3A_22 = vector.load %arg1[%get3A_19, %get3A_20, %get3A_21] : memref<1x1x8192xf32, #tpu.memory_space<vmem>>, vector<1x1x8192xf32>
    %get3A_23 = vector.shape_cast %get3A_22 : vector<1x1x8192xf32> to vector<8192xf32>
    %bitcast_convert_type3A = tpu.bitcast %get3A_23 : vector<8192xf32> -> vector<8192xi32>
    %ge3A = arith.constant 0 : i32
    %ge3A_24 = vector.broadcast %ge3A : i32 to vector<8192xi32>
    %ge3A_25 = arith.cmpi sge, %bitcast_convert_type3A, %ge3A_24 : vector<8192xi32>
    %broadcast_in_dim3A = arith.constant 2147483647 : i32
    %broadcast_in_dim3A_26 = vector.broadcast %broadcast_in_dim3A : i32 to vector<8192xi32>
    %sub3A = arith.subi %broadcast_in_dim3A_26, %bitcast_convert_type3A : vector<8192xi32>
    %select_n3A = arith.select %ge3A_25, %bitcast_convert_type3A, %sub3A : vector<8192xi1>, vector<8192xi32>
    %swap3A_27 = arith.constant 0 : index
    %swap3A_28 = arith.constant 0 : index
    %swap3A_29 = vector.load %arg8[%swap3A_27, %swap3A_28] : memref<1x8192xi32, #tpu.memory_space<vmem>>, vector<1x8192xi32>
    %swap3A_30 = vector.shape_cast %swap3A_29 : vector<1x8192xi32> to vector<8192xi32>
    %swap3A_31 = vector.shape_cast %select_n3A : vector<8192xi32> to vector<1x8192xi32>
    tpu.vector_store %arg8[%swap3A_27, %swap3A_28], %swap3A_31 {strides = array<i32>} : memref<1x8192xi32, #tpu.memory_space<vmem>>, vector<1x8192xi32>,
    %iota3A = tpu.iota {dimensions = array<i32: 1>} : vector<1024x1024xi32>
    %iota3A_32 = tpu.iota {dimensions = array<i32: 0>} : vector<1024x1024xi32>
    %lt3A = arith.cmpi slt, %iota3A_32, %iota3A : vector<1024x1024xi32>
    %scan3A = arith.constant 0 : i32
    %scan3A_33 = arith.constant 8 : i32
    %scan3A_34 = arith.addi %scan3A, %scan3A_33 : i32
    %scan3A_35 = arith.constant 1 : i32
    scf.for %scan3A_37 = %scan3A to %scan3A_34 step %scan3A_35  : i32 {
      %mul3A = arith.constant 1024 : i32
      %mul3A_38 = arith.muli %scan3A_37, %mul3A : i32
      %get3A_39 = arith.constant 0 : index
      %get3A_40 = arith.index_cast %mul3A_38 : i32 to index
      %get3A_41 = vector.load %arg8[%get3A_39, %get3A_40] : memref<1x8192xi32, #tpu.memory_space<vmem>>, vector<1x1024xi32>
      %get3A_42 = vector.shape_cast %get3A_41 : vector<1x1024xi32> to vector<1024xi32>
      %broadcast_in_dim3A_43 = vector.shape_cast %get3A_42 : vector<1024xi32> to vector<1x1024xi32>
      %mul3A_44 = arith.constant 1024 : i32
      %mul3A_45 = arith.muli %scan3A_37, %mul3A_44 : i32
      %get3A_46 = arith.constant 0 : index
      %get3A_47 = arith.index_cast %mul3A_45 : i32 to index
      %get3A_48 = vector.load %arg8[%get3A_46, %get3A_47] : memref<1x8192xi32, #tpu.memory_space<vmem>>, vector<1x1024xi32>
      %get3A_49 = vector.shape_cast %get3A_48 : vector<1x1024xi32> to vector<1024xi32>
      %broadcast_in_dim3A_50 = vector.shape_cast %get3A_49 : vector<1024xi32> to vector<1024x1xi32>
      %gt3A = vector.broadcast %broadcast_in_dim3A_50 : vector<1024x1xi32> to vector<1024x1024xi32>
      %gt3A_51 = vector.broadcast %broadcast_in_dim3A_43 : vector<1x1024xi32> to vector<1024x1024xi32>
      %gt3A_52 = arith.cmpi sgt, %gt3A, %gt3A_51 : vector<1024x1024xi32>
      %mul3A_53 = arith.constant 1024 : i32
      %mul3A_54 = arith.muli %scan3A_37, %mul3A_53 : i32
      %get3A_55 = arith.constant 0 : index
      %get3A_56 = arith.index_cast %mul3A_54 : i32 to index
      %get3A_57 = vector.load %arg8[%get3A_55, %get3A_56] : memref<1x8192xi32, #tpu.memory_space<vmem>>, vector<1x1024xi32>
      %get3A_58 = vector.shape_cast %get3A_57 : vector<1x1024xi32> to vector<1024xi32>
      %broadcast_in_dim3A_59 = vector.shape_cast %get3A_58 : vector<1024xi32> to vector<1024x1xi32>
      %eq3A = vector.broadcast %broadcast_in_dim3A_59 : vector<1024x1xi32> to vector<1024x1024xi32>
      %eq3A_60 = vector.broadcast %broadcast_in_dim3A_43 : vector<1x1024xi32> to vector<1024x1024xi32>
      %eq3A_61 = arith.cmpi eq, %eq3A, %eq3A_60 : vector<1024x1024xi32>
      %and3A = arith.andi %eq3A_61, %lt3A : vector<1024x1024xi1>
      %or3A = arith.ori %gt3A_52, %and3A : vector<1024x1024xi1>
      %convert_element_type3A = arith.extui %or3A : vector<1024x1024xi1> to vector<1024x1024xi32>
      %convert_element_type3A_62 = arith.sitofp %convert_element_type3A : vector<1024x1024xi32> to vector<1024x1024xf32>
      %swap3A_63 = arith.constant 0 : index
      %swap3A_64 = arith.constant 0 : index
      %swap3A_65 = vector.load %arg9[%swap3A_63, %swap3A_64] : memref<1024x1024xf32, #tpu.memory_space<vmem>>, vector<1024x1024xf32>
      tpu.vector_store %arg9[%swap3A_63, %swap3A_64], %convert_element_type3A_62 {strides = array<i32>} : memref<1024x1024xf32, #tpu.memory_space<vmem>>, vector<1024x1024xf32>,
      %while3A = arith.constant 0 : i32
      %while3A_66 = arith.constant 0 : i32
      %while3A_67 = arith.subi %scan3A_37, %while3A_66 : i32
      %while3A_68 = arith.addi %while3A_66, %while3A_67 : i32
      %while3A_69 = arith.constant 1 : i32
      %while3A_70 = arith.divsi %while3A_67, %while3A_69 : i32
      %while3A_71 = arith.muli %while3A_70, %while3A_69 : i32
      %while3A_72 = arith.addi %while3A_66, %while3A_71 : i32
      %while3A_73 = arith.constant 1 : i32
      scf.for %while3A_100 = %while3A_66 to %while3A_72 step %while3A_73  : i32 {
        %mul3A_101 = arith.constant 1024 : i32
        %mul3A_102 = arith.muli %while3A_100, %mul3A_101 : i32
        %get3A_103 = arith.constant 0 : index
        %get3A_104 = arith.index_cast %mul3A_102 : i32 to index
        %get3A_105 = vector.load %arg8[%get3A_103, %get3A_104] : memref<1x8192xi32, #tpu.memory_space<vmem>>, vector<1x1024xi32>
        %get3A_106 = vector.shape_cast %get3A_105 : vector<1x1024xi32> to vector<1024xi32>
        %broadcast_in_dim3A_107 = vector.shape_cast %get3A_106 : vector<1024xi32> to vector<1024x1xi32>
        %get3A_108 = arith.constant 0 : index
        %get3A_109 = arith.constant 0 : index
        %get3A_110 = vector.load %arg9[%get3A_108, %get3A_109] : memref<1024x1024xf32, #tpu.memory_space<vmem>>, vector<1024x1024xf32>
        %ge3A_111 = vector.broadcast %broadcast_in_dim3A_107 : vector<1024x1xi32> to vector<1024x1024xi32>
        %ge3A_112 = vector.broadcast %broadcast_in_dim3A_43 : vector<1x1024xi32> to vector<1024x1024xi32>
        %ge3A_113 = arith.cmpi sge, %ge3A_111, %ge3A_112 : vector<1024x1024xi32>
        %convert_element_type3A_114 = arith.extui %ge3A_113 : vector<1024x1024xi1> to vector<1024x1024xi32>
        %convert_element_type3A_115 = arith.sitofp %convert_element_type3A_114 : vector<1024x1024xi32> to vector<1024x1024xf32>
        %add3A_116 = arith.addf %get3A_110, %convert_element_type3A_115 : vector<1024x1024xf32>
        %swap3A_117 = arith.constant 0 : index
        %swap3A_118 = arith.constant 0 : index
        %swap3A_119 = vector.load %arg9[%swap3A_117, %swap3A_118] : memref<1024x1024xf32, #tpu.memory_space<vmem>>, vector<1024x1024xf32>
        tpu.vector_store %arg9[%swap3A_117, %swap3A_118], %add3A_116 {strides = array<i32>} : memref<1024x1024xf32, #tpu.memory_space<vmem>>, vector<1024x1024xf32>,
      }
      %while3A_74 = arith.constant 1 : i32
      scf.for %while3A_100 = %while3A_72 to %while3A_68 step %while3A_74  : i32 {
        %mul3A_101 = arith.constant 1024 : i32
        %mul3A_102 = arith.muli %while3A_100, %mul3A_101 : i32
        %get3A_103 = arith.constant 0 : index
        %get3A_104 = arith.index_cast %mul3A_102 : i32 to index
        %get3A_105 = vector.load %arg8[%get3A_103, %get3A_104] : memref<1x8192xi32, #tpu.memory_space<vmem>>, vector<1x1024xi32>
        %get3A_106 = vector.shape_cast %get3A_105 : vector<1x1024xi32> to vector<1024xi32>
        %broadcast_in_dim3A_107 = vector.shape_cast %get3A_106 : vector<1024xi32> to vector<1024x1xi32>
        %get3A_108 = arith.constant 0 : index
        %get3A_109 = arith.constant 0 : index
        %get3A_110 = vector.load %arg9[%get3A_108, %get3A_109] : memref<1024x1024xf32, #tpu.memory_space<vmem>>, vector<1024x1024xf32>
        %ge3A_111 = vector.broadcast %broadcast_in_dim3A_107 : vector<1024x1xi32> to vector<1024x1024xi32>
        %ge3A_112 = vector.broadcast %broadcast_in_dim3A_43 : vector<1x1024xi32> to vector<1024x1024xi32>
        %ge3A_113 = arith.cmpi sge, %ge3A_111, %ge3A_112 : vector<1024x1024xi32>
        %convert_element_type3A_114 = arith.extui %ge3A_113 : vector<1024x1024xi1> to vector<1024x1024xi32>
        %convert_element_type3A_115 = arith.sitofp %convert_element_type3A_114 : vector<1024x1024xi32> to vector<1024x1024xf32>
        %add3A_116 = arith.addf %get3A_110, %convert_element_type3A_115 : vector<1024x1024xf32>
        %swap3A_117 = arith.constant 0 : index
        %swap3A_118 = arith.constant 0 : index
        %swap3A_119 = vector.load %arg9[%swap3A_117, %swap3A_118] : memref<1024x1024xf32, #tpu.memory_space<vmem>>, vector<1024x1024xf32>
        tpu.vector_store %arg9[%swap3A_117, %swap3A_118], %add3A_116 {strides = array<i32>} : memref<1024x1024xf32, #tpu.memory_space<vmem>>, vector<1024x1024xf32>,
      }
      %add3A_75 = arith.constant 1 : i32
      %add3A_76 = arith.addi %scan3A_37, %add3A_75 : i32
      %while3A_77 = arith.constant 0 : i32
      %while3A_78 = arith.constant 8 : i32
      %while3A_79 = arith.subi %while3A_78, %add3A_76 : i32
      %while3A_80 = arith.addi %add3A_76, %while3A_79 : i32
      %while3A_81 = arith.constant 1 : i32
      %while3A_82 = arith.divsi %while3A_79, %while3A_81 : i32
      %while3A_83 = arith.muli %while3A_82, %while3A_81 : i32
      %while3A_84 = arith.addi %add3A_76, %while3A_83 : i32
      %while3A_85 = arith.constant 1 : i32
      scf.for %while3A_100 = %add3A_76 to %while3A_84 step %while3A_85  : i32 {
        %mul3A_101 = arith.constant 1024 : i32
        %mul3A_102 = arith.muli %while3A_100, %mul3A_101 : i32
        %get3A_103 = arith.constant 0 : index
        %get3A_104 = arith.index_cast %mul3A_102 : i32 to index
        %get3A_105 = vector.load %arg8[%get3A_103, %get3A_104] : memref<1x8192xi32, #tpu.memory_space<vmem>>, vector<1x1024xi32>
        %get3A_106 = vector.shape_cast %get3A_105 : vector<1x1024xi32> to vector<1024xi32>
        %broadcast_in_dim3A_107 = vector.shape_cast %get3A_106 : vector<1024xi32> to vector<1024x1xi32>
        %get3A_108 = arith.constant 0 : index
        %get3A_109 = arith.constant 0 : index
        %get3A_110 = vector.load %arg9[%get3A_108, %get3A_109] : memref<1024x1024xf32, #tpu.memory_space<vmem>>, vector<1024x1024xf32>
        %gt3A_111 = vector.broadcast %broadcast_in_dim3A_107 : vector<1024x1xi32> to vector<1024x1024xi32>
        %gt3A_112 = vector.broadcast %broadcast_in_dim3A_43 : vector<1x1024xi32> to vector<1024x1024xi32>
        %gt3A_113 = arith.cmpi sgt, %gt3A_111, %gt3A_112 : vector<1024x1024xi32>
        %convert_element_type3A_114 = arith.extui %gt3A_113 : vector<1024x1024xi1> to vector<1024x1024xi32>
        %convert_element_type3A_115 = arith.sitofp %convert_element_type3A_114 : vector<1024x1024xi32> to vector<1024x1024xf32>
        %add3A_116 = arith.addf %get3A_110, %convert_element_type3A_115 : vector<1024x1024xf32>
        %swap3A_117 = arith.constant 0 : index
        %swap3A_118 = arith.constant 0 : index
        %swap3A_119 = vector.load %arg9[%swap3A_117, %swap3A_118] : memref<1024x1024xf32, #tpu.memory_space<vmem>>, vector<1024x1024xf32>
        tpu.vector_store %arg9[%swap3A_117, %swap3A_118], %add3A_116 {strides = array<i32>} : memref<1024x1024xf32, #tpu.memory_space<vmem>>, vector<1024x1024xf32>,
      }
      %while3A_86 = arith.constant 1 : i32
      scf.for %while3A_100 = %while3A_84 to %while3A_80 step %while3A_86  : i32 {
        %mul3A_101 = arith.constant 1024 : i32
        %mul3A_102 = arith.muli %while3A_100, %mul3A_101 : i32
        %get3A_103 = arith.constant 0 : index
        %get3A_104 = arith.index_cast %mul3A_102 : i32 to index
        %get3A_105 = vector.load %arg8[%get3A_103, %get3A_104] : memref<1x8192xi32, #tpu.memory_space<vmem>>, vector<1x1024xi32>
        %get3A_106 = vector.shape_cast %get3A_105 : vector<1x1024xi32> to vector<1024xi32>
        %broadcast_in_dim3A_107 = vector.shape_cast %get3A_106 : vector<1024xi32> to vector<1024x1xi32>
        %get3A_108 = arith.constant 0 : index
        %get3A_109 = arith.constant 0 : index
        %get3A_110 = vector.load %arg9[%get3A_108, %get3A_109] : memref<1024x1024xf32, #tpu.memory_space<vmem>>, vector<1024x1024xf32>
        %gt3A_111 = vector.broadcast %broadcast_in_dim3A_107 : vector<1024x1xi32> to vector<1024x1024xi32>
        %gt3A_112 = vector.broadcast %broadcast_in_dim3A_43 : vector<1x1024xi32> to vector<1024x1024xi32>
        %gt3A_113 = arith.cmpi sgt, %gt3A_111, %gt3A_112 : vector<1024x1024xi32>
        %convert_element_type3A_114 = arith.extui %gt3A_113 : vector<1024x1024xi1> to vector<1024x1024xi32>
        %convert_element_type3A_115 = arith.sitofp %convert_element_type3A_114 : vector<1024x1024xi32> to vector<1024x1024xf32>
        %add3A_116 = arith.addf %get3A_110, %convert_element_type3A_115 : vector<1024x1024xf32>
        %swap3A_117 = arith.constant 0 : index
        %swap3A_118 = arith.constant 0 : index
        %swap3A_119 = vector.load %arg9[%swap3A_117, %swap3A_118] : memref<1024x1024xf32, #tpu.memory_space<vmem>>, vector<1024x1024xf32>
        tpu.vector_store %arg9[%swap3A_117, %swap3A_118], %add3A_116 {strides = array<i32>} : memref<1024x1024xf32, #tpu.memory_space<vmem>>, vector<1024x1024xf32>,
      }
      %get3A_87 = arith.constant 0 : index
      %get3A_88 = arith.constant 0 : index
      %get3A_89 = vector.load %arg9[%get3A_87, %get3A_88] : memref<1024x1024xf32, #tpu.memory_space<vmem>>, vector<1024x1024xf32>
      %reduce_sum3A = arith.constant dense<0.000000e+00> : vector<1024xf32>
      %reduce_sum3A_90 = vector.multi_reduction <add>, %get3A_89, %reduce_sum3A [0] : vector<1024x1024xf32> to vector<1024xf32>
      %convert_element_type3A_91 = arith.fptosi %reduce_sum3A_90 : vector<1024xf32> to vector<1024xi32>
      %mul3A_92 = arith.constant 1024 : i32
      %mul3A_93 = arith.muli %scan3A_37, %mul3A_92 : i32
      %swap3A_94 = arith.constant 0 : index
      %swap3A_95 = arith.constant 0 : index
      %swap3A_96 = arith.index_cast %mul3A_93 : i32 to index
      %swap3A_97 = vector.load %arg6[%swap3A_94, %swap3A_95, %swap3A_96] : memref<1x1x8192xi32, #tpu.memory_space<vmem>>, vector<1x1x1024xi32>
      %swap3A_98 = vector.shape_cast %swap3A_97 : vector<1x1x1024xi32> to vector<1024xi32>
      %swap3A_99 = vector.shape_cast %convert_element_type3A_91 : vector<1024xi32> to vector<1x1x1024xi32>
      tpu.vector_store %arg6[%swap3A_94, %swap3A_95, %swap3A_96], %swap3A_99 {strides = array<i32>} : memref<1x1x8192xi32, #tpu.memory_space<vmem>>, vector<1x1x1024xi32>,
    }
    %scan3A_36 = arith.constant 8 : i32
    return
  }
  func.func @transform_0(%arg0: i32) -> (i32, i32, i32) {
    %c0_i32 = arith.constant 0 : i32
    %c0_i32_0 = arith.constant 0 : i32
    %c0_i32_1 = arith.constant 0 : i32
    return %arg0, %c0_i32, %c0_i32_0 : i32, i32, i32
  }
  func.func @transform_1(%arg0: i32) -> (i32, i32) {
    %c0_i32 = arith.constant 0 : i32
    %c0_i32_0 = arith.constant 0 : i32
    return %arg0, %c0_i32 : i32, i32
  }
  func.func @transform_2(%arg0: i32) -> (i32, i32) {
    %c0_i32 = arith.constant 0 : i32
    %c0_i32_0 = arith.constant 0 : i32
    return %arg0, %c0_i32 : i32, i32
  }
  func.func @transform_3(%arg0: i32) -> (i32, i32) {
    %c0_i32 = arith.constant 0 : i32
    %c0_i32_0 = arith.constant 0 : i32
    %c0_i32_1 = arith.constant 0 : i32
    return %c0_i32, %c0_i32_0 : i32, i32
  }
  func.func @transform_4(%arg0: i32) -> (i32, i32) {
    %c0_i32 = arith.constant 0 : i32
    %c0_i32_0 = arith.constant 0 : i32
    %c0_i32_1 = arith.constant 0 : i32
    return %c0_i32, %c0_i32_0 : i32, i32
  }
  func.func @transform_5(%arg0: i32) -> (i32, i32, i32) {
    %c0_i32 = arith.constant 0 : i32
    %c0_i32_0 = arith.constant 0 : i32
    %c0_i32_1 = arith.constant 0 : i32
    return %arg0, %c0_i32, %c0_i32_0 : i32, i32, i32
  }
  func.func @transform_6(%arg0: i32) -> (i32, i32) {
    %c0_i32 = arith.constant 0 : i32
    %c0_i32_0 = arith.constant 0 : i32
    return %arg0, %c0_i32 : i32, i32
  }
}

module attributes {stable_mosaic.version = 14 : i64} {
  func.func @_mlp_body(%arg0: i32, %arg1: memref<800x768xf32, #tpu.memory_space<vmem>>, %arg2: memref<800x128xf32, #tpu.memory_space<vmem>>, %arg3: memref<800x1xf32, #tpu.memory_space<vmem>>, %arg4: memref<768x768xf32, #tpu.memory_space<vmem>>, %arg5: memref<128x768xf32, #tpu.memory_space<vmem>>, %arg6: memref<128x768xf32, #tpu.memory_space<vmem>>, %arg7: memref<1x768xf32, #tpu.memory_space<vmem>>, %arg8: memref<1x50xf32, #tpu.memory_space<vmem>>, %arg9: memref<1x50xf32, #tpu.memory_space<vmem>>, %arg10: memref<50x128xf32, #tpu.memory_space<vmem>>, %arg11: memref<1x128xf32, #tpu.memory_space<vmem>>, %arg12: memref<1x768xf32, #tpu.memory_space<vmem>>, %arg13: memref<1x768xf32, #tpu.memory_space<vmem>>, %arg14: memref<768x768xf32, #tpu.memory_space<vmem>>, %arg15: memref<1x768xf32, #tpu.memory_space<vmem>>, %arg16: memref<800x768xf32, #tpu.memory_space<vmem>>) attributes {dimension_semantics = [#tpu.dimension_semantics<arbitrary>], iteration_bounds = array<i64: 25>, scalar_prefetch = 0 : i64, scratch_operands = 0 : i64, tpu.core_type = #tpu.core_type<tc>, window_params = [{transform_indices = @transform_0, window_bounds = array<i64: 800, 768>}, {transform_indices = @transform_1, window_bounds = array<i64: 800, 128>}, {transform_indices = @transform_2, window_bounds = array<i64: 800, 1>}, {pipeline_mode = #tpu.pipeline_mode<synchronous>, transform_indices = @transform_3, window_bounds = array<i64: 768, 768>}, {pipeline_mode = #tpu.pipeline_mode<synchronous>, transform_indices = @transform_4, window_bounds = array<i64: 128, 768>}, {pipeline_mode = #tpu.pipeline_mode<synchronous>, transform_indices = @transform_5, window_bounds = array<i64: 128, 768>}, {pipeline_mode = #tpu.pipeline_mode<synchronous>, transform_indices = @transform_6, window_bounds = array<i64: 1, 768>}, {pipeline_mode = #tpu.pipeline_mode<synchronous>, transform_indices = @transform_7, window_bounds = array<i64: 1, 50>}, {pipeline_mode = #tpu.pipeline_mode<synchronous>, transform_indices = @transform_8, window_bounds = array<i64: 1, 50>}, {pipeline_mode = #tpu.pipeline_mode<synchronous>, transform_indices = @transform_9, window_bounds = array<i64: 50, 128>}, {pipeline_mode = #tpu.pipeline_mode<synchronous>, transform_indices = @transform_10, window_bounds = array<i64: 1, 128>}, {pipeline_mode = #tpu.pipeline_mode<synchronous>, transform_indices = @transform_11, window_bounds = array<i64: 1, 768>}, {pipeline_mode = #tpu.pipeline_mode<synchronous>, transform_indices = @transform_12, window_bounds = array<i64: 1, 768>}, {pipeline_mode = #tpu.pipeline_mode<synchronous>, transform_indices = @transform_13, window_bounds = array<i64: 768, 768>}, {pipeline_mode = #tpu.pipeline_mode<synchronous>, transform_indices = @transform_14, window_bounds = array<i64: 1, 768>}, {transform_indices = @transform_15, window_bounds = array<i64: 800, 768>}]} {
    %get3A = arith.constant 0 : index
    %get3A_0 = arith.constant 0 : index
    %get3A_1 = vector.load %arg3[%get3A, %get3A_0] : memref<800x1xf32, #tpu.memory_space<vmem>>, vector<800x1xf32>
    %get3A_2 = arith.constant 0 : index
    %get3A_3 = arith.constant 0 : index
    %get3A_4 = vector.load %arg8[%get3A_2, %get3A_3] : memref<1x50xf32, #tpu.memory_space<vmem>>, vector<1x50xf32>
    %mul3A = vector.broadcast %get3A_1 : vector<800x1xf32> to vector<800x50xf32>
    %mul3A_5 = vector.broadcast %get3A_4 : vector<1x50xf32> to vector<800x50xf32>
    %mul3A_6 = arith.mulf %mul3A, %mul3A_5 : vector<800x50xf32>
    %get3A_7 = arith.constant 0 : index
    %get3A_8 = arith.constant 0 : index
    %get3A_9 = vector.load %arg9[%get3A_7, %get3A_8] : memref<1x50xf32, #tpu.memory_space<vmem>>, vector<1x50xf32>
    %add3A = vector.broadcast %get3A_9 : vector<1x50xf32> to vector<800x50xf32>
    %add3A_10 = arith.addf %mul3A_6, %add3A : vector<800x50xf32>
    %max3A = arith.constant 0.000000e+00 : f32
    %max3A_11 = vector.broadcast %max3A : f32 to vector<800x50xf32>
    %max3A_12 = arith.maximumf %add3A_10, %max3A_11 : vector<800x50xf32>
    %convert_element_type3A = arith.truncf %max3A_12 : vector<800x50xf32> to vector<800x50xbf16>
    %get3A_13 = arith.constant 0 : index
    %get3A_14 = arith.constant 0 : index
    %get3A_15 = vector.load %arg10[%get3A_13, %get3A_14] : memref<50x128xf32, #tpu.memory_space<vmem>>, vector<50x128xf32>
    %convert_element_type3A_16 = arith.truncf %get3A_15 : vector<50x128xf32> to vector<50x128xbf16>
    %dot_general3A = arith.constant dense<0.000000e+00> : vector<800x128xf32>
    %dot_general3A_17 = tpu.matmul %convert_element_type3A, %convert_element_type3A_16, %dot_general3A {dimension_numbers = #tpu.dot_dimension_numbers<[1], [0], [0], [1], [0, 0, 1, 1], [], []>, transpose_lhs_hint = false} : vector<800x50xbf16>, vector<50x128xbf16>, vector<800x128xf32> -> vector<800x128xf32>
    %get3A_18 = arith.constant 0 : index
    %get3A_19 = arith.constant 0 : index
    %get3A_20 = vector.load %arg11[%get3A_18, %get3A_19] : memref<1x128xf32, #tpu.memory_space<vmem>>, vector<1x128xf32>
    %add3A_21 = vector.broadcast %get3A_20 : vector<1x128xf32> to vector<800x128xf32>
    %add3A_22 = arith.addf %dot_general3A_17, %add3A_21 : vector<800x128xf32>
    %get3A_23 = arith.constant 0 : index
    %get3A_24 = arith.constant 0 : index
    %get3A_25 = vector.load %arg1[%get3A_23, %get3A_24] : memref<800x768xf32, #tpu.memory_space<vmem>>, vector<800x768xf32>
    %convert_element_type3A_26 = arith.truncf %get3A_25 : vector<800x768xf32> to vector<800x768xbf16>
    %get3A_27 = arith.constant 0 : index
    %get3A_28 = arith.constant 0 : index
    %get3A_29 = vector.load %arg4[%get3A_27, %get3A_28] : memref<768x768xf32, #tpu.memory_space<vmem>>, vector<768x768xf32>
    %convert_element_type3A_30 = arith.truncf %get3A_29 : vector<768x768xf32> to vector<768x768xbf16>
    %dot_general3A_31 = arith.constant dense<0.000000e+00> : vector<800x768xf32>
    %dot_general3A_32 = tpu.matmul %convert_element_type3A_26, %convert_element_type3A_30, %dot_general3A_31 {dimension_numbers = #tpu.dot_dimension_numbers<[1], [0], [0], [1], [0, 0, 1, 1], [], []>, transpose_lhs_hint = false} : vector<800x768xbf16>, vector<768x768xbf16>, vector<800x768xf32> -> vector<800x768xf32>
    %get3A_33 = arith.constant 0 : index
    %get3A_34 = arith.constant 0 : index
    %get3A_35 = vector.load %arg2[%get3A_33, %get3A_34] : memref<800x128xf32, #tpu.memory_space<vmem>>, vector<800x128xf32>
    %convert_element_type3A_36 = arith.truncf %get3A_35 : vector<800x128xf32> to vector<800x128xbf16>
    %get3A_37 = arith.constant 0 : index
    %get3A_38 = arith.constant 0 : index
    %get3A_39 = vector.load %arg5[%get3A_37, %get3A_38] : memref<128x768xf32, #tpu.memory_space<vmem>>, vector<128x768xf32>
    %convert_element_type3A_40 = arith.truncf %get3A_39 : vector<128x768xf32> to vector<128x768xbf16>
    %dot_general3A_41 = arith.constant dense<0.000000e+00> : vector<800x768xf32>
    %dot_general3A_42 = tpu.matmul %convert_element_type3A_36, %convert_element_type3A_40, %dot_general3A_41 {dimension_numbers = #tpu.dot_dimension_numbers<[1], [0], [0], [1], [0, 0, 1, 1], [], []>, transpose_lhs_hint = false} : vector<800x128xbf16>, vector<128x768xbf16>, vector<800x768xf32> -> vector<800x768xf32>
    %add3A_43 = arith.addf %dot_general3A_32, %dot_general3A_42 : vector<800x768xf32>
    %convert_element_type3A_44 = arith.truncf %add3A_22 : vector<800x128xf32> to vector<800x128xbf16>
    %get3A_45 = arith.constant 0 : index
    %get3A_46 = arith.constant 0 : index
    %get3A_47 = vector.load %arg6[%get3A_45, %get3A_46] : memref<128x768xf32, #tpu.memory_space<vmem>>, vector<128x768xf32>
    %convert_element_type3A_48 = arith.truncf %get3A_47 : vector<128x768xf32> to vector<128x768xbf16>
    %dot_general3A_49 = arith.constant dense<0.000000e+00> : vector<800x768xf32>
    %dot_general3A_50 = tpu.matmul %convert_element_type3A_44, %convert_element_type3A_48, %dot_general3A_49 {dimension_numbers = #tpu.dot_dimension_numbers<[1], [0], [0], [1], [0, 0, 1, 1], [], []>, transpose_lhs_hint = false} : vector<800x128xbf16>, vector<128x768xbf16>, vector<800x768xf32> -> vector<800x768xf32>
    %add3A_51 = arith.addf %add3A_43, %dot_general3A_50 : vector<800x768xf32>
    %get3A_52 = arith.constant 0 : index
    %get3A_53 = arith.constant 0 : index
    %get3A_54 = vector.load %arg7[%get3A_52, %get3A_53] : memref<1x768xf32, #tpu.memory_space<vmem>>, vector<1x768xf32>
    %add3A_55 = vector.broadcast %get3A_54 : vector<1x768xf32> to vector<800x768xf32>
    %add3A_56 = arith.addf %add3A_51, %add3A_55 : vector<800x768xf32>
    %reduce_sum3A = arith.constant dense<0.000000e+00> : vector<800xf32>
    %reduce_sum3A_57 = vector.multi_reduction <add>, %add3A_56, %reduce_sum3A [1] : vector<800x768xf32> to vector<800xf32>
    %broadcast_in_dim3A = vector.shape_cast %reduce_sum3A_57 : vector<800xf32> to vector<800x1xf32>
    %div3A = arith.constant 7.680000e+02 : f32
    %div3A_58 = vector.broadcast %div3A : f32 to vector<800x1xf32>
    %div3A_59 = arith.divf %broadcast_in_dim3A, %div3A_58 : vector<800x1xf32>
    %sub3A = vector.broadcast %div3A_59 : vector<800x1xf32> to vector<800x768xf32>
    %sub3A_60 = arith.subf %add3A_56, %sub3A : vector<800x768xf32>
    %mul3A_61 = arith.mulf %sub3A_60, %sub3A_60 : vector<800x768xf32>
    %reduce_sum3A_62 = arith.constant dense<0.000000e+00> : vector<800xf32>
    %reduce_sum3A_63 = vector.multi_reduction <add>, %mul3A_61, %reduce_sum3A_62 [1] : vector<800x768xf32> to vector<800xf32>
    %broadcast_in_dim3A_64 = vector.shape_cast %reduce_sum3A_63 : vector<800xf32> to vector<800x1xf32>
    %div3A_65 = arith.constant 7.680000e+02 : f32
    %div3A_66 = vector.broadcast %div3A_65 : f32 to vector<800x1xf32>
    %div3A_67 = arith.divf %broadcast_in_dim3A_64, %div3A_66 : vector<800x1xf32>
    %add3A_68 = arith.constant 9.99999974E-6 : f32
    %add3A_69 = vector.broadcast %add3A_68 : f32 to vector<800x1xf32>
    %add3A_70 = arith.addf %div3A_67, %add3A_69 : vector<800x1xf32>
    %rsqrt3A = math.rsqrt %add3A_70 : vector<800x1xf32>
    %mul3A_71 = vector.broadcast %rsqrt3A : vector<800x1xf32> to vector<800x768xf32>
    %mul3A_72 = arith.mulf %sub3A_60, %mul3A_71 : vector<800x768xf32>
    %get3A_73 = arith.constant 0 : index
    %get3A_74 = arith.constant 0 : index
    %get3A_75 = vector.load %arg12[%get3A_73, %get3A_74] : memref<1x768xf32, #tpu.memory_space<vmem>>, vector<1x768xf32>
    %mul3A_76 = vector.broadcast %get3A_75 : vector<1x768xf32> to vector<800x768xf32>
    %mul3A_77 = arith.mulf %mul3A_72, %mul3A_76 : vector<800x768xf32>
    %get3A_78 = arith.constant 0 : index
    %get3A_79 = arith.constant 0 : index
    %get3A_80 = vector.load %arg13[%get3A_78, %get3A_79] : memref<1x768xf32, #tpu.memory_space<vmem>>, vector<1x768xf32>
    %add3A_81 = vector.broadcast %get3A_80 : vector<1x768xf32> to vector<800x768xf32>
    %add3A_82 = arith.addf %mul3A_77, %add3A_81 : vector<800x768xf32>
    %mul3A_83 = arith.constant -1.702000e+00 : f32
    %mul3A_84 = vector.broadcast %mul3A_83 : f32 to vector<800x768xf32>
    %mul3A_85 = arith.mulf %mul3A_84, %add3A_82 : vector<800x768xf32>
    %exp3A = math.exp %mul3A_85 : vector<800x768xf32>
    %add3A_86 = arith.constant 1.000000e+00 : f32
    %add3A_87 = vector.broadcast %add3A_86 : f32 to vector<800x768xf32>
    %add3A_88 = arith.addf %add3A_87, %exp3A : vector<800x768xf32>
    %div3A_89 = arith.constant 1.000000e+00 : f32
    %div3A_90 = vector.broadcast %div3A_89 : f32 to vector<800x768xf32>
    %div3A_91 = arith.divf %div3A_90, %add3A_88 : vector<800x768xf32>
    %mul3A_92 = arith.mulf %add3A_82, %div3A_91 : vector<800x768xf32>
    %convert_element_type3A_93 = arith.truncf %mul3A_92 : vector<800x768xf32> to vector<800x768xbf16>
    %get3A_94 = arith.constant 0 : index
    %get3A_95 = arith.constant 0 : index
    %get3A_96 = vector.load %arg14[%get3A_94, %get3A_95] : memref<768x768xf32, #tpu.memory_space<vmem>>, vector<768x768xf32>
    %convert_element_type3A_97 = arith.truncf %get3A_96 : vector<768x768xf32> to vector<768x768xbf16>
    %dot_general3A_98 = arith.constant dense<0.000000e+00> : vector<800x768xf32>
    %dot_general3A_99 = tpu.matmul %convert_element_type3A_93, %convert_element_type3A_97, %dot_general3A_98 {dimension_numbers = #tpu.dot_dimension_numbers<[1], [0], [0], [1], [0, 0, 1, 1], [], []>, transpose_lhs_hint = false} : vector<800x768xbf16>, vector<768x768xbf16>, vector<800x768xf32> -> vector<800x768xf32>
    %get3A_100 = arith.constant 0 : index
    %get3A_101 = arith.constant 0 : index
    %get3A_102 = vector.load %arg15[%get3A_100, %get3A_101] : memref<1x768xf32, #tpu.memory_space<vmem>>, vector<1x768xf32>
    %add3A_103 = vector.broadcast %get3A_102 : vector<1x768xf32> to vector<800x768xf32>
    %add3A_104 = arith.addf %dot_general3A_99, %add3A_103 : vector<800x768xf32>
    %swap3A = arith.constant 0 : index
    %swap3A_105 = arith.constant 0 : index
    %swap3A_106 = vector.load %arg16[%swap3A, %swap3A_105] : memref<800x768xf32, #tpu.memory_space<vmem>>, vector<800x768xf32>
    tpu.vector_store %arg16[%swap3A, %swap3A_105], %add3A_104 {strides = array<i32>} : memref<800x768xf32, #tpu.memory_space<vmem>>, vector<800x768xf32>,
    return
  }
  func.func @transform_0(%arg0: i32) -> (i32, i32) {
    %c0_i32 = arith.constant 0 : i32
    %c0_i32_0 = arith.constant 0 : i32
    return %arg0, %c0_i32 : i32, i32
  }
  func.func @transform_1(%arg0: i32) -> (i32, i32) {
    %c0_i32 = arith.constant 0 : i32
    %c0_i32_0 = arith.constant 0 : i32
    return %arg0, %c0_i32 : i32, i32
  }
  func.func @transform_2(%arg0: i32) -> (i32, i32) {
    %c0_i32 = arith.constant 0 : i32
    %c0_i32_0 = arith.constant 0 : i32
    return %arg0, %c0_i32 : i32, i32
  }
  func.func @transform_3(%arg0: i32) -> (i32, i32) {
    %c0_i32 = arith.constant 0 : i32
    %c0_i32_0 = arith.constant 0 : i32
    %c0_i32_1 = arith.constant 0 : i32
    return %c0_i32, %c0_i32_0 : i32, i32
  }
  func.func @transform_4(%arg0: i32) -> (i32, i32) {
    %c0_i32 = arith.constant 0 : i32
    %c0_i32_0 = arith.constant 0 : i32
    %c0_i32_1 = arith.constant 0 : i32
    return %c0_i32, %c0_i32_0 : i32, i32
  }
  func.func @transform_5(%arg0: i32) -> (i32, i32) {
    %c0_i32 = arith.constant 0 : i32
    %c0_i32_0 = arith.constant 0 : i32
    %c0_i32_1 = arith.constant 0 : i32
    return %c0_i32, %c0_i32_0 : i32, i32
  }
  func.func @transform_6(%arg0: i32) -> (i32, i32) {
    %c0_i32 = arith.constant 0 : i32
    %c0_i32_0 = arith.constant 0 : i32
    %c0_i32_1 = arith.constant 0 : i32
    return %c0_i32, %c0_i32_0 : i32, i32
  }
  func.func @transform_7(%arg0: i32) -> (i32, i32) {
    %c0_i32 = arith.constant 0 : i32
    %c0_i32_0 = arith.constant 0 : i32
    %c0_i32_1 = arith.constant 0 : i32
    return %c0_i32, %c0_i32_0 : i32, i32
  }
  func.func @transform_8(%arg0: i32) -> (i32, i32) {
    %c0_i32 = arith.constant 0 : i32
    %c0_i32_0 = arith.constant 0 : i32
    %c0_i32_1 = arith.constant 0 : i32
    return %c0_i32, %c0_i32_0 : i32, i32
  }
  func.func @transform_9(%arg0: i32) -> (i32, i32) {
    %c0_i32 = arith.constant 0 : i32
    %c0_i32_0 = arith.constant 0 : i32
    %c0_i32_1 = arith.constant 0 : i32
    return %c0_i32, %c0_i32_0 : i32, i32
  }
  func.func @transform_10(%arg0: i32) -> (i32, i32) {
    %c0_i32 = arith.constant 0 : i32
    %c0_i32_0 = arith.constant 0 : i32
    %c0_i32_1 = arith.constant 0 : i32
    return %c0_i32, %c0_i32_0 : i32, i32
  }
  func.func @transform_11(%arg0: i32) -> (i32, i32) {
    %c0_i32 = arith.constant 0 : i32
    %c0_i32_0 = arith.constant 0 : i32
    %c0_i32_1 = arith.constant 0 : i32
    return %c0_i32, %c0_i32_0 : i32, i32
  }
  func.func @transform_12(%arg0: i32) -> (i32, i32) {
    %c0_i32 = arith.constant 0 : i32
    %c0_i32_0 = arith.constant 0 : i32
    %c0_i32_1 = arith.constant 0 : i32
    return %c0_i32, %c0_i32_0 : i32, i32
  }
  func.func @transform_13(%arg0: i32) -> (i32, i32) {
    %c0_i32 = arith.constant 0 : i32
    %c0_i32_0 = arith.constant 0 : i32
    %c0_i32_1 = arith.constant 0 : i32
    return %c0_i32, %c0_i32_0 : i32, i32
  }
  func.func @transform_14(%arg0: i32) -> (i32, i32) {
    %c0_i32 = arith.constant 0 : i32
    %c0_i32_0 = arith.constant 0 : i32
    %c0_i32_1 = arith.constant 0 : i32
    return %c0_i32, %c0_i32_0 : i32, i32
  }
  func.func @transform_15(%arg0: i32) -> (i32, i32) {
    %c0_i32 = arith.constant 0 : i32
    %c0_i32_0 = arith.constant 0 : i32
    return %arg0, %c0_i32 : i32, i32
  }
}

</mosaic_0001>

<sc_bundles>
// kernel: kernel.5.cloned.1.call-start
scs
__scs_entry_jumppad:
0x0: {  	(pc) =	sbr.rel $0x88, $3  }
0x1: {  	(tag) =	ssettag $0x0;
	lr =	simm.s32 $0x1  }
0x2: {  	[smem:$0x3F90] =	sst lr;
	_ =	strace $0xD0000000  }
0x3: {  	_ = 	snop  }
0x4: {  	_ = 	snop  }
0x5: {  	_ = 	snop  }
0x6: {  	_ = 	snop  }
0x7: {  	_ = 	snop  }
__scs_overlays_trampoline_lowered:
0x8: {  	[smem:$0x3F9F] =	sst s0  }
0x9: {  	[smem:$0x3FA0] =	sst s1  }
0xa: {  	[smem:$0x3FA1] =	sst s2  }
0xb: {  	[smem:$0x3FA2] =	sst s3  }
0xc: {  	[smem:$0x3FA3] =	sst s4  }
0xd: {  	[smem:$0x3FA4] =	sst s5  }
0xe: {  	[smem:$0x3FA5] =	sst s6  }
0xf: {  	[smem:$0x3FA6] =	sst s7  }
0x10: {  	[smem:$0x3FA7] =	sst s8  }
0x11: {  	[smem:$0x3FA8] =	sst s9;
	s0 =	simm.s32 @!p0 $0x0  }
0x12: {  	s1 =	sld [smem:$0x3F8E];
	s0 =	simm.s32 @p0 $0x1  }
0x13: {  	[smem:$0x3FA9] =	sst s0;
	s0 =	simm.s32 @!p1 $0x0  }
0x14: {  	s2 =	sld [smem:$0x3F8D];
	s0 =	simm.s32 @p1 $0x1  }
0x15: {  	[smem:$0x3FAA] =	sst s0;
	s0 =	simm.s32 @!p2 $0x0  }
0x16: {  	s3 =	sld [smem:$0x3FDB];
	s0 =	simm.s32 @p2 $0x1  }
0x17: {  	s4 =	simm.s32 $0x1BF5;
	[smem:$0x3FAC] =	sst s0  }
0x18: {  	s0 =	sld [smem:$0x3F8F];
	_ =	swait.ge [sflag:s4], $0x0  }
0x19: {  	s7 =	sld [smem:$0x3F90]  }
0x1a: {  	s8 =	sadd.s32 $0xFFFFE003, lr  }
0x1b: {  	s9 =	sadd.s32 $0xFFFFFEF7, lr;
	s5 =	simm.s32 $0xFFFFFFFF;
	p2 =	slt.u32 s8, $0xFFFFF086  }
0x1c: {  	p1 =	slt.u32 s9, $0xF7A;
	s5 =	simm.s32 @!p2 $0x0  }
0x1d: {  	s5 =	simm.s32 @p1 $0x1;
	p0 =	seq.s32 s7, s2  }
0x1e: {  	s7 =	smul.u32 @!p0 $0xF7A, s2;
	p2 =	seq.s32 @!p0 s5, $0x0  }
0x1f: {  	s9 =	smul.u32 $0xF7A, s1;
	s8 =	simm.s32 @!p0 $0x1BF5;
	p2 =	por !p2, p0  }
0x20: {  	[sflag:s8] =	ssyncset.s32 @!p0 $0xFFFFF086;
	s6 =	sadd.s32 @!p0 s3, s7;
	s7 =	simm.s32 @!p0 $0x108  }
0x21: {  	s3 =	sadd.s32 s3, s9;
	s6 =	sadd.s32 @!p0 $0x88, s6;
	s7 =	simm.s32 @p2 $0x1082  }
0x22: {  	[simem:s7], [sflag:s8] =	dma.local @!p0 [hbm:s6], $0xF7A  }
0x23: {  	s9 =	sor.u32 $0xD0000000, s2;
	s6 =	simm.s32 $0x108;
	_ =	swait.ge @!p0 [sflag:s8], $0x0  }
0x24: {  	s3 =	sadd.s32 $0x88, s3;
	s6 =	simm.s32 @!p1 $0x1082;
	[sflag:s4] =	ssyncset.s32 $0xFFFFF086  }
0x25: {  	[simem:s6], [sflag:s4] =	dma.local [hbm:s3], $0xF7A  }
0x26: {  	[smem:$0x3F90] =	sst s1;
	(tag) =	ssettag s2;
	_ =	strace s9  }
0x27: {  	s1 =	sld [smem:$0x3FA0]  }
0x28: {  	s2 =	sld [smem:$0x3FA1]  }
0x29: {  	s4 =	sld [smem:$0x3FA3]  }
0x2a: {  	p0 =	seq.s32 s5, $0x0;
	s5 =	sld [smem:$0x3FA4]  }
0x2b: {  	s6 =	sld [smem:$0x3FA5]  }
0x2c: {  	s7 =	sld [smem:$0x3FA6]  }
0x2d: {  	s3 =	simm.s32 $0x108;
	s8 =	sld [smem:$0x3FA7]  }
0x2e: {  	s3 =	simm.s32 @!p0 $0x1082;
	s9 =	sld [smem:$0x3FA8]  }
0x2f: {  	lr =	sadd.s32 s0, s3;
	s0 =	sld [smem:$0x3F9F]  }
0x30: {  	s3 =	sld [smem:$0x3FA2]  }
0x31: {  	[smem:$0x3FAB] =	sst s10  }
0x32: {  	s10 =	sld [smem:$0x3FA9];
	_ =	sdelay $0x3  }
0x33: {  	p0 =	seq.s32 s10, $0x1;
	s10 =	sld [smem:$0x3FAB];
	_ =	sdelay $0x3  }
0x34: {  	[smem:$0x3FAB] =	sst s10  }
0x35: {  	s10 =	sld [smem:$0x3FAA];
	_ =	sdelay $0x3  }
0x36: {  	p1 =	seq.s32 s10, $0x1;
	s10 =	sld [smem:$0x3FAB];
	_ =	sdelay $0x3  }
0x37: {  	[smem:$0x3FAB] =	sst s10  }
0x38: {  	s10 =	sld [smem:$0x3FAC]  }
0x39: {  	_ = 	snop;
	(pc) =	sbr.ind lr, $3  }
0x3a: {  	_ = 	snop  }
0x3b: {  	_ = 	snop  }
0x3c: {  	p2 =	seq.s32 s10, $0x1;
	s10 =	sld [smem:$0x3FAB]  }
0x3d: {  	_ =	shalt  }
0x3e: {  	_ =	shalt  }
0x3f: {  	_ =	shalt  }
0x40: {  	_ =	shalt  }
0x41: {  	_ =	shalt  }
0x42: {  	_ =	shalt  }
0x43: {  	_ =	shalt  }
0x44: {  	_ =	shalt  }
0x45: {  	_ =	shalt  }
0x46: {  	_ =	shalt  }
0x47: {  	_ =	shalt  }
0x48: {  	_ =	shalt  }
0x49: {  	_ =	shalt  }
0x4a: {  	_ =	shalt  }
0x4b: {  	_ =	shalt  }
0x4c: {  	_ =	shalt  }
0x4d: {  	_ =	shalt  }
0x4e: {  	_ =	shalt  }
0x4f: {  	_ =	shalt  }
0x50: {  	_ =	shalt  }
0x51: {  	_ =	shalt  }
0x52: {  	_ =	shalt  }
0x53: {  	_ =	shalt  }
0x54: {  	_ =	shalt  }
0x55: {  	_ =	shalt  }
0x56: {  	_ =	shalt  }
0x57: {  	_ =	shalt  }
0x58: {  	_ =	shalt  }
0x59: {  	_ =	shalt  }
0x5a: {  	_ =	shalt  }
0x5b: {  	_ =	shalt  }
0x5c: {  	_ =	shalt  }
0x5d: {  	_ =	shalt  }
0x5e: {  	_ =	shalt  }
0x5f: {  	_ =	shalt  }
0x60: {  	_ =	shalt  }
0x61: {  	_ =	shalt  }
0x62: {  	_ =	shalt  }
0x63: {  	_ =	shalt  }
0x64: {  	_ =	shalt  }
0x65: {  	_ =	shalt  }
0x66: {  	_ =	shalt  }
0x67: {  	_ =	shalt  }
0x68: {  	_ =	shalt  }
0x69: {  	_ =	shalt  }
0x6a: {  	_ =	shalt  }
0x6b: {  	_ =	shalt  }
0x6c: {  	_ =	shalt  }
0x6d: {  	_ =	shalt  }
0x6e: {  	_ =	shalt  }
0x6f: {  	_ =	shalt  }
0x70: {  	_ =	shalt  }
0x71: {  	_ =	shalt  }
0x72: {  	_ =	shalt  }
0x73: {  	_ =	shalt  }
0x74: {  	_ =	shalt  }
0x75: {  	_ =	shalt  }
0x76: {  	_ =	shalt  }
0x77: {  	_ =	shalt  }
0x78: {  	_ =	shalt  }
0x79: {  	_ =	shalt  }
0x7a: {  	_ =	shalt  }
0x7b: {  	_ =	shalt  }
0x7c: {  	_ =	shalt  }
0x7d: {  	_ =	shalt  }
0x7e: {  	_ =	shalt  }
0x7f: {  	_ =	shalt  }
0x80: {  	_ =	shalt  }
0x81: {  	_ =	shalt  }
0x82: {  	_ =	shalt  }
0x83: {  	_ =	shalt  }
0x84: {  	_ =	shalt  }
0x85: {  	_ =	shalt  }
0x86: {  	_ =	shalt  }
0x87: {  	_ =	shalt  }
.Lfunc_end0:
.L_simem_size_0:
called_computation_lowered:
.L_overlay_start_0:
0x88: {  	s2 =	sld [smem:$0x3FD9]  }
0x89: {  	s3 =	sld [smem:$0x3FFE];
	_ =	sdelay $0x1  }
0x8a: {  	s1 =	srdreg.scid  }
0x8b: {  	s0 =	sand.u32 $0x1, s1  }
0x8c: {  	s17 =	sshll.u32 s0, $0xA;
	s2 =	sadd.s32 s3, s2  }
0x8d: {  	s2 =	sadd.s32 s2, s17  }
0x8e: {  	[smem:$0x3FB7] =	sst s2  }
0x8f: {  	_ = 	snop  }
0x90: {  	s2 =	sld [smem:$0x3FC9]  }
0x91: {  	s18 =	sld [smem:$0x3FD0];
	(tm) =	ssettm $0x1  }
0x92: {  	s4 =	sld [smem:$0x3FFB];
	_ =	sdelay $0x3  }
0x93: {  	_ =	strace s4  }
0x94: {  	s4 =	sld [smem:$0x3FFC];
	_ =	sdelay $0x3  }
0x95: {  	_ =	strace s4  }
0x96: {  	s4 =	sld [smem:$0x3FFD];
	_ =	sdelay $0x3  }
0x97: {  	_ =	strace s4  }
0x98: {  	_ =	strace $0x8FFFFFFF  }
0x99: {  	s19 =	sld [smem:$0x3FDB];
	_ =	sdelay $0x1  }
0x9a: {  	s5 =	simm.s32 $_scs_section_size  }
0x9b: {  	s6 =	simm.s32 $_size__tile_overlayer_lowered;
	s7 =	simm.s32 $_tile_overlayer_lowered  }
0x9c: {  	s22 =	simm.s32 $0x1BFF;
	s21 =	sshll.u32 s7, $0x1;
	s4 =	sadd.s32 s5, s19  }
0x9d: {  	s8 =	simm.s32 $0x0;
	s20 =	sshll.u32 s6, $0x1;
	s6 =	sadd.s32 s21, s4  }
0x9e: {  	[timem:s8], [sflag:s22] =	dma.local [hbm:s6], s20  }
0x9f: {  	_ =	swait.ge [sflag:s22], s20  }
0xa0: {  	s5 =	ssub.s32 $0x0, s20;
	[sflag:s22] =	ssyncset.done $0x0  }
0xa1: {  	[sflag:s22] =	ssyncadd.s32 s5;
	_ =	sdelay $0x1  }
0xa2: {  	s23 =	simm.s32 $0x1B8B  }
0xa3: {  	_ =	swait.ge [sflag:s23], $0x1  }
0xa4: {  	[sflag:s23] =	ssyncset.done $0x0  }
0xa5: {  	s25 =	simm.s32 $0x1B8E;
	s24 =	sld [smem:$0x3FFE];
	[sflag:s23] =	ssyncadd.s32 $0xFFFFFFFF  }
0xa6: {  	s26 =	simm.s32 $execute0_lowered;
	[smem:$0x3FD2] =	sst s25  }
0xa7: {  	s6 =	sshll.u32 s26, $0x1;
	_ =	strace $0x80000046;
	[dreg:$0x1] =	wrdreg $0xFFFFFFFF  }
0xa8: {  	s28 =	simm.s32 $_size_execute0_lowered;
	s4 =	sadd.s32 s4, s6;
	[dreg:$0x0] =	wrdreg $0x0  }
0xa9: {  	s6 =	sshll.u32 s28, $0x1;
	[dreg:$0x2] =	wrdreg s4  }
0xaa: {  	[dreg:$0x3] =	wrdreg s6  }
0xab: {  	[dreg:$0x4] =	wrdreg $0xC0  }
0xac: {  	_ =	task [dreg:s8], $0x5FFFF  }
0xad: {  	[dreg:$0x1] =	wrdreg $0xFFFFFFFF  }
0xae: {  	[dreg:$0x0] =	wrdreg $0x60  }
0xaf: {  	[dreg:$0x2] =	wrdreg s24  }
0xb0: {  	[dreg:$0x3] =	wrdreg s2  }
0xb1: {  	[dreg:$0x4] =	wrdreg s18  }
0xb2: {  	[dreg:$0x5] =	wrdreg $0x9  }
0xb3: {  	_ =	task.clear_ibuf [dreg:s8], $0x6FFFF;
	_ =	strace $0x90000046  }
0xb4: {  	s29 =	simm.s32 $0x9;
	_ =	strace $0x80000048  }
0xb5: {  	_ =	swait.ge [sflag:s29], $0x1  }
0xb6: {  	[sflag:s29] =	ssyncadd.s32 $0xFFFFFFFF  }
0xb7: {  	_ =	strace $0x90000048  }
0xb8: {  	_ =	sfence  }
0xb9: {  	s30 =	sld [smem:$0x0];
	_ =	sdelay $0x2  }
0xba: {  	s31 =	sshll.u32 s1, $0xD;
	s1 =	sshrl.u32 s1, $0x2  }
0xbb: {  	s3 =	sand.u32 $0x4000, s31;
	s1 =	sadd.s32 s1, s30  }
0xbc: {  	s0 =	sor.u32 s3, s0;
	s1 =	sshll.u32 s1, $0x11  }
0xbd: {  	s0 =	sor.u32 s1, s0  }
0xbe: {  	s0 =	sadd.s32 $0x8F2B, s0  }
0xbf: {  	[sflag:s0] =	ssyncadd.remote.s32 $0x1  }
0xc0: {  	_ =	sfence.sel $0xFFFF  }
0xc1: {  	[dreg:$0x0] =	wrdreg $0xFFFFFFFF;
	(pc) =	sbr.abs _section_cstart, $3  }
0xc2: {  	[dreg:$0x1] =	wrdreg $0xFFFFFFFF  }
0xc3: {  	_ =	task.clear_ibuf [dreg:s8], $0x2FFFF;
	_ =	strace $0x9FFFFFFF  }
0xc4: {  	(tm) =	ssettm $0x7FFFFFFF  }
0xc5: {  	_ =	shalt  }
tec
execute0_lowered:
.L_overlay_start_1:
0x0: {  	(tag) =	ssettag $0x1  }
0x1: {  	s0 =	srdreg.scid  }
0x2: {  	s1 =	rddreg [dreg:$0x0];
	s14 =	stileid.u32  }
0x3: {  	s28 =	rddreg [dreg:$0x1];
	s0 =	sand.u32 $0x1, s0;
	s2 =	sadd.s32 $0x4DA00, s1  }
0x4: {  	s4 =	smul.u32 $0x1388, s14;
	s5 =	sxor.u32 $0xF, s14;
	s6 =	sadd.s32 $0x4BC00, s1  }
0x5: {  	s9 =	sadd.s32 $0x4C600, s1;
	s11 =	sxor.u32 $0x1F, s14;
	s3 =	smul.u32 $0x2710, s0  }
0x6: {  	s26 =	sxor.u32 $0x2F, s14;
	s7 =	ssub.s32 $0x2, s0;
	s8 =	smul.u32 $0xC8, s5  }
0x7: {  	s13 =	sxor.u32 $0x3F, s14;
	s11 =	smul.u32 $0xC8, s11;
	s15 =	sshrl.u32 s7, $0x1  }
0x8: {  	s0 =	sshll.u32 s0, $0x1;
	s4 =	sadd.s32 s4, s3;
	s5 =	ssub.s32 s7, s15  }
0x9: {  	s11 =	sadd.s32 s3, s11;
	s16 =	sshrl.u32 s4, $0x3;
	s4 =	sadd.s32 s3, s8  }
0xa: {  	s21 =	sshrl.u32 s11, $0x3;
	s25 =	sadd.s32 $0x28, s11;
	s29 =	sadd.s32 $0x78, s11  }
0xb: {  	s17 =	sadd.s32 s6, s16;
	s7 =	sadd.s32 s9, s16;
	s18 =	sshrl.u32 s4, $0x3  }
0xc: {  	s10 =	sadd.s32 $0x28, s4;
	s12 =	sadd.s32 $0x78, s4;
	s22 =	sadd.s32 s6, s21  }
0xd: {  	s23 =	sadd.s32 s9, s21;
	s24 =	smul.u32 $0x300, s21;
	[dreg:$0x4] =	wrdreg s17  }
0xe: {  	s8 =	sshrl.u32 s25, $0x3;
	[dreg:$0x5] =	wrdreg s7;
	s19 =	smul.u32 $0x300, s18  }
0xf: {  	s10 =	sshrl.u32 s10, $0x3;
	s15 =	sadd.s32 s6, s18;
	s31 =	smul.u32 $0x300, s8  }
0x10: {  	s12 =	sshrl.u32 s12, $0x3;
	[dreg:$0x6] =	wrdreg s22;
	s10 =	smul.u32 $0x300, s10  }
0x11: {  	s7 =	sadd.s32 s9, s18;
	[dreg:$0x7] =	wrdreg s23;
	s20 =	smul.u32 $0x300, s12  }
0x12: {  	[dreg:$0x1f] =	wrdreg s7;
	s12 =	sshrl.u32 s29, $0x3;
	s17 =	sadd.s32 s2, s19  }
0x13: {  	s8 =	smul.u32 $0x300, s12;
	s19 =	sadd.s32 s2, s10;
	s7 =	sadd.s32 s2, s20  }
0x14: {  	s10 =	smul.u32 $0xC8, s26;
	[smem:$0x7F4] =	sst s7;
	s7 =	sadd.s32 s2, s31  }
0x15: {  	s12 =	smul.u32 $0xC8, s13;
	s8 =	sadd.s32 s2, s8;
	[dreg:$0x9] =	wrdreg s7  }
0x16: {  	s16 =	sadd.s32 s2, s24;
	s10 =	sadd.s32 s3, s10;
	[dreg:$0xa] =	wrdreg s8  }
0x17: {  	s3 =	sadd.s32 s3, s12;
	s18 =	sadd.s32 $0x28, s10;
	s20 =	sshrl.u32 s10, $0x3  }
0x18: {  	s21 =	sadd.s32 $0x78, s10;
	s24 =	sshrl.u32 s3, $0x3;
	s26 =	sadd.s32 $0x28, s3  }
0x19: {  	s7 =	sshrl.u32 s18, $0x3;
	s12 =	sshrl.u32 s21, $0x3;
	s13 =	sadd.s32 s6, s20  }
0x1a: {  	s22 =	smul.u32 $0x300, s20;
	s8 =	sadd.s32 s9, s20;
	[dreg:$0xb] =	wrdreg s13  }
0x1b: {  	s6 =	sadd.s32 s6, s24;
	s29 =	smul.u32 $0x300, s24;
	[dreg:$0xc] =	wrdreg s8  }
0x1c: {  	s25 =	sadd.s32 s9, s24;
	s7 =	smul.u32 $0x300, s7;
	[dreg:$0xd] =	wrdreg s6  }
0x1d: {  	s31 =	sadd.s32 $0x78, s3;
	s23 =	smul.u32 $0x300, s12;
	[dreg:$0xe] =	wrdreg s25  }
0x1e: {  	s6 =	sshrl.u32 s26, $0x3;
	s13 =	sadd.s32 s2, s22;
	s22 =	simm.s32 $0x0  }
0x1f: {  	s12 =	sshrl.u32 s31, $0x3;
	s6 =	smul.u32 $0x300, s6;
	[smem:$0x7FF] =	sst s22  }
0x20: {  	s7 =	sadd.s32 s2, s7;
	s8 =	sadd.s32 s2, s23;
	s23 =	rddreg [dreg:$0x2]  }
0x21: {  	s20 =	sshll.u32 s4, $0x4;
	s18 =	smul.u32 $0x300, s12;
	[dreg:$0x10] =	wrdreg s7  }
0x22: {  	s21 =	sshll.u32 s11, $0x4;
	[dreg:$0x11] =	wrdreg s8;
	s6 =	sadd.s32 s2, s6  }
0x23: {  	s8 =	sadd.s32 s2, s29;
	s2 =	sadd.s32 s2, s18;
	[dreg:$0x13] =	wrdreg s6  }
0x24: {  	s24 =	sadd.s32 s14, s0;
	s25 =	sadd.s32 s23, s20;
	[dreg:$0x14] =	wrdreg s2  }
0x25: {  	s31 =	smul.u32 $0x271, s24;
	s26 =	sadd.s32 s23, s21;
	[dreg:$0x15] =	wrdreg s25  }
0x26: {  	s4 =	sshll.u32 s3, $0x4;
	s29 =	sshll.u32 s10, $0x4;
	[smem:$0x7F5] =	sst s26  }
0x27: {  	s0 =	sadd.s32 s23, s29;
	s2 =	sadd.s32 s31, s1;
	s26 =	sadd.s32 $0x4AC00, s1  }
0x28: {  	s25 =	sadd.s32 $0x3C00, s1;
	[smem:$0x7F6] =	sst s0;
	s0 =	sadd.s32 s23, s4  }
0x29: {  	[dreg:$0x16] =	wrdreg s0;
	s0 =	sadd.s32 $0x2C00, s1;
	s1 =	sadd.s32 $0x4C00, s1  }
0x2a: {  	s9 =	sadd.s32 $0x4D000, s2;
	_ =	strace $0x80000047;
	[smem:$0x7F7] =	sst s1  }
0x2b: {  	s11 =	sadd.s32 $0x1E00, s17;
	[dreg:$0x17] =	wrdreg s9  }
0x2c: {  	p0 =	sgt.u32 s14, $0x1;
	s12 =	sadd.s32 $0x3C00, s17;
	[smem:$0x7F8] =	sst s11  }
0x2d: {  	p1 =	slt.u32 s14, $0xE;
	s14 =	sadd.s32 $0x1E00, s16;
	[dreg:$0x18] =	wrdreg s12  }
0x2e: {  	[dreg:$0x19] =	wrdreg s14  }
0x2f: {  	s18 =	sadd.s32 $0x3C00, s16;
	[dreg:$0x8] =	wrdreg s16  }
0x30: {  	s20 =	sadd.s32 $0x1E00, s13;
	[dreg:$0x1a] =	wrdreg s18  }
0x31: {  	[dreg:$0x1b] =	wrdreg s20  }
0x32: {  	s3 =	sshll.u32 s24, $0xD;
	s24 =	sadd.s32 $0x3C00, s13;
	[dreg:$0xf] =	wrdreg s13  }
0x33: {  	s29 =	sadd.s32 $0x1E00, s8;
	[dreg:$0x1c] =	wrdreg s24  }
0x34: {  	[dreg:$0x1d] =	wrdreg s29  }
0x35: {  	s31 =	sadd.s32 $0x3C00, s8;
	[dreg:$0x12] =	wrdreg s8  }
0x36: {  	[dreg:$0x1e] =	wrdreg s31  }
.Ltmp0:
0x37: {  	s30 =	simm.s32 $0x0;
	[smem:$0x7F9] =	sst s15;
	(pc) =	sbr.rel .LBB2_1-.Ltmp0, $4  }
0x38: {  	s10 =	smax.u32 s5, $0x1;
	s21 =	sadd.s32 $0x100, s28;
	[smem:$0x7FA] =	sst s17  }
0x39: {  	v0 =	vlaneseq.u32;
	s7 =	simm.s32 $0x4;
	s23 =	sadd.s32 $0x200, s28;
	[smem:$0x7FB] =	sst s19  }
0x3a: {  	vm0 =	vmmov $0xffff;
	v2 =	vshrl.u32 v0, $0x3;
	s11 =	simm.s32 $0x1800;
	s12 =	simm.s32 $0x2C00;
	[smem:$0x7FC] =	sst s10  }
0x3b: {  	v1 =	vand.u32 $0x7, v0;
	v3 =	vor.u32 $0x8, v0;
	v2 =	vmul.u32 $0x8, v2;
	s13 =	simm.s32 $0x4000;
	s24 =	simm.s32 $0x1;
	[smem:$0x7FD] =	sst s26  }
.LBB2_9:
0x3c: {  	s2 =	sld [smem:$0x7FC];
	_ =	sdelay $0x1  }
0x3d: {  	s30 =	sadd.s32 $0x1, s30  }
0x3e: {  	p2 =	sne.s32 s30, s2  }
.Ltmp1:
0x3f: {  	_ = 	snop;
	(pc) =	sbr.rel @!p2 .LBB2_10-.Ltmp1, $4  }
0x40: {  	s15 =	sld [smem:$0x7F9]  }
0x41: {  	s19 =	sld [smem:$0x7FB]  }
0x42: {  	s17 =	sld [smem:$0x7FA]  }
0x43: {  	s26 =	sld [smem:$0x7FD]  }
.LBB2_1:
.Ltmp2:
0x44: {  	(pc) =	sbr.rel @p0 .LBB2_7-.Ltmp2, $2  }
0x45: {  	_ =	sdelay $0x2  }
0x46: {  	[smem:$0x7F3] =	sst s30  }
0x47: {  	s14 =	smov.u32 s17;
	s10 =	smov.u32 s15  }
0x48: {  	s30 =	simm.s32 $0x0;
	s15 =	smov.u32 s3;
	s20 =	simm.s32 $0x0  }
.LBB2_3:
0x49: {  	s2 =	sshll.u32 s20, $0xB  }
0x4a: {  	s2 =	sadd.s32 s3, s2  }
0x4b: {  	s2 =	sshrl.u32 s2, $0x3  }
0x4c: {  	s4 =	sadd.s32 s26, s2  }
0x4d: {  	[tilespmem:s30], [sflag:$0x4] =	stream.linear.gather [hbm4b:s4+s30], $0x800, $0x38;
	[tilespmem:$0x1AA00] =	vst v63  }
0x4e: {  	_ =	swait.ge [sflag:s7], $0x800  }
0x4f: {  	[sflag:s7] =	ssyncset.done $0x0  }
0x50: {  	s6 =	simm.s32 $0x800;
	s18 =	sadd.s32 s25, s2;
	[sflag:s7] =	ssyncadd.s32 $0xFFFFF800  }
0x51: {  	[tilespmem:s6], [sflag:$0x4] =	stream.linear.gather [hbm4b:s18+s30], $0x800, $0x38;
	[tilespmem:$0x1AA00] =	vst v63  }
0x52: {  	_ =	swait.ge [sflag:s7], $0x800  }
0x53: {  	[sflag:s7] =	ssyncset.done $0x0  }
0x54: {  	s29 =	simm.s32 $0x1000;
	s2 =	sadd.s32 s0, s2;
	[sflag:s7] =	ssyncadd.s32 $0xFFFFF800  }
0x55: {  	[tilespmem:s29], [sflag:$0x4] =	stream.linear.gather [hbm4b:s2+s30], $0x800, $0x38;
	[tilespmem:$0x1AA00] =	vst v63  }
0x56: {  	_ =	swait.ge [sflag:s7], $0x800  }
0x57: {  	[sflag:s7] =	ssyncset.done $0x0  }
0x58: {  	s31 =	simm.s32 $0x0;
	[sflag:s7] =	ssyncadd.s32 $0xFFFFF800  }
0x59: {  	v4 =	vld [tilespmem:s31+$0x0];
	_ =	sdelay $0x4  }
0x5a: {  	vm1 =	vlt.s32 v4, $0x1388;
	_ =	sdelay $0x1  }
0x5b: {  	v5 =	vld [tilespmem:s31+$0x800]  }
0x5c: {  	v6 =	vld [tilespmem:s31+$0x1000];
	_ =	sdelay $0x1  }
0x5d: {  	v7 =	vor.u32 s15, v0  }
0x5e: {  	[tilespmem:v4+s11+$0x0] =	vst.idx.msk vm1, v7  }
0x5f: {  	[tilespmem:v4+s12+$0x0] =	vst.idx.msk vm1, v5  }
0x60: {  	s6 =	simm.s32 $0x10;
	[tilespmem:v4+s13+$0x0] =	vst.idx.msk vm1, v6  }
0x61: {  	v4 =	vld [tilespmem:s6+$0x0]  }
0x62: {  	s4 =	simm.s32 $0x80;
	s2 =	smov.u32 s15;
	v5 =	vld [tilespmem:s6+$0x1000]  }
.LBB2_4:
0x63: {  	p2 =	sne.s32 s4, $0x1FC0;
	v6 =	vld [tilespmem:s6+$0x800];
	_ =	sdelay $0x2  }
0x64: {  	vm1 =	vlt.s32 v4, $0x1388;
	_ =	sdelay $0x3  }
0x65: {  	s2 =	sadd.s32 $0x10, s2  }
0x66: {  	v7 =	vor.u32 s2, v0  }
.Ltmp3:
0x67: {  	[tilespmem:v4+s11+$0x0] =	vst.idx.msk vm1, v7;
	(pc) =	sbr.rel @p2 .LBB2_4-.Ltmp3, $4  }
0x68: {  	[tilespmem:v4+s12+$0x0] =	vst.idx.msk vm1, v6  }
0x69: {  	s6 =	sshra.s32 s4, $0x2;
	[tilespmem:v4+s13+$0x0] =	vst.idx.msk vm1, v5  }
0x6a: {  	v4 =	vld [tilespmem:s6+$0x0]  }
0x6b: {  	s4 =	sadd.s32 $0x40, s4;
	v5 =	vld [tilespmem:s6+$0x1000]  }
0x6c: {  	_ =	sdelay $0x2  }
0x6d: {  	vm1 =	vlt.s32 v4, $0x1388;
	_ =	sdelay $0x1  }
0x6e: {  	v6 =	vld [tilespmem:s6+$0x800];
	s20 =	sadd.s32 $0x1, s20  }
0x6f: {  	p2 =	sne.s32 s20, $0x4  }
.Ltmp4:
0x70: {  	s2 =	sadd.s32 $0x10, s2;
	(pc) =	sbr.rel @p2 .LBB2_3-.Ltmp4, $4  }
0x71: {  	v7 =	vor.u32 s2, v0  }
0x72: {  	[tilespmem:v4+s11+$0x0] =	vst.idx.msk vm1, v7  }
0x73: {  	[tilespmem:v4+s12+$0x0] =	vst.idx.msk vm1, v6  }
0x74: {  	s15 =	sadd.s32 $0x800, s15;
	[tilespmem:v4+s13+$0x0] =	vst.idx.msk vm1, v5  }
0x75: {  	s2 =	rddreg [dreg:$0x4]  }
0x76: {  	[hbm4b:s2+s22] =	stream.linear.scatter [tilespmem:s11], [sflag:$0x4], $0x1388, $0x38;
	[tilespmem:$0x1AA00] =	vst v63  }
0x77: {  	_ =	swait.ge [sflag:s7], $0x1388  }
0x78: {  	[sflag:s7] =	ssyncset.done $0x0  }
0x79: {  	s30 =	rddreg [dreg:$0x5];
	[sflag:s7] =	ssyncadd.s32 $0xFFFFEC78  }
0x7a: {  	[hbm4b:s30+s22] =	stream.linear.scatter [tilespmem:s13], [sflag:$0x4], $0x1388, $0x38;
	[tilespmem:$0x1AA00] =	vst v63  }
0x7b: {  	_ =	swait.ge [sflag:s7], $0x1388  }
0x7c: {  	[sflag:s7] =	ssyncset.done $0x0  }
0x7d: {  	s31 =	rddreg [dreg:$0x17];
	[sflag:s7] =	ssyncadd.s32 $0xFFFFEC78  }
0x7e: {  	[hbm4b:s31+s22] =	stream.linear.scatter [tilespmem:s12], [sflag:$0x4], $0x1388, $0x38;
	[tilespmem:$0x1AA00] =	vst v63  }
0x7f: {  	_ =	swait.ge [sflag:s7], $0x1388  }
0x80: {  	[sflag:s7] =	ssyncset.done $0x0  }
0x81: {  	s15 =	smov.u32 s10;
	s17 =	smov.u32 s14;
	[sflag:s7] =	ssyncadd.s32 $0xFFFFEC78  }
.LBB2_7:
0x82: {  	[bflag:$0x0] =	sbarrier.arrive $0xFFFF;
	s1 =	simm.s32 $0x5400  }
0x83: {  	[tilespmem:s1], [sflag:$0x4] =	stream.linear.gather [hbm4b:s15+s22], $0xC8, $0x38;
	[tilespmem:$0x1AA00] =	vst v63  }
0x84: {  	_ =	swait.ge [sflag:s7], $0xC8  }
0x85: {  	[sflag:s7] =	ssyncset.done $0x0  }
0x86: {  	s2 =	simm.s32 $0x5500;
	s29 =	rddreg [dreg:$0x1f];
	[sflag:s7] =	ssyncadd.s32 $0xFFFFFF38  }
0x87: {  	[tilespmem:s2], [sflag:$0x4] =	stream.linear.gather [hbm4b:s29+s22], $0xC8, $0x38;
	[tilespmem:$0x1AA00] =	vst v63  }
0x88: {  	_ =	swait.ge [sflag:s7], $0xC8  }
0x89: {  	s5 =	sld [smem:$0x7F7]  }
0x8a: {  	[sflag:s7] =	ssyncset.done $0x0  }
0x8b: {  	s4 =	simm.s32 $0xC8;
	s31 =	simm.s32 $0x14600;
	[sflag:s7] =	ssyncadd.s32 $0xFFFFFF38  }
0x8c: {  	[tilespmem:s31], [sflag:$0x3] =	stream.indirect.gather [hbm4b:s5+s4], $0x80, s2, s4, $0xb8;
	[tilespmem:$0x1AA00] =	vst v63  }
0x8d: {  	v4 =	vld [tilespmem:$0x5400];
	_ =	sdelay $0x4  }
0x8e: {  	v5 =	vshrl.u32 v4, $0x3  }
0x8f: {  	v5 =	vmul.u32 $0x30, v5  }
0x90: {  	v4 =	vand.u32 $0x7, v4  }
0x91: {  	v4 =	vor.u32 v4, v5  }
0x92: {  	v5 =	vperm.xlane v4, v1;
	_ =	sdelay $0x1  }
0x93: {  	v5 =	vadd.s32 v2, v5;
	_ =	sdelay $0x3  }
0x94: {  	s2 =	simm.s32 $0x5600;
	v4 =	vperm.xlane v4, v3  }
0x95: {  	[tilespmem:s2], [sflag:$0x1] =	stream.indirect_vreg.gather [hbm4b:s28+s22], $0x80, v5, vm0, $0xb8;
	[tilespmem:$0x1AA00] =	vst v63  }
0x96: {  	s4 =	smov.u32 s5;
	s5 =	simm.s32 $0x5E00;
	v4 =	vadd.s32 v2, v4  }
0x97: {  	[tilespmem:s5], [sflag:$0x1] =	stream.indirect_vreg.gather [hbm4b:s21+s22], $0x80, v5, vm0, $0xb8;
	[tilespmem:$0x1AA00] =	vst v63  }
0x98: {  	s6 =	simm.s32 $0x6600  }
0x99: {  	[tilespmem:s6], [sflag:$0x1] =	stream.indirect_vreg.gather [hbm4b:s23+s22], $0x80, v5, vm0, $0xb8;
	[tilespmem:$0x1AA00] =	vst v63  }
0x9a: {  	s8 =	simm.s32 $0x6E00  }
0x9b: {  	[tilespmem:s8], [sflag:$0x1] =	stream.indirect_vreg.gather [hbm4b:s28+s22], $0x80, v4, vm0, $0xb8;
	[tilespmem:$0x1AA00] =	vst v63  }
0x9c: {  	s9 =	simm.s32 $0x7600  }
0x9d: {  	[tilespmem:s9], [sflag:$0x1] =	stream.indirect_vreg.gather [hbm4b:s21+s22], $0x80, v4, vm0, $0xb8;
	[tilespmem:$0x1AA00] =	vst v63  }
0x9e: {  	s14 =	simm.s32 $0x7E00  }
0x9f: {  	[tilespmem:s14], [sflag:$0x1] =	stream.indirect_vreg.gather [hbm4b:s23+s22], $0x80, v4, vm0, $0xb8;
	[tilespmem:$0x1AA00] =	vst v63  }
0xa0: {  	v4 =	vld [tilespmem:$0x5410];
	_ =	sdelay $0x4  }
0xa1: {  	v5 =	vshrl.u32 v4, $0x3  }
0xa2: {  	v5 =	vmul.u32 $0x30, v5  }
0xa3: {  	v4 =	vand.u32 $0x7, v4  }
0xa4: {  	v4 =	vor.u32 v4, v5  }
0xa5: {  	v5 =	vperm.xlane v4, v1;
	_ =	sdelay $0x1  }
0xa6: {  	v5 =	vadd.s32 v2, v5;
	_ =	sdelay $0x3  }
0xa7: {  	s15 =	simm.s32 $0x8600;
	v4 =	vperm.xlane v4, v3  }
0xa8: {  	[tilespmem:s15], [sflag:$0x1] =	stream.indirect_vreg.gather [hbm4b:s28+s22], $0x80, v5, vm0, $0xb8;
	[tilespmem:$0x1AA00] =	vst v63  }
0xa9: {  	s18 =	simm.s32 $0x8E00;
	v4 =	vadd.s32 v2, v4  }
0xaa: {  	[tilespmem:s18], [sflag:$0x1] =	stream.indirect_vreg.gather [hbm4b:s21+s22], $0x80, v5, vm0, $0xb8;
	[tilespmem:$0x1AA00] =	vst v63  }
0xab: {  	s26 =	simm.s32 $0x9600  }
0xac: {  	[tilespmem:s26], [sflag:$0x1] =	stream.indirect_vreg.gather [hbm4b:s23+s22], $0x80, v5, vm0, $0xb8;
	[tilespmem:$0x1AA00] =	vst v63  }
0xad: {  	s31 =	simm.s32 $0x9E00  }
0xae: {  	[tilespmem:s31], [sflag:$0x1] =	stream.indirect_vreg.gather [hbm4b:s28+s22], $0x80, v4, vm0, $0xb8;
	[tilespmem:$0x1AA00] =	vst v63  }
0xaf: {  	s5 =	simm.s32 $0xA600  }
0xb0: {  	[tilespmem:s5], [sflag:$0x1] =	stream.indirect_vreg.gather [hbm4b:s21+s22], $0x80, v4, vm0, $0xb8;
	[tilespmem:$0x1AA00] =	vst v63  }
0xb1: {  	s9 =	simm.s32 $0xAE00  }
0xb2: {  	[tilespmem:s9], [sflag:$0x1] =	stream.indirect_vreg.gather [hbm4b:s23+s22], $0x80, v4, vm0, $0xb8;
	[tilespmem:$0x1AA00] =	vst v63  }
0xb3: {  	v4 =	vld.msk [tilespmem:$0x5420], $0xff;
	_ =	sdelay $0x4  }
0xb4: {  	v5 =	vshrl.u32 v4, $0x3  }
0xb5: {  	v5 =	vmul.u32 $0x30, v5  }
0xb6: {  	v4 =	vand.u32 $0x7, v4  }
0xb7: {  	v4 =	vor.u32 v4, v5  }
0xb8: {  	v4 =	vperm.xlane v4, v1;
	_ =	sdelay $0x1  }
0xb9: {  	v4 =	vadd.s32 v2, v4;
	_ =	sdelay $0x3  }
0xba: {  	s18 =	simm.s32 $0xB600  }
0xbb: {  	[tilespmem:s18], [sflag:$0x1] =	stream.indirect_vreg.gather [hbm4b:s28+s22], $0x80, v4, vm0, $0xb8;
	[tilespmem:$0x1AA00] =	vst v63  }
0xbc: {  	s26 =	simm.s32 $0xBE00  }
0xbd: {  	[tilespmem:s26], [sflag:$0x1] =	stream.indirect_vreg.gather [hbm4b:s21+s22], $0x80, v4, vm0, $0xb8;
	[tilespmem:$0x1AA00] =	vst v63  }
0xbe: {  	s31 =	simm.s32 $0xC600  }
0xbf: {  	[tilespmem:s31], [sflag:$0x1] =	stream.indirect_vreg.gather [hbm4b:s23+s22], $0x80, v4, vm0, $0xb8;
	[tilespmem:$0x1AA00] =	vst v63  }
0xc0: {  	v4 =	vld [tilespmem:$0x5428];
	_ =	sdelay $0x4  }
0xc1: {  	v5 =	vshrl.u32 v4, $0x3  }
0xc2: {  	v5 =	vmul.u32 $0x30, v5  }
0xc3: {  	v4 =	vand.u32 $0x7, v4  }
0xc4: {  	v4 =	vor.u32 v4, v5  }
0xc5: {  	v5 =	vperm.xlane v4, v1;
	_ =	sdelay $0x1  }
0xc6: {  	v5 =	vadd.s32 v2, v5;
	_ =	sdelay $0x3  }
0xc7: {  	s9 =	simm.s32 $0xCE00;
	v4 =	vperm.xlane v4, v3  }
0xc8: {  	[tilespmem:s9], [sflag:$0x2] =	stream.indirect_vreg.gather [hbm4b:s28+s22], $0x80, v5, vm0, $0xb8;
	[tilespmem:$0x1AA00] =	vst v63  }
0xc9: {  	v4 =	vadd.s32 v2, v4;
	s9 =	simm.s32 $0xD600  }
0xca: {  	[tilespmem:s9], [sflag:$0x2] =	stream.indirect_vreg.gather [hbm4b:s21+s22], $0x80, v5, vm0, $0xb8;
	[tilespmem:$0x1AA00] =	vst v63  }
0xcb: {  	s9 =	simm.s32 $0xDE00  }
0xcc: {  	[tilespmem:s9], [sflag:$0x2] =	stream.indirect_vreg.gather [hbm4b:s23+s22], $0x80, v5, vm0, $0xb8;
	[tilespmem:$0x1AA00] =	vst v63  }
0xcd: {  	s9 =	simm.s32 $0xE600  }
0xce: {  	[tilespmem:s9], [sflag:$0x2] =	stream.indirect_vreg.gather [hbm4b:s28+s22], $0x80, v4, vm0, $0xb8;
	[tilespmem:$0x1AA00] =	vst v63  }
0xcf: {  	s9 =	simm.s32 $0xEE00  }
0xd0: {  	[tilespmem:s9], [sflag:$0x2] =	stream.indirect_vreg.gather [hbm4b:s21+s22], $0x80, v4, vm0, $0xb8;
	[tilespmem:$0x1AA00] =	vst v63  }
0xd1: {  	s9 =	simm.s32 $0xF600  }
0xd2: {  	[tilespmem:s9], [sflag:$0x2] =	stream.indirect_vreg.gather [hbm4b:s23+s22], $0x80, v4, vm0, $0xb8;
	[tilespmem:$0x1AA00] =	vst v63  }
0xd3: {  	v4 =	vld [tilespmem:$0x5438];
	_ =	sdelay $0x4  }
0xd4: {  	v5 =	vshrl.u32 v4, $0x3  }
0xd5: {  	v5 =	vmul.u32 $0x30, v5  }
0xd6: {  	v4 =	vand.u32 $0x7, v4  }
0xd7: {  	v4 =	vor.u32 v4, v5  }
0xd8: {  	v5 =	vperm.xlane v4, v1;
	_ =	sdelay $0x1  }
0xd9: {  	v5 =	vadd.s32 v2, v5;
	_ =	sdelay $0x3  }
0xda: {  	s1 =	simm.s32 $0xFE00;
	v4 =	vperm.xlane v4, v3  }
0xdb: {  	[tilespmem:s1], [sflag:$0x2] =	stream.indirect_vreg.gather [hbm4b:s28+s22], $0x80, v5, vm0, $0xb8;
	[tilespmem:$0x1AA00] =	vst v63  }
0xdc: {  	v4 =	vadd.s32 v2, v4;
	s1 =	simm.s32 $0x10600  }
0xdd: {  	[tilespmem:s1], [sflag:$0x2] =	stream.indirect_vreg.gather [hbm4b:s21+s22], $0x80, v5, vm0, $0xb8;
	[tilespmem:$0x1AA00] =	vst v63  }
0xde: {  	s1 =	simm.s32 $0x10E00  }
0xdf: {  	[tilespmem:s1], [sflag:$0x2] =	stream.indirect_vreg.gather [hbm4b:s23+s22], $0x80, v5, vm0, $0xb8;
	[tilespmem:$0x1AA00] =	vst v63  }
0xe0: {  	s1 =	simm.s32 $0x11600  }
0xe1: {  	[tilespmem:s1], [sflag:$0x2] =	stream.indirect_vreg.gather [hbm4b:s28+s22], $0x80, v4, vm0, $0xb8;
	[tilespmem:$0x1AA00] =	vst v63  }
0xe2: {  	s1 =	simm.s32 $0x11E00  }
0xe3: {  	[tilespmem:s1], [sflag:$0x2] =	stream.indirect_vreg.gather [hbm4b:s21+s22], $0x80, v4, vm0, $0xb8;
	[tilespmem:$0x1AA00] =	vst v63  }
0xe4: {  	s1 =	simm.s32 $0x12600  }
0xe5: {  	[tilespmem:s1], [sflag:$0x2] =	stream.indirect_vreg.gather [hbm4b:s23+s22], $0x80, v4, vm0, $0xb8;
	[tilespmem:$0x1AA00] =	vst v63  }
0xe6: {  	v4 =	vld.msk [tilespmem:$0x5448], $0xff;
	_ =	sdelay $0x4  }
0xe7: {  	v5 =	vshrl.u32 v4, $0x3  }
0xe8: {  	v5 =	vmul.u32 $0x30, v5  }
0xe9: {  	v4 =	vand.u32 $0x7, v4  }
0xea: {  	v4 =	vor.u32 v4, v5  }
0xeb: {  	v4 =	vperm.xlane v4, v1;
	_ =	sdelay $0x1  }
0xec: {  	v4 =	vadd.s32 v2, v4;
	_ =	sdelay $0x3  }
0xed: {  	s1 =	simm.s32 $0x12E00  }
0xee: {  	[tilespmem:s1], [sflag:$0x2] =	stream.indirect_vreg.gather [hbm4b:s28+s22], $0x80, v4, vm0, $0xb8;
	[tilespmem:$0x1AA00] =	vst v63  }
0xef: {  	s1 =	simm.s32 $0x13600  }
0xf0: {  	[tilespmem:s1], [sflag:$0x2] =	stream.indirect_vreg.gather [hbm4b:s21+s22], $0x80, v4, vm0, $0xb8;
	[tilespmem:$0x1AA00] =	vst v63  }
0xf1: {  	s1 =	simm.s32 $0x13E00  }
0xf2: {  	[tilespmem:s1], [sflag:$0x2] =	stream.indirect_vreg.gather [hbm4b:s23+s22], $0x80, v4, vm0, $0xb8;
	[tilespmem:$0x1AA00] =	vst v63  }
0xf3: {  	_ =	swait.ge [sflag:s24], $0x7800  }
0xf4: {  	[sflag:s24] =	ssyncset.done $0x0  }
0xf5: {  	[sflag:s24] =	ssyncadd.s32 $0xFFFF8800  }
0xf6: {  	[hbm4b:s17+s22] =	stream.linear.scatter [tilespmem:s2], [sflag:$0x4], $0x7800, $0x38;
	[tilespmem:$0x1AA00] =	vst v63  }
0xf7: {  	_ =	swait.ge [sflag:s7], $0x7800  }
0xf8: {  	[sflag:s7] =	ssyncset.done $0x0  }
0xf9: {  	[sflag:s7] =	ssyncadd.s32 $0xFFFF8800  }
0xfa: {  	v4 =	vld [tilespmem:$0x5450];
	_ =	sdelay $0x4  }
0xfb: {  	v5 =	vshrl.u32 v4, $0x3  }
0xfc: {  	v5 =	vmul.u32 $0x30, v5  }
0xfd: {  	v4 =	vand.u32 $0x7, v4  }
0xfe: {  	v4 =	vor.u32 v4, v5  }
0xff: {  	v5 =	vperm.xlane v4, v1;
	_ =	sdelay $0x1  }
0x100: {  	v5 =	vadd.s32 v2, v5;
	_ =	sdelay $0x3  }
0x101: {  	v4 =	vperm.xlane v4, v3  }
0x102: {  	[tilespmem:s2], [sflag:$0x1] =	stream.indirect_vreg.gather [hbm4b:s28+s22], $0x80, v5, vm0, $0xb8;
	[tilespmem:$0x1AA00] =	vst v63  }
0x103: {  	s17 =	simm.s32 $0x5E00;
	v4 =	vadd.s32 v2, v4  }
0x104: {  	[tilespmem:s17], [sflag:$0x1] =	stream.indirect_vreg.gather [hbm4b:s21+s22], $0x80, v5, vm0, $0xb8;
	[tilespmem:$0x1AA00] =	vst v63  }
0x105: {  	s10 =	simm.s32 $0x6600  }
0x106: {  	[tilespmem:s10], [sflag:$0x1] =	stream.indirect_vreg.gather [hbm4b:s23+s22], $0x80, v5, vm0, $0xb8;
	[tilespmem:$0x1AA00] =	vst v63  }
0x107: {  	s16 =	simm.s32 $0x6E00  }
0x108: {  	[tilespmem:s16], [sflag:$0x1] =	stream.indirect_vreg.gather [hbm4b:s28+s22], $0x80, v4, vm0, $0xb8;
	[tilespmem:$0x1AA00] =	vst v63  }
0x109: {  	s20 =	simm.s32 $0x7600  }
0x10a: {  	[tilespmem:s20], [sflag:$0x1] =	stream.indirect_vreg.gather [hbm4b:s21+s22], $0x80, v4, vm0, $0xb8;
	[tilespmem:$0x1AA00] =	vst v63  }
0x10b: {  	s30 =	simm.s32 $0x7E00  }
0x10c: {  	[tilespmem:s30], [sflag:$0x1] =	stream.indirect_vreg.gather [hbm4b:s23+s22], $0x80, v4, vm0, $0xb8;
	[tilespmem:$0x1AA00] =	vst v63  }
0x10d: {  	v4 =	vld [tilespmem:$0x5460];
	_ =	sdelay $0x4  }
0x10e: {  	v5 =	vshrl.u32 v4, $0x3  }
0x10f: {  	v5 =	vmul.u32 $0x30, v5  }
0x110: {  	v4 =	vand.u32 $0x7, v4  }
0x111: {  	v4 =	vor.u32 v4, v5  }
0x112: {  	v5 =	vperm.xlane v4, v1;
	_ =	sdelay $0x1  }
0x113: {  	v5 =	vadd.s32 v2, v5;
	_ =	sdelay $0x3  }
0x114: {  	s8 =	simm.s32 $0x8600;
	v4 =	vperm.xlane v4, v3  }
0x115: {  	[tilespmem:s8], [sflag:$0x1] =	stream.indirect_vreg.gather [hbm4b:s28+s22], $0x80, v5, vm0, $0xb8;
	[tilespmem:$0x1AA00] =	vst v63  }
0x116: {  	s29 =	simm.s32 $0x8E00;
	v4 =	vadd.s32 v2, v4  }
0x117: {  	[tilespmem:s29], [sflag:$0x1] =	stream.indirect_vreg.gather [hbm4b:s21+s22], $0x80, v5, vm0, $0xb8;
	[tilespmem:$0x1AA00] =	vst v63  }
0x118: {  	s6 =	simm.s32 $0x9600  }
0x119: {  	[tilespmem:s6], [sflag:$0x1] =	stream.indirect_vreg.gather [hbm4b:s23+s22], $0x80, v5, vm0, $0xb8;
	[tilespmem:$0x1AA00] =	vst v63  }
0x11a: {  	s15 =	simm.s32 $0x9E00  }
0x11b: {  	[tilespmem:s15], [sflag:$0x1] =	stream.indirect_vreg.gather [hbm4b:s28+s22], $0x80, v4, vm0, $0xb8;
	[tilespmem:$0x1AA00] =	vst v63  }
0x11c: {  	s14 =	simm.s32 $0xA600  }
0x11d: {  	[tilespmem:s14], [sflag:$0x1] =	stream.indirect_vreg.gather [hbm4b:s21+s22], $0x80, v4, vm0, $0xb8;
	[tilespmem:$0x1AA00] =	vst v63  }
0x11e: {  	s5 =	simm.s32 $0xAE00  }
0x11f: {  	[tilespmem:s5], [sflag:$0x1] =	stream.indirect_vreg.gather [hbm4b:s23+s22], $0x80, v4, vm0, $0xb8;
	[tilespmem:$0x1AA00] =	vst v63  }
0x120: {  	v4 =	vld.msk [tilespmem:$0x5470], $0xff;
	_ =	sdelay $0x4  }
0x121: {  	v5 =	vshrl.u32 v4, $0x3  }
0x122: {  	v5 =	vmul.u32 $0x30, v5  }
0x123: {  	v4 =	vand.u32 $0x7, v4  }
0x124: {  	v4 =	vor.u32 v4, v5  }
0x125: {  	v4 =	vperm.xlane v4, v1;
	_ =	sdelay $0x1  }
0x126: {  	v4 =	vadd.s32 v2, v4;
	_ =	sdelay $0x3  }
0x127: {  	s18 =	simm.s32 $0xB600  }
0x128: {  	[tilespmem:s18], [sflag:$0x1] =	stream.indirect_vreg.gather [hbm4b:s28+s22], $0x80, v4, vm0, $0xb8;
	[tilespmem:$0x1AA00] =	vst v63  }
0x129: {  	s26 =	simm.s32 $0xBE00  }
0x12a: {  	[tilespmem:s26], [sflag:$0x1] =	stream.indirect_vreg.gather [hbm4b:s21+s22], $0x80, v4, vm0, $0xb8;
	[tilespmem:$0x1AA00] =	vst v63  }
0x12b: {  	s31 =	simm.s32 $0xC600  }
0x12c: {  	[tilespmem:s31], [sflag:$0x1] =	stream.indirect_vreg.gather [hbm4b:s23+s22], $0x80, v4, vm0, $0xb8;
	[tilespmem:$0x1AA00] =	vst v63  }
0x12d: {  	s31 =	simm.s32 $0x2  }
0x12e: {  	_ =	swait.ge [sflag:s31], $0x7800  }
0x12f: {  	[sflag:s31] =	ssyncset.done $0x0  }
0x130: {  	s8 =	simm.s32 $0xCE00;
	[sflag:s31] =	ssyncadd.s32 $0xFFFF8800  }
0x131: {  	[hbm4b:s19+s22] =	stream.linear.scatter [tilespmem:s8], [sflag:$0x4], $0x7800, $0x38;
	[tilespmem:$0x1AA00] =	vst v63  }
0x132: {  	_ =	swait.ge [sflag:s7], $0x7800  }
0x133: {  	[sflag:s7] =	ssyncset.done $0x0  }
0x134: {  	[sflag:s7] =	ssyncadd.s32 $0xFFFF8800  }
0x135: {  	v4 =	vld [tilespmem:$0x5478];
	_ =	sdelay $0x4  }
0x136: {  	v5 =	vshrl.u32 v4, $0x3  }
0x137: {  	v5 =	vmul.u32 $0x30, v5  }
0x138: {  	v4 =	vand.u32 $0x7, v4  }
0x139: {  	v4 =	vor.u32 v4, v5  }
0x13a: {  	v5 =	vperm.xlane v4, v1;
	_ =	sdelay $0x1  }
0x13b: {  	v5 =	vadd.s32 v2, v5;
	_ =	sdelay $0x3  }
0x13c: {  	v4 =	vperm.xlane v4, v3  }
0x13d: {  	[tilespmem:s8], [sflag:$0x2] =	stream.indirect_vreg.gather [hbm4b:s28+s22], $0x80, v5, vm0, $0xb8;
	[tilespmem:$0x1AA00] =	vst v63  }
0x13e: {  	s19 =	simm.s32 $0xD600;
	v4 =	vadd.s32 v2, v4  }
0x13f: {  	[tilespmem:s19], [sflag:$0x2] =	stream.indirect_vreg.gather [hbm4b:s21+s22], $0x80, v5, vm0, $0xb8;
	[tilespmem:$0x1AA00] =	vst v63  }
0x140: {  	s6 =	simm.s32 $0xDE00  }
0x141: {  	[tilespmem:s6], [sflag:$0x2] =	stream.indirect_vreg.gather [hbm4b:s23+s22], $0x80, v5, vm0, $0xb8;
	[tilespmem:$0x1AA00] =	vst v63  }
0x142: {  	s19 =	simm.s32 $0xE600  }
0x143: {  	[tilespmem:s19], [sflag:$0x2] =	stream.indirect_vreg.gather [hbm4b:s28+s22], $0x80, v4, vm0, $0xb8;
	[tilespmem:$0x1AA00] =	vst v63  }
0x144: {  	s6 =	simm.s32 $0xEE00  }
0x145: {  	[tilespmem:s6], [sflag:$0x2] =	stream.indirect_vreg.gather [hbm4b:s21+s22], $0x80, v4, vm0, $0xb8;
	[tilespmem:$0x1AA00] =	vst v63  }
0x146: {  	s9 =	simm.s32 $0xF600  }
0x147: {  	[tilespmem:s9], [sflag:$0x2] =	stream.indirect_vreg.gather [hbm4b:s23+s22], $0x80, v4, vm0, $0xb8;
	[tilespmem:$0x1AA00] =	vst v63  }
0x148: {  	v4 =	vld [tilespmem:$0x5488];
	_ =	sdelay $0x4  }
0x149: {  	v5 =	vshrl.u32 v4, $0x3  }
0x14a: {  	v5 =	vmul.u32 $0x30, v5  }
0x14b: {  	v4 =	vand.u32 $0x7, v4  }
0x14c: {  	v4 =	vor.u32 v4, v5  }
0x14d: {  	v5 =	vperm.xlane v4, v1;
	_ =	sdelay $0x1  }
0x14e: {  	v5 =	vadd.s32 v2, v5;
	_ =	sdelay $0x3  }
0x14f: {  	s9 =	simm.s32 $0xFE00;
	v4 =	vperm.xlane v4, v3  }
0x150: {  	[tilespmem:s9], [sflag:$0x2] =	stream.indirect_vreg.gather [hbm4b:s28+s22], $0x80, v5, vm0, $0xb8;
	[tilespmem:$0x1AA00] =	vst v63  }
0x151: {  	s19 =	simm.s32 $0x10600;
	v4 =	vadd.s32 v2, v4  }
0x152: {  	[tilespmem:s19], [sflag:$0x2] =	stream.indirect_vreg.gather [hbm4b:s21+s22], $0x80, v5, vm0, $0xb8;
	[tilespmem:$0x1AA00] =	vst v63  }
0x153: {  	s6 =	simm.s32 $0x10E00  }
0x154: {  	[tilespmem:s6], [sflag:$0x2] =	stream.indirect_vreg.gather [hbm4b:s23+s22], $0x80, v5, vm0, $0xb8;
	[tilespmem:$0x1AA00] =	vst v63  }
0x155: {  	s9 =	simm.s32 $0x11600  }
0x156: {  	[tilespmem:s9], [sflag:$0x2] =	stream.indirect_vreg.gather [hbm4b:s28+s22], $0x80, v4, vm0, $0xb8;
	[tilespmem:$0x1AA00] =	vst v63  }
0x157: {  	s19 =	simm.s32 $0x11E00  }
0x158: {  	[tilespmem:s19], [sflag:$0x2] =	stream.indirect_vreg.gather [hbm4b:s21+s22], $0x80, v4, vm0, $0xb8;
	[tilespmem:$0x1AA00] =	vst v63  }
0x159: {  	s6 =	simm.s32 $0x12600  }
0x15a: {  	[tilespmem:s6], [sflag:$0x2] =	stream.indirect_vreg.gather [hbm4b:s23+s22], $0x80, v4, vm0, $0xb8;
	[tilespmem:$0x1AA00] =	vst v63  }
0x15b: {  	v4 =	vld.msk [tilespmem:$0x5498], $0xff;
	_ =	sdelay $0x4  }
0x15c: {  	v5 =	vshrl.u32 v4, $0x3  }
0x15d: {  	v5 =	vmul.u32 $0x30, v5  }
0x15e: {  	v4 =	vand.u32 $0x7, v4  }
0x15f: {  	v4 =	vor.u32 v4, v5  }
0x160: {  	v4 =	vperm.xlane v4, v1;
	_ =	sdelay $0x1  }
0x161: {  	v4 =	vadd.s32 v2, v4;
	_ =	sdelay $0x3  }
0x162: {  	s9 =	simm.s32 $0x12E00  }
0x163: {  	[tilespmem:s9], [sflag:$0x2] =	stream.indirect_vreg.gather [hbm4b:s28+s22], $0x80, v4, vm0, $0xb8;
	[tilespmem:$0x1AA00] =	vst v63  }
0x164: {  	s19 =	simm.s32 $0x13600  }
0x165: {  	[tilespmem:s19], [sflag:$0x2] =	stream.indirect_vreg.gather [hbm4b:s21+s22], $0x80, v4, vm0, $0xb8;
	[tilespmem:$0x1AA00] =	vst v63  }
0x166: {  	s6 =	simm.s32 $0x13E00  }
0x167: {  	[tilespmem:s6], [sflag:$0x2] =	stream.indirect_vreg.gather [hbm4b:s23+s22], $0x80, v4, vm0, $0xb8;
	[tilespmem:$0x1AA00] =	vst v63  }
0x168: {  	_ =	swait.ge [sflag:s24], $0x7800  }
0x169: {  	s9 =	sld [smem:$0x7F8]  }
0x16a: {  	[sflag:s24] =	ssyncset.done $0x0  }
0x16b: {  	[sflag:s24] =	ssyncadd.s32 $0xFFFF8800  }
0x16c: {  	[hbm4b:s9+s22] =	stream.linear.scatter [tilespmem:s2], [sflag:$0x4], $0x7800, $0x38;
	[tilespmem:$0x1AA00] =	vst v63  }
0x16d: {  	_ =	swait.ge [sflag:s7], $0x7800  }
0x16e: {  	[sflag:s7] =	ssyncset.done $0x0  }
0x16f: {  	[sflag:s7] =	ssyncadd.s32 $0xFFFF8800  }
0x170: {  	v4 =	vld [tilespmem:$0x54A0];
	_ =	sdelay $0x4  }
0x171: {  	v5 =	vshrl.u32 v4, $0x3  }
0x172: {  	v5 =	vmul.u32 $0x30, v5  }
0x173: {  	v4 =	vand.u32 $0x7, v4  }
0x174: {  	v4 =	vor.u32 v4, v5  }
0x175: {  	v5 =	vperm.xlane v4, v1;
	_ =	sdelay $0x1  }
0x176: {  	v5 =	vadd.s32 v2, v5;
	_ =	sdelay $0x3  }
0x177: {  	v4 =	vperm.xlane v4, v3  }
0x178: {  	[tilespmem:s2], [sflag:$0x1] =	stream.indirect_vreg.gather [hbm4b:s28+s22], $0x80, v5, vm0, $0xb8;
	[tilespmem:$0x1AA00] =	vst v63  }
0x179: {  	v4 =	vadd.s32 v2, v4  }
0x17a: {  	[tilespmem:s17], [sflag:$0x1] =	stream.indirect_vreg.gather [hbm4b:s21+s22], $0x80, v5, vm0, $0xb8;
	[tilespmem:$0x1AA00] =	vst v63  }
0x17b: {  	s10 =	simm.s32 $0x6600  }
0x17c: {  	[tilespmem:s10], [sflag:$0x1] =	stream.indirect_vreg.gather [hbm4b:s23+s22], $0x80, v5, vm0, $0xb8;
	[tilespmem:$0x1AA00] =	vst v63  }
0x17d: {  	s16 =	simm.s32 $0x6E00  }
0x17e: {  	[tilespmem:s16], [sflag:$0x1] =	stream.indirect_vreg.gather [hbm4b:s28+s22], $0x80, v4, vm0, $0xb8;
	[tilespmem:$0x1AA00] =	vst v63  }
0x17f: {  	s20 =	simm.s32 $0x7600  }
0x180: {  	[tilespmem:s20], [sflag:$0x1] =	stream.indirect_vreg.gather [hbm4b:s21+s22], $0x80, v4, vm0, $0xb8;
	[tilespmem:$0x1AA00] =	vst v63  }
0x181: {  	s30 =	simm.s32 $0x7E00  }
0x182: {  	[tilespmem:s30], [sflag:$0x1] =	stream.indirect_vreg.gather [hbm4b:s23+s22], $0x80, v4, vm0, $0xb8;
	[tilespmem:$0x1AA00] =	vst v63  }
0x183: {  	v4 =	vld [tilespmem:$0x54B0];
	_ =	sdelay $0x4  }
0x184: {  	v5 =	vshrl.u32 v4, $0x3  }
0x185: {  	v5 =	vmul.u32 $0x30, v5  }
0x186: {  	v4 =	vand.u32 $0x7, v4  }
0x187: {  	v4 =	vor.u32 v4, v5  }
0x188: {  	v5 =	vperm.xlane v4, v1;
	_ =	sdelay $0x1  }
0x189: {  	v5 =	vadd.s32 v2, v5;
	_ =	sdelay $0x3  }
0x18a: {  	s16 =	simm.s32 $0x8600;
	v4 =	vperm.xlane v4, v3  }
0x18b: {  	[tilespmem:s16], [sflag:$0x1] =	stream.indirect_vreg.gather [hbm4b:s28+s22], $0x80, v5, vm0, $0xb8;
	[tilespmem:$0x1AA00] =	vst v63  }
0x18c: {  	s29 =	simm.s32 $0x8E00;
	v4 =	vadd.s32 v2, v4  }
0x18d: {  	[tilespmem:s29], [sflag:$0x1] =	stream.indirect_vreg.gather [hbm4b:s21+s22], $0x80, v5, vm0, $0xb8;
	[tilespmem:$0x1AA00] =	vst v63  }
0x18e: {  	s17 =	simm.s32 $0x9600  }
0x18f: {  	[tilespmem:s17], [sflag:$0x1] =	stream.indirect_vreg.gather [hbm4b:s23+s22], $0x80, v5, vm0, $0xb8;
	[tilespmem:$0x1AA00] =	vst v63  }
0x190: {  	s15 =	simm.s32 $0x9E00  }
0x191: {  	[tilespmem:s15], [sflag:$0x1] =	stream.indirect_vreg.gather [hbm4b:s28+s22], $0x80, v4, vm0, $0xb8;
	[tilespmem:$0x1AA00] =	vst v63  }
0x192: {  	s14 =	simm.s32 $0xA600  }
0x193: {  	[tilespmem:s14], [sflag:$0x1] =	stream.indirect_vreg.gather [hbm4b:s21+s22], $0x80, v4, vm0, $0xb8;
	[tilespmem:$0x1AA00] =	vst v63  }
0x194: {  	s5 =	simm.s32 $0xAE00  }
0x195: {  	[tilespmem:s5], [sflag:$0x1] =	stream.indirect_vreg.gather [hbm4b:s23+s22], $0x80, v4, vm0, $0xb8;
	[tilespmem:$0x1AA00] =	vst v63  }
0x196: {  	v4 =	vld.msk [tilespmem:$0x54C0], $0xff;
	_ =	sdelay $0x4  }
0x197: {  	v5 =	vshrl.u32 v4, $0x3  }
0x198: {  	v5 =	vmul.u32 $0x30, v5  }
0x199: {  	v4 =	vand.u32 $0x7, v4  }
0x19a: {  	v4 =	vor.u32 v4, v5  }
0x19b: {  	v4 =	vperm.xlane v4, v1;
	_ =	sdelay $0x1  }
0x19c: {  	v4 =	vadd.s32 v2, v4;
	_ =	sdelay $0x3  }
0x19d: {  	s18 =	simm.s32 $0xB600  }
0x19e: {  	[tilespmem:s18], [sflag:$0x1] =	stream.indirect_vreg.gather [hbm4b:s28+s22], $0x80, v4, vm0, $0xb8;
	[tilespmem:$0x1AA00] =	vst v63  }
0x19f: {  	s26 =	simm.s32 $0xBE00  }
0x1a0: {  	[tilespmem:s26], [sflag:$0x1] =	stream.indirect_vreg.gather [hbm4b:s21+s22], $0x80, v4, vm0, $0xb8;
	[tilespmem:$0x1AA00] =	vst v63  }
0x1a1: {  	s19 =	simm.s32 $0xC600  }
0x1a2: {  	[tilespmem:s19], [sflag:$0x1] =	stream.indirect_vreg.gather [hbm4b:s23+s22], $0x80, v4, vm0, $0xb8;
	[tilespmem:$0x1AA00] =	vst v63  }
0x1a3: {  	_ =	swait.ge [sflag:s31], $0x7800  }
0x1a4: {  	s20 =	sld [smem:$0x7F4]  }
0x1a5: {  	[sflag:s31] =	ssyncset.done $0x0  }
0x1a6: {  	s8 =	simm.s32 $0xCE00;
	[sflag:s31] =	ssyncadd.s32 $0xFFFF8800  }
0x1a7: {  	[hbm4b:s20+s22] =	stream.linear.scatter [tilespmem:s8], [sflag:$0x4], $0x7800, $0x38;
	[tilespmem:$0x1AA00] =	vst v63  }
0x1a8: {  	_ =	swait.ge [sflag:s7], $0x7800  }
0x1a9: {  	[sflag:s7] =	ssyncset.done $0x0  }
0x1aa: {  	[sflag:s7] =	ssyncadd.s32 $0xFFFF8800  }
0x1ab: {  	_ =	swait.ge [sflag:s24], $0x7800  }
0x1ac: {  	[sflag:s24] =	ssyncset.done $0x0  }
0x1ad: {  	s26 =	rddreg [dreg:$0x18];
	[sflag:s24] =	ssyncadd.s32 $0xFFFF8800  }
0x1ae: {  	[hbm4b:s26+s22] =	stream.linear.scatter [tilespmem:s2], [sflag:$0x4], $0x7800, $0x38;
	[tilespmem:$0x1AA00] =	vst v63  }
0x1af: {  	_ =	swait.ge [sflag:s7], $0x7800  }
0x1b0: {  	[sflag:s7] =	ssyncset.done $0x0  }
0x1b1: {  	s29 =	simm.s32 $0x3;
	[sflag:s7] =	ssyncadd.s32 $0xFFFF8800  }
0x1b2: {  	_ =	swait.ge [sflag:s29], $0x6400  }
0x1b3: {  	[sflag:s29] =	ssyncset.done $0x0  }
0x1b4: {  	s8 =	simm.s32 $0x14600;
	s5 =	rddreg [dreg:$0x15];
	[sflag:s29] =	ssyncadd.s32 $0xFFFF9C00  }
0x1b5: {  	[hbm4b:s5+s22] =	stream.linear.scatter [tilespmem:s8], [sflag:$0x4], $0x6400, $0x38;
	[tilespmem:$0x1AA00] =	vst v63  }
0x1b6: {  	_ =	swait.ge [sflag:s7], $0x6400  }
0x1b7: {  	[sflag:s7] =	ssyncset.done $0x0  }
0x1b8: {  	s10 =	simm.s32 $0x5400;
	s9 =	rddreg [dreg:$0x6];
	[sflag:s7] =	ssyncadd.s32 $0xFFFF9C00  }
0x1b9: {  	[tilespmem:s10], [sflag:$0x4] =	stream.linear.gather [hbm4b:s9+s22], $0xC8, $0x38;
	[tilespmem:$0x1AA00] =	vst v63  }
0x1ba: {  	_ =	swait.ge [sflag:s7], $0xC8  }
0x1bb: {  	[sflag:s7] =	ssyncset.done $0x0  }
0x1bc: {  	s15 =	simm.s32 $0x5500;
	s14 =	rddreg [dreg:$0x7];
	[sflag:s7] =	ssyncadd.s32 $0xFFFFFF38  }
0x1bd: {  	[tilespmem:s15], [sflag:$0x4] =	stream.linear.gather [hbm4b:s14+s22], $0xC8, $0x38;
	[tilespmem:$0x1AA00] =	vst v63  }
0x1be: {  	_ =	swait.ge [sflag:s7], $0xC8  }
0x1bf: {  	[sflag:s7] =	ssyncset.done $0x0  }
0x1c0: {  	s16 =	simm.s32 $0xC8;
	[sflag:s7] =	ssyncadd.s32 $0xFFFFFF38  }
0x1c1: {  	[tilespmem:s8], [sflag:$0x3] =	stream.indirect.gather [hbm4b:s4+s16], $0x80, s15, s16, $0xb8;
	[tilespmem:$0x1AA00] =	vst v63  }
0x1c2: {  	v4 =	vld [tilespmem:$0x5400];
	_ =	sdelay $0x4  }
0x1c3: {  	v5 =	vshrl.u32 v4, $0x3  }
0x1c4: {  	v5 =	vmul.u32 $0x30, v5  }
0x1c5: {  	v4 =	vand.u32 $0x7, v4  }
0x1c6: {  	v4 =	vor.u32 v4, v5  }
0x1c7: {  	v5 =	vperm.xlane v4, v1;
	_ =	sdelay $0x1  }
0x1c8: {  	v5 =	vadd.s32 v2, v5;
	_ =	sdelay $0x3  }
0x1c9: {  	v4 =	vperm.xlane v4, v3  }
0x1ca: {  	[tilespmem:s2], [sflag:$0x1] =	stream.indirect_vreg.gather [hbm4b:s28+s22], $0x80, v5, vm0, $0xb8;
	[tilespmem:$0x1AA00] =	vst v63  }
0x1cb: {  	s6 =	simm.s32 $0x5E00;
	v4 =	vadd.s32 v2, v4  }
0x1cc: {  	[tilespmem:s6], [sflag:$0x1] =	stream.indirect_vreg.gather [hbm4b:s21+s22], $0x80, v5, vm0, $0xb8;
	[tilespmem:$0x1AA00] =	vst v63  }
0x1cd: {  	s6 =	simm.s32 $0x6600  }
0x1ce: {  	[tilespmem:s6], [sflag:$0x1] =	stream.indirect_vreg.gather [hbm4b:s23+s22], $0x80, v5, vm0, $0xb8;
	[tilespmem:$0x1AA00] =	vst v63  }
0x1cf: {  	s10 =	simm.s32 $0x6E00  }
0x1d0: {  	[tilespmem:s10], [sflag:$0x1] =	stream.indirect_vreg.gather [hbm4b:s28+s22], $0x80, v4, vm0, $0xb8;
	[tilespmem:$0x1AA00] =	vst v63  }
0x1d1: {  	s15 =	simm.s32 $0x7600  }
0x1d2: {  	[tilespmem:s15], [sflag:$0x1] =	stream.indirect_vreg.gather [hbm4b:s21+s22], $0x80, v4, vm0, $0xb8;
	[tilespmem:$0x1AA00] =	vst v63  }
0x1d3: {  	s19 =	simm.s32 $0x7E00  }
0x1d4: {  	[tilespmem:s19], [sflag:$0x1] =	stream.indirect_vreg.gather [hbm4b:s23+s22], $0x80, v4, vm0, $0xb8;
	[tilespmem:$0x1AA00] =	vst v63  }
0x1d5: {  	v4 =	vld [tilespmem:$0x5410];
	_ =	sdelay $0x4  }
0x1d6: {  	v5 =	vshrl.u32 v4, $0x3  }
0x1d7: {  	v5 =	vmul.u32 $0x30, v5  }
0x1d8: {  	v4 =	vand.u32 $0x7, v4  }
0x1d9: {  	v4 =	vor.u32 v4, v5  }
0x1da: {  	v5 =	vperm.xlane v4, v1;
	_ =	sdelay $0x1  }
0x1db: {  	v5 =	vadd.s32 v2, v5;
	_ =	sdelay $0x3  }
0x1dc: {  	s30 =	simm.s32 $0x8600;
	v4 =	vperm.xlane v4, v3  }
0x1dd: {  	[tilespmem:s30], [sflag:$0x1] =	stream.indirect_vreg.gather [hbm4b:s28+s22], $0x80, v5, vm0, $0xb8;
	[tilespmem:$0x1AA00] =	vst v63  }
0x1de: {  	s20 =	simm.s32 $0x8E00;
	v4 =	vadd.s32 v2, v4  }
0x1df: {  	[tilespmem:s20], [sflag:$0x1] =	stream.indirect_vreg.gather [hbm4b:s21+s22], $0x80, v5, vm0, $0xb8;
	[tilespmem:$0x1AA00] =	vst v63  }
0x1e0: {  	s5 =	simm.s32 $0x9600  }
0x1e1: {  	[tilespmem:s5], [sflag:$0x1] =	stream.indirect_vreg.gather [hbm4b:s23+s22], $0x80, v5, vm0, $0xb8;
	[tilespmem:$0x1AA00] =	vst v63  }
0x1e2: {  	s9 =	simm.s32 $0x9E00  }
0x1e3: {  	[tilespmem:s9], [sflag:$0x1] =	stream.indirect_vreg.gather [hbm4b:s28+s22], $0x80, v4, vm0, $0xb8;
	[tilespmem:$0x1AA00] =	vst v63  }
0x1e4: {  	s8 =	simm.s32 $0xA600  }
0x1e5: {  	[tilespmem:s8], [sflag:$0x1] =	stream.indirect_vreg.gather [hbm4b:s21+s22], $0x80, v4, vm0, $0xb8;
	[tilespmem:$0x1AA00] =	vst v63  }
0x1e6: {  	s26 =	simm.s32 $0xAE00  }
0x1e7: {  	[tilespmem:s26], [sflag:$0x1] =	stream.indirect_vreg.gather [hbm4b:s23+s22], $0x80, v4, vm0, $0xb8;
	[tilespmem:$0x1AA00] =	vst v63  }
0x1e8: {  	v4 =	vld.msk [tilespmem:$0x5420], $0xff;
	_ =	sdelay $0x4  }
0x1e9: {  	v5 =	vshrl.u32 v4, $0x3  }
0x1ea: {  	v5 =	vmul.u32 $0x30, v5  }
0x1eb: {  	v4 =	vand.u32 $0x7, v4  }
0x1ec: {  	v4 =	vor.u32 v4, v5  }
0x1ed: {  	v4 =	vperm.xlane v4, v1;
	_ =	sdelay $0x1  }
0x1ee: {  	v4 =	vadd.s32 v2, v4;
	_ =	sdelay $0x3  }
0x1ef: {  	s14 =	simm.s32 $0xB600  }
0x1f0: {  	[tilespmem:s14], [sflag:$0x1] =	stream.indirect_vreg.gather [hbm4b:s28+s22], $0x80, v4, vm0, $0xb8;
	[tilespmem:$0x1AA00] =	vst v63  }
0x1f1: {  	s16 =	simm.s32 $0xBE00  }
0x1f2: {  	[tilespmem:s16], [sflag:$0x1] =	stream.indirect_vreg.gather [hbm4b:s21+s22], $0x80, v4, vm0, $0xb8;
	[tilespmem:$0x1AA00] =	vst v63  }
0x1f3: {  	s18 =	simm.s32 $0xC600  }
0x1f4: {  	[tilespmem:s18], [sflag:$0x1] =	stream.indirect_vreg.gather [hbm4b:s23+s22], $0x80, v4, vm0, $0xb8;
	[tilespmem:$0x1AA00] =	vst v63  }
0x1f5: {  	v4 =	vld [tilespmem:$0x5428];
	_ =	sdelay $0x4  }
0x1f6: {  	v5 =	vshrl.u32 v4, $0x3  }
0x1f7: {  	v5 =	vmul.u32 $0x30, v5  }
0x1f8: {  	v4 =	vand.u32 $0x7, v4  }
0x1f9: {  	v4 =	vor.u32 v4, v5  }
0x1fa: {  	v5 =	vperm.xlane v4, v1;
	_ =	sdelay $0x1  }
0x1fb: {  	v5 =	vadd.s32 v2, v5;
	_ =	sdelay $0x3  }
0x1fc: {  	s17 =	simm.s32 $0xCE00;
	v4 =	vperm.xlane v4, v3  }
0x1fd: {  	[tilespmem:s17], [sflag:$0x2] =	stream.indirect_vreg.gather [hbm4b:s28+s22], $0x80, v5, vm0, $0xb8;
	[tilespmem:$0x1AA00] =	vst v63  }
0x1fe: {  	v4 =	vadd.s32 v2, v4;
	s17 =	simm.s32 $0xD600  }
0x1ff: {  	[tilespmem:s17], [sflag:$0x2] =	stream.indirect_vreg.gather [hbm4b:s21+s22], $0x80, v5, vm0, $0xb8;
	[tilespmem:$0x1AA00] =	vst v63  }
0x200: {  	s4 =	simm.s32 $0xDE00  }
0x201: {  	[tilespmem:s4], [sflag:$0x2] =	stream.indirect_vreg.gather [hbm4b:s23+s22], $0x80, v5, vm0, $0xb8;
	[tilespmem:$0x1AA00] =	vst v63  }
0x202: {  	s17 =	simm.s32 $0xE600  }
0x203: {  	[tilespmem:s17], [sflag:$0x2] =	stream.indirect_vreg.gather [hbm4b:s28+s22], $0x80, v4, vm0, $0xb8;
	[tilespmem:$0x1AA00] =	vst v63  }
0x204: {  	s1 =	simm.s32 $0xEE00  }
0x205: {  	[tilespmem:s1], [sflag:$0x2] =	stream.indirect_vreg.gather [hbm4b:s21+s22], $0x80, v4, vm0, $0xb8;
	[tilespmem:$0x1AA00] =	vst v63  }
0x206: {  	s1 =	simm.s32 $0xF600  }
0x207: {  	[tilespmem:s1], [sflag:$0x2] =	stream.indirect_vreg.gather [hbm4b:s23+s22], $0x80, v4, vm0, $0xb8;
	[tilespmem:$0x1AA00] =	vst v63  }
0x208: {  	v4 =	vld [tilespmem:$0x5438];
	_ =	sdelay $0x4  }
0x209: {  	v5 =	vshrl.u32 v4, $0x3  }
0x20a: {  	v5 =	vmul.u32 $0x30, v5  }
0x20b: {  	v4 =	vand.u32 $0x7, v4  }
0x20c: {  	v4 =	vor.u32 v4, v5  }
0x20d: {  	v5 =	vperm.xlane v4, v1;
	_ =	sdelay $0x1  }
0x20e: {  	v5 =	vadd.s32 v2, v5;
	_ =	sdelay $0x3  }
0x20f: {  	s1 =	simm.s32 $0xFE00;
	v4 =	vperm.xlane v4, v3  }
0x210: {  	[tilespmem:s1], [sflag:$0x2] =	stream.indirect_vreg.gather [hbm4b:s28+s22], $0x80, v5, vm0, $0xb8;
	[tilespmem:$0x1AA00] =	vst v63  }
0x211: {  	v4 =	vadd.s32 v2, v4;
	s1 =	simm.s32 $0x10600  }
0x212: {  	[tilespmem:s1], [sflag:$0x2] =	stream.indirect_vreg.gather [hbm4b:s21+s22], $0x80, v5, vm0, $0xb8;
	[tilespmem:$0x1AA00] =	vst v63  }
0x213: {  	s1 =	simm.s32 $0x10E00  }
0x214: {  	[tilespmem:s1], [sflag:$0x2] =	stream.indirect_vreg.gather [hbm4b:s23+s22], $0x80, v5, vm0, $0xb8;
	[tilespmem:$0x1AA00] =	vst v63  }
0x215: {  	s1 =	simm.s32 $0x11600  }
0x216: {  	[tilespmem:s1], [sflag:$0x2] =	stream.indirect_vreg.gather [hbm4b:s28+s22], $0x80, v4, vm0, $0xb8;
	[tilespmem:$0x1AA00] =	vst v63  }
0x217: {  	s1 =	simm.s32 $0x11E00  }
0x218: {  	[tilespmem:s1], [sflag:$0x2] =	stream.indirect_vreg.gather [hbm4b:s21+s22], $0x80, v4, vm0, $0xb8;
	[tilespmem:$0x1AA00] =	vst v63  }
0x219: {  	s1 =	simm.s32 $0x12600  }
0x21a: {  	[tilespmem:s1], [sflag:$0x2] =	stream.indirect_vreg.gather [hbm4b:s23+s22], $0x80, v4, vm0, $0xb8;
	[tilespmem:$0x1AA00] =	vst v63  }
0x21b: {  	v4 =	vld.msk [tilespmem:$0x5448], $0xff;
	_ =	sdelay $0x4  }
0x21c: {  	v5 =	vshrl.u32 v4, $0x3  }
0x21d: {  	v5 =	vmul.u32 $0x30, v5  }
0x21e: {  	v4 =	vand.u32 $0x7, v4  }
0x21f: {  	v4 =	vor.u32 v4, v5  }
0x220: {  	v4 =	vperm.xlane v4, v1;
	_ =	sdelay $0x1  }
0x221: {  	v4 =	vadd.s32 v2, v4;
	_ =	sdelay $0x3  }
0x222: {  	s1 =	simm.s32 $0x12E00  }
0x223: {  	[tilespmem:s1], [sflag:$0x2] =	stream.indirect_vreg.gather [hbm4b:s28+s22], $0x80, v4, vm0, $0xb8;
	[tilespmem:$0x1AA00] =	vst v63  }
0x224: {  	s1 =	simm.s32 $0x13600  }
0x225: {  	[tilespmem:s1], [sflag:$0x2] =	stream.indirect_vreg.gather [hbm4b:s21+s22], $0x80, v4, vm0, $0xb8;
	[tilespmem:$0x1AA00] =	vst v63  }
0x226: {  	s1 =	simm.s32 $0x13E00  }
0x227: {  	[tilespmem:s1], [sflag:$0x2] =	stream.indirect_vreg.gather [hbm4b:s23+s22], $0x80, v4, vm0, $0xb8;
	[tilespmem:$0x1AA00] =	vst v63  }
0x228: {  	_ =	swait.ge [sflag:s24], $0x7800  }
0x229: {  	[sflag:s24] =	ssyncset.done $0x0  }
0x22a: {  	s1 =	rddreg [dreg:$0x8];
	[sflag:s24] =	ssyncadd.s32 $0xFFFF8800  }
0x22b: {  	[hbm4b:s1+s22] =	stream.linear.scatter [tilespmem:s2], [sflag:$0x4], $0x7800, $0x38;
	[tilespmem:$0x1AA00] =	vst v63  }
0x22c: {  	_ =	swait.ge [sflag:s7], $0x7800  }
0x22d: {  	[sflag:s7] =	ssyncset.done $0x0  }
0x22e: {  	[sflag:s7] =	ssyncadd.s32 $0xFFFF8800  }
0x22f: {  	v4 =	vld [tilespmem:$0x5450];
	_ =	sdelay $0x4  }
0x230: {  	v5 =	vshrl.u32 v4, $0x3  }
0x231: {  	v5 =	vmul.u32 $0x30, v5  }
0x232: {  	v4 =	vand.u32 $0x7, v4  }
0x233: {  	v4 =	vor.u32 v4, v5  }
0x234: {  	v5 =	vperm.xlane v4, v1;
	_ =	sdelay $0x1  }
0x235: {  	v5 =	vadd.s32 v2, v5;
	_ =	sdelay $0x3  }
0x236: {  	v4 =	vperm.xlane v4, v3  }
0x237: {  	[tilespmem:s2], [sflag:$0x1] =	stream.indirect_vreg.gather [hbm4b:s28+s22], $0x80, v5, vm0, $0xb8;
	[tilespmem:$0x1AA00] =	vst v63  }
0x238: {  	s29 =	simm.s32 $0x5E00;
	v4 =	vadd.s32 v2, v4  }
0x239: {  	[tilespmem:s29], [sflag:$0x1] =	stream.indirect_vreg.gather [hbm4b:s21+s22], $0x80, v5, vm0, $0xb8;
	[tilespmem:$0x1AA00] =	vst v63  }
0x23a: {  	_ = 	snop  }
0x23b: {  	[tilespmem:s6], [sflag:$0x1] =	stream.indirect_vreg.gather [hbm4b:s23+s22], $0x80, v5, vm0, $0xb8;
	[tilespmem:$0x1AA00] =	vst v63  }
0x23c: {  	_ = 	snop  }
0x23d: {  	[tilespmem:s10], [sflag:$0x1] =	stream.indirect_vreg.gather [hbm4b:s28+s22], $0x80, v4, vm0, $0xb8;
	[tilespmem:$0x1AA00] =	vst v63  }
0x23e: {  	_ = 	snop  }
0x23f: {  	[tilespmem:s15], [sflag:$0x1] =	stream.indirect_vreg.gather [hbm4b:s21+s22], $0x80, v4, vm0, $0xb8;
	[tilespmem:$0x1AA00] =	vst v63  }
0x240: {  	_ = 	snop  }
0x241: {  	[tilespmem:s19], [sflag:$0x1] =	stream.indirect_vreg.gather [hbm4b:s23+s22], $0x80, v4, vm0, $0xb8;
	[tilespmem:$0x1AA00] =	vst v63  }
0x242: {  	v4 =	vld [tilespmem:$0x5460];
	_ =	sdelay $0x4  }
0x243: {  	v5 =	vshrl.u32 v4, $0x3  }
0x244: {  	v5 =	vmul.u32 $0x30, v5  }
0x245: {  	v4 =	vand.u32 $0x7, v4  }
0x246: {  	v4 =	vor.u32 v4, v5  }
0x247: {  	v5 =	vperm.xlane v4, v1;
	_ =	sdelay $0x1  }
0x248: {  	v5 =	vadd.s32 v2, v5;
	_ =	sdelay $0x3  }
0x249: {  	v4 =	vperm.xlane v4, v3  }
0x24a: {  	[tilespmem:s30], [sflag:$0x1] =	stream.indirect_vreg.gather [hbm4b:s28+s22], $0x80, v5, vm0, $0xb8;
	[tilespmem:$0x1AA00] =	vst v63  }
0x24b: {  	v4 =	vadd.s32 v2, v4  }
0x24c: {  	[tilespmem:s20], [sflag:$0x1] =	stream.indirect_vreg.gather [hbm4b:s21+s22], $0x80, v5, vm0, $0xb8;
	[tilespmem:$0x1AA00] =	vst v63  }
0x24d: {  	_ = 	snop  }
0x24e: {  	[tilespmem:s5], [sflag:$0x1] =	stream.indirect_vreg.gather [hbm4b:s23+s22], $0x80, v5, vm0, $0xb8;
	[tilespmem:$0x1AA00] =	vst v63  }
0x24f: {  	_ = 	snop  }
0x250: {  	[tilespmem:s9], [sflag:$0x1] =	stream.indirect_vreg.gather [hbm4b:s28+s22], $0x80, v4, vm0, $0xb8;
	[tilespmem:$0x1AA00] =	vst v63  }
0x251: {  	_ = 	snop  }
0x252: {  	[tilespmem:s8], [sflag:$0x1] =	stream.indirect_vreg.gather [hbm4b:s21+s22], $0x80, v4, vm0, $0xb8;
	[tilespmem:$0x1AA00] =	vst v63  }
0x253: {  	_ = 	snop  }
0x254: {  	[tilespmem:s26], [sflag:$0x1] =	stream.indirect_vreg.gather [hbm4b:s23+s22], $0x80, v4, vm0, $0xb8;
	[tilespmem:$0x1AA00] =	vst v63  }
0x255: {  	v4 =	vld.msk [tilespmem:$0x5470], $0xff;
	_ =	sdelay $0x4  }
0x256: {  	v5 =	vshrl.u32 v4, $0x3  }
0x257: {  	v5 =	vmul.u32 $0x30, v5  }
0x258: {  	v4 =	vand.u32 $0x7, v4  }
0x259: {  	v4 =	vor.u32 v4, v5  }
0x25a: {  	v4 =	vperm.xlane v4, v1;
	_ =	sdelay $0x1  }
0x25b: {  	v4 =	vadd.s32 v2, v4;
	_ =	sdelay $0x4  }
0x25c: {  	[tilespmem:s14], [sflag:$0x1] =	stream.indirect_vreg.gather [hbm4b:s28+s22], $0x80, v4, vm0, $0xb8;
	[tilespmem:$0x1AA00] =	vst v63  }
0x25d: {  	_ = 	snop  }
0x25e: {  	[tilespmem:s16], [sflag:$0x1] =	stream.indirect_vreg.gather [hbm4b:s21+s22], $0x80, v4, vm0, $0xb8;
	[tilespmem:$0x1AA00] =	vst v63  }
0x25f: {  	_ = 	snop  }
0x260: {  	[tilespmem:s18], [sflag:$0x1] =	stream.indirect_vreg.gather [hbm4b:s23+s22], $0x80, v4, vm0, $0xb8;
	[tilespmem:$0x1AA00] =	vst v63  }
0x261: {  	_ =	swait.ge [sflag:s31], $0x7800  }
0x262: {  	[sflag:s31] =	ssyncset.done $0x0  }
0x263: {  	s20 =	simm.s32 $0xCE00;
	s19 =	rddreg [dreg:$0x9];
	[sflag:s31] =	ssyncadd.s32 $0xFFFF8800  }
0x264: {  	[hbm4b:s19+s22] =	stream.linear.scatter [tilespmem:s20], [sflag:$0x4], $0x7800, $0x38;
	[tilespmem:$0x1AA00] =	vst v63  }
0x265: {  	_ =	swait.ge [sflag:s7], $0x7800  }
0x266: {  	[sflag:s7] =	ssyncset.done $0x0  }
0x267: {  	[sflag:s7] =	ssyncadd.s32 $0xFFFF8800  }
0x268: {  	v4 =	vld [tilespmem:$0x5478];
	_ =	sdelay $0x4  }
0x269: {  	v5 =	vshrl.u32 v4, $0x3  }
0x26a: {  	v5 =	vmul.u32 $0x30, v5  }
0x26b: {  	v4 =	vand.u32 $0x7, v4  }
0x26c: {  	v4 =	vor.u32 v4, v5  }
0x26d: {  	v5 =	vperm.xlane v4, v1;
	_ =	sdelay $0x1  }
0x26e: {  	v5 =	vadd.s32 v2, v5;
	_ =	sdelay $0x3  }
0x26f: {  	v4 =	vperm.xlane v4, v3  }
0x270: {  	[tilespmem:s20], [sflag:$0x2] =	stream.indirect_vreg.gather [hbm4b:s28+s22], $0x80, v5, vm0, $0xb8;
	[tilespmem:$0x1AA00] =	vst v63  }
0x271: {  	s26 =	simm.s32 $0xD600;
	v4 =	vadd.s32 v2, v4  }
0x272: {  	[tilespmem:s26], [sflag:$0x2] =	stream.indirect_vreg.gather [hbm4b:s21+s22], $0x80, v5, vm0, $0xb8;
	[tilespmem:$0x1AA00] =	vst v63  }
0x273: {  	_ = 	snop  }
0x274: {  	[tilespmem:s4], [sflag:$0x2] =	stream.indirect_vreg.gather [hbm4b:s23+s22], $0x80, v5, vm0, $0xb8;
	[tilespmem:$0x1AA00] =	vst v63  }
0x275: {  	_ = 	snop  }
0x276: {  	[tilespmem:s17], [sflag:$0x2] =	stream.indirect_vreg.gather [hbm4b:s28+s22], $0x80, v4, vm0, $0xb8;
	[tilespmem:$0x1AA00] =	vst v63  }
0x277: {  	s6 =	simm.s32 $0xEE00  }
0x278: {  	[tilespmem:s6], [sflag:$0x2] =	stream.indirect_vreg.gather [hbm4b:s21+s22], $0x80, v4, vm0, $0xb8;
	[tilespmem:$0x1AA00] =	vst v63  }
0x279: {  	s8 =	simm.s32 $0xF600  }
0x27a: {  	[tilespmem:s8], [sflag:$0x2] =	stream.indirect_vreg.gather [hbm4b:s23+s22], $0x80, v4, vm0, $0xb8;
	[tilespmem:$0x1AA00] =	vst v63  }
0x27b: {  	v4 =	vld [tilespmem:$0x5488];
	_ =	sdelay $0x4  }
0x27c: {  	v5 =	vshrl.u32 v4, $0x3  }
0x27d: {  	v5 =	vmul.u32 $0x30, v5  }
0x27e: {  	v4 =	vand.u32 $0x7, v4  }
0x27f: {  	v4 =	vor.u32 v4, v5  }
0x280: {  	v5 =	vperm.xlane v4, v1;
	_ =	sdelay $0x1  }
0x281: {  	v5 =	vadd.s32 v2, v5;
	_ =	sdelay $0x3  }
0x282: {  	s9 =	simm.s32 $0xFE00;
	v4 =	vperm.xlane v4, v3  }
0x283: {  	[tilespmem:s9], [sflag:$0x2] =	stream.indirect_vreg.gather [hbm4b:s28+s22], $0x80, v5, vm0, $0xb8;
	[tilespmem:$0x1AA00] =	vst v63  }
0x284: {  	s10 =	simm.s32 $0x10600;
	v4 =	vadd.s32 v2, v4  }
0x285: {  	[tilespmem:s10], [sflag:$0x2] =	stream.indirect_vreg.gather [hbm4b:s21+s22], $0x80, v5, vm0, $0xb8;
	[tilespmem:$0x1AA00] =	vst v63  }
0x286: {  	s14 =	simm.s32 $0x10E00  }
0x287: {  	[tilespmem:s14], [sflag:$0x2] =	stream.indirect_vreg.gather [hbm4b:s23+s22], $0x80, v5, vm0, $0xb8;
	[tilespmem:$0x1AA00] =	vst v63  }
0x288: {  	s15 =	simm.s32 $0x11600  }
0x289: {  	[tilespmem:s15], [sflag:$0x2] =	stream.indirect_vreg.gather [hbm4b:s28+s22], $0x80, v4, vm0, $0xb8;
	[tilespmem:$0x1AA00] =	vst v63  }
0x28a: {  	s16 =	simm.s32 $0x11E00  }
0x28b: {  	[tilespmem:s16], [sflag:$0x2] =	stream.indirect_vreg.gather [hbm4b:s21+s22], $0x80, v4, vm0, $0xb8;
	[tilespmem:$0x1AA00] =	vst v63  }
0x28c: {  	s17 =	simm.s32 $0x12600  }
0x28d: {  	[tilespmem:s17], [sflag:$0x2] =	stream.indirect_vreg.gather [hbm4b:s23+s22], $0x80, v4, vm0, $0xb8;
	[tilespmem:$0x1AA00] =	vst v63  }
0x28e: {  	v4 =	vld.msk [tilespmem:$0x5498], $0xff;
	_ =	sdelay $0x4  }
0x28f: {  	v5 =	vshrl.u32 v4, $0x3  }
0x290: {  	v5 =	vmul.u32 $0x30, v5  }
0x291: {  	v4 =	vand.u32 $0x7, v4  }
0x292: {  	v4 =	vor.u32 v4, v5  }
0x293: {  	v4 =	vperm.xlane v4, v1;
	_ =	sdelay $0x1  }
0x294: {  	v4 =	vadd.s32 v2, v4;
	_ =	sdelay $0x3  }
0x295: {  	s18 =	simm.s32 $0x12E00  }
0x296: {  	[tilespmem:s18], [sflag:$0x2] =	stream.indirect_vreg.gather [hbm4b:s28+s22], $0x80, v4, vm0, $0xb8;
	[tilespmem:$0x1AA00] =	vst v63  }
0x297: {  	s19 =	simm.s32 $0x13600  }
0x298: {  	[tilespmem:s19], [sflag:$0x2] =	stream.indirect_vreg.gather [hbm4b:s21+s22], $0x80, v4, vm0, $0xb8;
	[tilespmem:$0x1AA00] =	vst v63  }
0x299: {  	s20 =	simm.s32 $0x13E00  }
0x29a: {  	[tilespmem:s20], [sflag:$0x2] =	stream.indirect_vreg.gather [hbm4b:s23+s22], $0x80, v4, vm0, $0xb8;
	[tilespmem:$0x1AA00] =	vst v63  }
0x29b: {  	_ =	swait.ge [sflag:s24], $0x7800  }
0x29c: {  	[sflag:s24] =	ssyncset.done $0x0  }
0x29d: {  	s26 =	rddreg [dreg:$0x19];
	[sflag:s24] =	ssyncadd.s32 $0xFFFF8800  }
0x29e: {  	[hbm4b:s26+s22] =	stream.linear.scatter [tilespmem:s2], [sflag:$0x4], $0x7800, $0x38;
	[tilespmem:$0x1AA00] =	vst v63  }
0x29f: {  	_ =	swait.ge [sflag:s7], $0x7800  }
0x2a0: {  	[sflag:s7] =	ssyncset.done $0x0  }
0x2a1: {  	[sflag:s7] =	ssyncadd.s32 $0xFFFF8800  }
0x2a2: {  	v4 =	vld [tilespmem:$0x54A0];
	_ =	sdelay $0x4  }
0x2a3: {  	v5 =	vshrl.u32 v4, $0x3  }
0x2a4: {  	v5 =	vmul.u32 $0x30, v5  }
0x2a5: {  	v4 =	vand.u32 $0x7, v4  }
0x2a6: {  	v4 =	vor.u32 v4, v5  }
0x2a7: {  	v5 =	vperm.xlane v4, v1;
	_ =	sdelay $0x1  }
0x2a8: {  	v5 =	vadd.s32 v2, v5;
	_ =	sdelay $0x3  }
0x2a9: {  	v4 =	vperm.xlane v4, v3  }
0x2aa: {  	[tilespmem:s2], [sflag:$0x1] =	stream.indirect_vreg.gather [hbm4b:s28+s22], $0x80, v5, vm0, $0xb8;
	[tilespmem:$0x1AA00] =	vst v63  }
0x2ab: {  	s29 =	simm.s32 $0x5E00;
	v4 =	vadd.s32 v2, v4  }
0x2ac: {  	[tilespmem:s29], [sflag:$0x1] =	stream.indirect_vreg.gather [hbm4b:s21+s22], $0x80, v5, vm0, $0xb8;
	[tilespmem:$0x1AA00] =	vst v63  }
0x2ad: {  	s6 =	simm.s32 $0x6600  }
0x2ae: {  	[tilespmem:s6], [sflag:$0x1] =	stream.indirect_vreg.gather [hbm4b:s23+s22], $0x80, v5, vm0, $0xb8;
	[tilespmem:$0x1AA00] =	vst v63  }
0x2af: {  	s10 =	simm.s32 $0x6E00  }
0x2b0: {  	[tilespmem:s10], [sflag:$0x1] =	stream.indirect_vreg.gather [hbm4b:s28+s22], $0x80, v4, vm0, $0xb8;
	[tilespmem:$0x1AA00] =	vst v63  }
0x2b1: {  	s14 =	simm.s32 $0x7600  }
0x2b2: {  	[tilespmem:s14], [sflag:$0x1] =	stream.indirect_vreg.gather [hbm4b:s21+s22], $0x80, v4, vm0, $0xb8;
	[tilespmem:$0x1AA00] =	vst v63  }
0x2b3: {  	s15 =	simm.s32 $0x7E00  }
0x2b4: {  	[tilespmem:s15], [sflag:$0x1] =	stream.indirect_vreg.gather [hbm4b:s23+s22], $0x80, v4, vm0, $0xb8;
	[tilespmem:$0x1AA00] =	vst v63  }
0x2b5: {  	v4 =	vld [tilespmem:$0x54B0];
	_ =	sdelay $0x4  }
0x2b6: {  	v5 =	vshrl.u32 v4, $0x3  }
0x2b7: {  	v5 =	vmul.u32 $0x30, v5  }
0x2b8: {  	v4 =	vand.u32 $0x7, v4  }
0x2b9: {  	v4 =	vor.u32 v4, v5  }
0x2ba: {  	v5 =	vperm.xlane v4, v1;
	_ =	sdelay $0x1  }
0x2bb: {  	v5 =	vadd.s32 v2, v5;
	_ =	sdelay $0x3  }
0x2bc: {  	s30 =	simm.s32 $0x8600;
	v4 =	vperm.xlane v4, v3  }
0x2bd: {  	[tilespmem:s30], [sflag:$0x1] =	stream.indirect_vreg.gather [hbm4b:s28+s22], $0x80, v5, vm0, $0xb8;
	[tilespmem:$0x1AA00] =	vst v63  }
0x2be: {  	s20 =	simm.s32 $0x8E00;
	v4 =	vadd.s32 v2, v4  }
0x2bf: {  	[tilespmem:s20], [sflag:$0x1] =	stream.indirect_vreg.gather [hbm4b:s21+s22], $0x80, v5, vm0, $0xb8;
	[tilespmem:$0x1AA00] =	vst v63  }
0x2c0: {  	s19 =	simm.s32 $0x9600  }
0x2c1: {  	[tilespmem:s19], [sflag:$0x1] =	stream.indirect_vreg.gather [hbm4b:s23+s22], $0x80, v5, vm0, $0xb8;
	[tilespmem:$0x1AA00] =	vst v63  }
0x2c2: {  	s9 =	simm.s32 $0x9E00  }
0x2c3: {  	[tilespmem:s9], [sflag:$0x1] =	stream.indirect_vreg.gather [hbm4b:s28+s22], $0x80, v4, vm0, $0xb8;
	[tilespmem:$0x1AA00] =	vst v63  }
0x2c4: {  	s8 =	simm.s32 $0xA600  }
0x2c5: {  	[tilespmem:s8], [sflag:$0x1] =	stream.indirect_vreg.gather [hbm4b:s21+s22], $0x80, v4, vm0, $0xb8;
	[tilespmem:$0x1AA00] =	vst v63  }
0x2c6: {  	s17 =	simm.s32 $0xAE00  }
0x2c7: {  	[tilespmem:s17], [sflag:$0x1] =	stream.indirect_vreg.gather [hbm4b:s23+s22], $0x80, v4, vm0, $0xb8;
	[tilespmem:$0x1AA00] =	vst v63  }
0x2c8: {  	v4 =	vld.msk [tilespmem:$0x54C0], $0xff;
	_ =	sdelay $0x4  }
0x2c9: {  	v5 =	vshrl.u32 v4, $0x3  }
0x2ca: {  	v5 =	vmul.u32 $0x30, v5  }
0x2cb: {  	v4 =	vand.u32 $0x7, v4  }
0x2cc: {  	v4 =	vor.u32 v4, v5  }
0x2cd: {  	v4 =	vperm.xlane v4, v1;
	_ =	sdelay $0x1  }
0x2ce: {  	v4 =	vadd.s32 v2, v4;
	_ =	sdelay $0x3  }
0x2cf: {  	s26 =	simm.s32 $0xB600  }
0x2d0: {  	[tilespmem:s26], [sflag:$0x1] =	stream.indirect_vreg.gather [hbm4b:s28+s22], $0x80, v4, vm0, $0xb8;
	[tilespmem:$0x1AA00] =	vst v63  }
0x2d1: {  	s16 =	simm.s32 $0xBE00  }
0x2d2: {  	[tilespmem:s16], [sflag:$0x1] =	stream.indirect_vreg.gather [hbm4b:s21+s22], $0x80, v4, vm0, $0xb8;
	[tilespmem:$0x1AA00] =	vst v63  }
0x2d3: {  	s18 =	simm.s32 $0xC600  }
0x2d4: {  	[tilespmem:s18], [sflag:$0x1] =	stream.indirect_vreg.gather [hbm4b:s23+s22], $0x80, v4, vm0, $0xb8;
	[tilespmem:$0x1AA00] =	vst v63  }
0x2d5: {  	_ =	swait.ge [sflag:s31], $0x7800  }
0x2d6: {  	[sflag:s31] =	ssyncset.done $0x0  }
0x2d7: {  	s5 =	simm.s32 $0xCE00;
	s29 =	rddreg [dreg:$0xa];
	[sflag:s31] =	ssyncadd.s32 $0xFFFF8800  }
0x2d8: {  	[hbm4b:s29+s22] =	stream.linear.scatter [tilespmem:s5], [sflag:$0x4], $0x7800, $0x38;
	[tilespmem:$0x1AA00] =	vst v63  }
0x2d9: {  	_ =	swait.ge [sflag:s7], $0x7800  }
0x2da: {  	[sflag:s7] =	ssyncset.done $0x0  }
0x2db: {  	[sflag:s7] =	ssyncadd.s32 $0xFFFF8800  }
0x2dc: {  	_ =	swait.ge [sflag:s24], $0x7800  }
0x2dd: {  	[sflag:s24] =	ssyncset.done $0x0  }
0x2de: {  	s4 =	rddreg [dreg:$0x1a];
	[sflag:s24] =	ssyncadd.s32 $0xFFFF8800  }
0x2df: {  	[hbm4b:s4+s22] =	stream.linear.scatter [tilespmem:s2], [sflag:$0x4], $0x7800, $0x38;
	[tilespmem:$0x1AA00] =	vst v63  }
0x2e0: {  	_ =	swait.ge [sflag:s7], $0x7800  }
0x2e1: {  	[sflag:s7] =	ssyncset.done $0x0  }
0x2e2: {  	s5 =	simm.s32 $0x3;
	[sflag:s7] =	ssyncadd.s32 $0xFFFF8800  }
0x2e3: {  	_ =	swait.ge [sflag:s5], $0x6400  }
0x2e4: {  	s29 =	sld [smem:$0x7F5]  }
0x2e5: {  	[sflag:s5] =	ssyncset.done $0x0  }
0x2e6: {  	s4 =	simm.s32 $0x14600;
	[sflag:s5] =	ssyncadd.s32 $0xFFFF9C00  }
0x2e7: {  	[hbm4b:s29+s22] =	stream.linear.scatter [tilespmem:s4], [sflag:$0x4], $0x6400, $0x38;
	[tilespmem:$0x1AA00] =	vst v63  }
0x2e8: {  	_ =	swait.ge [sflag:s7], $0x6400  }
0x2e9: {  	[sflag:s7] =	ssyncset.done $0x0  }
0x2ea: {  	s29 =	simm.s32 $0x5400;
	s5 =	rddreg [dreg:$0xb];
	[sflag:s7] =	ssyncadd.s32 $0xFFFF9C00  }
0x2eb: {  	[tilespmem:s29], [sflag:$0x4] =	stream.linear.gather [hbm4b:s5+s22], $0xC8, $0x38;
	[tilespmem:$0x1AA00] =	vst v63  }
0x2ec: {  	_ =	swait.ge [sflag:s7], $0xC8  }
0x2ed: {  	[sflag:s7] =	ssyncset.done $0x0  }
0x2ee: {  	s29 =	simm.s32 $0x5500;
	s5 =	rddreg [dreg:$0xc];
	[sflag:s7] =	ssyncadd.s32 $0xFFFFFF38  }
0x2ef: {  	[tilespmem:s29], [sflag:$0x4] =	stream.linear.gather [hbm4b:s5+s22], $0xC8, $0x38;
	[tilespmem:$0x1AA00] =	vst v63  }
0x2f0: {  	_ =	swait.ge [sflag:s7], $0xC8  }
0x2f1: {  	s5 =	sld [smem:$0x7F7]  }
0x2f2: {  	[sflag:s7] =	ssyncset.done $0x0  }
0x2f3: {  	s1 =	simm.s32 $0xC8;
	[sflag:s7] =	ssyncadd.s32 $0xFFFFFF38  }
0x2f4: {  	[tilespmem:s4], [sflag:$0x3] =	stream.indirect.gather [hbm4b:s5+s1], $0x80, s29, s1, $0xb8;
	[tilespmem:$0x1AA00] =	vst v63  }
0x2f5: {  	v4 =	vld [tilespmem:$0x5400];
	_ =	sdelay $0x4  }
0x2f6: {  	v5 =	vshrl.u32 v4, $0x3  }
0x2f7: {  	v5 =	vmul.u32 $0x30, v5  }
0x2f8: {  	v4 =	vand.u32 $0x7, v4  }
0x2f9: {  	v4 =	vor.u32 v4, v5  }
0x2fa: {  	v5 =	vperm.xlane v4, v1;
	_ =	sdelay $0x1  }
0x2fb: {  	v5 =	vadd.s32 v2, v5;
	_ =	sdelay $0x3  }
0x2fc: {  	v4 =	vperm.xlane v4, v3  }
0x2fd: {  	[tilespmem:s2], [sflag:$0x1] =	stream.indirect_vreg.gather [hbm4b:s28+s22], $0x80, v5, vm0, $0xb8;
	[tilespmem:$0x1AA00] =	vst v63  }
0x2fe: {  	s4 =	simm.s32 $0x5E00;
	v4 =	vadd.s32 v2, v4  }
0x2ff: {  	[tilespmem:s4], [sflag:$0x1] =	stream.indirect_vreg.gather [hbm4b:s21+s22], $0x80, v5, vm0, $0xb8;
	[tilespmem:$0x1AA00] =	vst v63  }
0x300: {  	_ = 	snop  }
0x301: {  	[tilespmem:s6], [sflag:$0x1] =	stream.indirect_vreg.gather [hbm4b:s23+s22], $0x80, v5, vm0, $0xb8;
	[tilespmem:$0x1AA00] =	vst v63  }
0x302: {  	_ = 	snop  }
0x303: {  	[tilespmem:s10], [sflag:$0x1] =	stream.indirect_vreg.gather [hbm4b:s28+s22], $0x80, v4, vm0, $0xb8;
	[tilespmem:$0x1AA00] =	vst v63  }
0x304: {  	_ = 	snop  }
0x305: {  	[tilespmem:s14], [sflag:$0x1] =	stream.indirect_vreg.gather [hbm4b:s21+s22], $0x80, v4, vm0, $0xb8;
	[tilespmem:$0x1AA00] =	vst v63  }
0x306: {  	_ = 	snop  }
0x307: {  	[tilespmem:s15], [sflag:$0x1] =	stream.indirect_vreg.gather [hbm4b:s23+s22], $0x80, v4, vm0, $0xb8;
	[tilespmem:$0x1AA00] =	vst v63  }
0x308: {  	v4 =	vld [tilespmem:$0x5410];
	_ =	sdelay $0x4  }
0x309: {  	v5 =	vshrl.u32 v4, $0x3  }
0x30a: {  	v5 =	vmul.u32 $0x30, v5  }
0x30b: {  	v4 =	vand.u32 $0x7, v4  }
0x30c: {  	v4 =	vor.u32 v4, v5  }
0x30d: {  	v5 =	vperm.xlane v4, v1;
	_ =	sdelay $0x1  }
0x30e: {  	v5 =	vadd.s32 v2, v5;
	_ =	sdelay $0x3  }
0x30f: {  	v4 =	vperm.xlane v4, v3  }
0x310: {  	[tilespmem:s30], [sflag:$0x1] =	stream.indirect_vreg.gather [hbm4b:s28+s22], $0x80, v5, vm0, $0xb8;
	[tilespmem:$0x1AA00] =	vst v63  }
0x311: {  	v4 =	vadd.s32 v2, v4  }
0x312: {  	[tilespmem:s20], [sflag:$0x1] =	stream.indirect_vreg.gather [hbm4b:s21+s22], $0x80, v5, vm0, $0xb8;
	[tilespmem:$0x1AA00] =	vst v63  }
0x313: {  	_ = 	snop  }
0x314: {  	[tilespmem:s19], [sflag:$0x1] =	stream.indirect_vreg.gather [hbm4b:s23+s22], $0x80, v5, vm0, $0xb8;
	[tilespmem:$0x1AA00] =	vst v63  }
0x315: {  	_ = 	snop  }
0x316: {  	[tilespmem:s9], [sflag:$0x1] =	stream.indirect_vreg.gather [hbm4b:s28+s22], $0x80, v4, vm0, $0xb8;
	[tilespmem:$0x1AA00] =	vst v63  }
0x317: {  	_ = 	snop  }
0x318: {  	[tilespmem:s8], [sflag:$0x1] =	stream.indirect_vreg.gather [hbm4b:s21+s22], $0x80, v4, vm0, $0xb8;
	[tilespmem:$0x1AA00] =	vst v63  }
0x319: {  	_ = 	snop  }
0x31a: {  	[tilespmem:s17], [sflag:$0x1] =	stream.indirect_vreg.gather [hbm4b:s23+s22], $0x80, v4, vm0, $0xb8;
	[tilespmem:$0x1AA00] =	vst v63  }
0x31b: {  	v4 =	vld.msk [tilespmem:$0x5420], $0xff;
	_ =	sdelay $0x4  }
0x31c: {  	v5 =	vshrl.u32 v4, $0x3  }
0x31d: {  	v5 =	vmul.u32 $0x30, v5  }
0x31e: {  	v4 =	vand.u32 $0x7, v4  }
0x31f: {  	v4 =	vor.u32 v4, v5  }
0x320: {  	v4 =	vperm.xlane v4, v1;
	_ =	sdelay $0x1  }
0x321: {  	v4 =	vadd.s32 v2, v4;
	_ =	sdelay $0x4  }
0x322: {  	[tilespmem:s26], [sflag:$0x1] =	stream.indirect_vreg.gather [hbm4b:s28+s22], $0x80, v4, vm0, $0xb8;
	[tilespmem:$0x1AA00] =	vst v63  }
0x323: {  	_ = 	snop  }
0x324: {  	[tilespmem:s16], [sflag:$0x1] =	stream.indirect_vreg.gather [hbm4b:s21+s22], $0x80, v4, vm0, $0xb8;
	[tilespmem:$0x1AA00] =	vst v63  }
0x325: {  	_ = 	snop  }
0x326: {  	[tilespmem:s18], [sflag:$0x1] =	stream.indirect_vreg.gather [hbm4b:s23+s22], $0x80, v4, vm0, $0xb8;
	[tilespmem:$0x1AA00] =	vst v63  }
0x327: {  	v4 =	vld [tilespmem:$0x5428];
	_ =	sdelay $0x4  }
0x328: {  	v5 =	vshrl.u32 v4, $0x3  }
0x329: {  	v5 =	vmul.u32 $0x30, v5  }
0x32a: {  	v4 =	vand.u32 $0x7, v4  }
0x32b: {  	v4 =	vor.u32 v4, v5  }
0x32c: {  	v5 =	vperm.xlane v4, v1;
	_ =	sdelay $0x1  }
0x32d: {  	v5 =	vadd.s32 v2, v5;
	_ =	sdelay $0x3  }
0x32e: {  	s29 =	simm.s32 $0xCE00;
	v4 =	vperm.xlane v4, v3  }
0x32f: {  	[tilespmem:s29], [sflag:$0x2] =	stream.indirect_vreg.gather [hbm4b:s28+s22], $0x80, v5, vm0, $0xb8;
	[tilespmem:$0x1AA00] =	vst v63  }
0x330: {  	s26 =	simm.s32 $0xD600;
	v4 =	vadd.s32 v2, v4  }
0x331: {  	[tilespmem:s26], [sflag:$0x2] =	stream.indirect_vreg.gather [hbm4b:s21+s22], $0x80, v5, vm0, $0xb8;
	[tilespmem:$0x1AA00] =	vst v63  }
0x332: {  	s29 =	simm.s32 $0xDE00  }
0x333: {  	[tilespmem:s29], [sflag:$0x2] =	stream.indirect_vreg.gather [hbm4b:s23+s22], $0x80, v5, vm0, $0xb8;
	[tilespmem:$0x1AA00] =	vst v63  }
0x334: {  	s5 =	simm.s32 $0xE600  }
0x335: {  	[tilespmem:s5], [sflag:$0x2] =	stream.indirect_vreg.gather [hbm4b:s28+s22], $0x80, v4, vm0, $0xb8;
	[tilespmem:$0x1AA00] =	vst v63  }
0x336: {  	s6 =	simm.s32 $0xEE00  }
0x337: {  	[tilespmem:s6], [sflag:$0x2] =	stream.indirect_vreg.gather [hbm4b:s21+s22], $0x80, v4, vm0, $0xb8;
	[tilespmem:$0x1AA00] =	vst v63  }
0x338: {  	s17 =	simm.s32 $0xF600  }
0x339: {  	[tilespmem:s17], [sflag:$0x2] =	stream.indirect_vreg.gather [hbm4b:s23+s22], $0x80, v4, vm0, $0xb8;
	[tilespmem:$0x1AA00] =	vst v63  }
0x33a: {  	v4 =	vld [tilespmem:$0x5438];
	_ =	sdelay $0x4  }
0x33b: {  	v5 =	vshrl.u32 v4, $0x3  }
0x33c: {  	v5 =	vmul.u32 $0x30, v5  }
0x33d: {  	v4 =	vand.u32 $0x7, v4  }
0x33e: {  	v4 =	vor.u32 v4, v5  }
0x33f: {  	v5 =	vperm.xlane v4, v1;
	_ =	sdelay $0x1  }
0x340: {  	v5 =	vadd.s32 v2, v5;
	_ =	sdelay $0x3  }
0x341: {  	s18 =	simm.s32 $0xFE00;
	v4 =	vperm.xlane v4, v3  }
0x342: {  	[tilespmem:s18], [sflag:$0x2] =	stream.indirect_vreg.gather [hbm4b:s28+s22], $0x80, v5, vm0, $0xb8;
	[tilespmem:$0x1AA00] =	vst v63  }
0x343: {  	s8 =	simm.s32 $0x10600;
	v4 =	vadd.s32 v2, v4  }
0x344: {  	[tilespmem:s8], [sflag:$0x2] =	stream.indirect_vreg.gather [hbm4b:s21+s22], $0x80, v5, vm0, $0xb8;
	[tilespmem:$0x1AA00] =	vst v63  }
0x345: {  	s9 =	simm.s32 $0x10E00  }
0x346: {  	[tilespmem:s9], [sflag:$0x2] =	stream.indirect_vreg.gather [hbm4b:s23+s22], $0x80, v5, vm0, $0xb8;
	[tilespmem:$0x1AA00] =	vst v63  }
0x347: {  	s10 =	simm.s32 $0x11600  }
0x348: {  	[tilespmem:s10], [sflag:$0x2] =	stream.indirect_vreg.gather [hbm4b:s28+s22], $0x80, v4, vm0, $0xb8;
	[tilespmem:$0x1AA00] =	vst v63  }
0x349: {  	s14 =	simm.s32 $0x11E00  }
0x34a: {  	[tilespmem:s14], [sflag:$0x2] =	stream.indirect_vreg.gather [hbm4b:s21+s22], $0x80, v4, vm0, $0xb8;
	[tilespmem:$0x1AA00] =	vst v63  }
0x34b: {  	s19 =	simm.s32 $0x12600  }
0x34c: {  	[tilespmem:s19], [sflag:$0x2] =	stream.indirect_vreg.gather [hbm4b:s23+s22], $0x80, v4, vm0, $0xb8;
	[tilespmem:$0x1AA00] =	vst v63  }
0x34d: {  	v4 =	vld.msk [tilespmem:$0x5448], $0xff;
	_ =	sdelay $0x4  }
0x34e: {  	v5 =	vshrl.u32 v4, $0x3  }
0x34f: {  	v5 =	vmul.u32 $0x30, v5  }
0x350: {  	v4 =	vand.u32 $0x7, v4  }
0x351: {  	v4 =	vor.u32 v4, v5  }
0x352: {  	v4 =	vperm.xlane v4, v1;
	_ =	sdelay $0x1  }
0x353: {  	v4 =	vadd.s32 v2, v4;
	_ =	sdelay $0x3  }
0x354: {  	s15 =	simm.s32 $0x12E00  }
0x355: {  	[tilespmem:s15], [sflag:$0x2] =	stream.indirect_vreg.gather [hbm4b:s28+s22], $0x80, v4, vm0, $0xb8;
	[tilespmem:$0x1AA00] =	vst v63  }
0x356: {  	s16 =	simm.s32 $0x13600  }
0x357: {  	[tilespmem:s16], [sflag:$0x2] =	stream.indirect_vreg.gather [hbm4b:s21+s22], $0x80, v4, vm0, $0xb8;
	[tilespmem:$0x1AA00] =	vst v63  }
0x358: {  	s20 =	simm.s32 $0x13E00  }
0x359: {  	[tilespmem:s20], [sflag:$0x2] =	stream.indirect_vreg.gather [hbm4b:s23+s22], $0x80, v4, vm0, $0xb8;
	[tilespmem:$0x1AA00] =	vst v63  }
0x35a: {  	_ =	swait.ge [sflag:s24], $0x7800  }
0x35b: {  	[sflag:s24] =	ssyncset.done $0x0  }
0x35c: {  	s1 =	rddreg [dreg:$0xf];
	[sflag:s24] =	ssyncadd.s32 $0xFFFF8800  }
0x35d: {  	[hbm4b:s1+s22] =	stream.linear.scatter [tilespmem:s2], [sflag:$0x4], $0x7800, $0x38;
	[tilespmem:$0x1AA00] =	vst v63  }
0x35e: {  	_ =	swait.ge [sflag:s7], $0x7800  }
0x35f: {  	[sflag:s7] =	ssyncset.done $0x0  }
0x360: {  	[sflag:s7] =	ssyncadd.s32 $0xFFFF8800  }
0x361: {  	v4 =	vld [tilespmem:$0x5450];
	_ =	sdelay $0x4  }
0x362: {  	v5 =	vshrl.u32 v4, $0x3  }
0x363: {  	v5 =	vmul.u32 $0x30, v5  }
0x364: {  	v4 =	vand.u32 $0x7, v4  }
0x365: {  	v4 =	vor.u32 v4, v5  }
0x366: {  	v5 =	vperm.xlane v4, v1;
	_ =	sdelay $0x1  }
0x367: {  	v5 =	vadd.s32 v2, v5;
	_ =	sdelay $0x3  }
0x368: {  	v4 =	vperm.xlane v4, v3  }
0x369: {  	[tilespmem:s2], [sflag:$0x1] =	stream.indirect_vreg.gather [hbm4b:s28+s22], $0x80, v5, vm0, $0xb8;
	[tilespmem:$0x1AA00] =	vst v63  }
0x36a: {  	v4 =	vadd.s32 v2, v4  }
0x36b: {  	[tilespmem:s4], [sflag:$0x1] =	stream.indirect_vreg.gather [hbm4b:s21+s22], $0x80, v5, vm0, $0xb8;
	[tilespmem:$0x1AA00] =	vst v63  }
0x36c: {  	s4 =	simm.s32 $0x6600  }
0x36d: {  	[tilespmem:s4], [sflag:$0x1] =	stream.indirect_vreg.gather [hbm4b:s23+s22], $0x80, v5, vm0, $0xb8;
	[tilespmem:$0x1AA00] =	vst v63  }
0x36e: {  	s4 =	simm.s32 $0x6E00  }
0x36f: {  	[tilespmem:s4], [sflag:$0x1] =	stream.indirect_vreg.gather [hbm4b:s28+s22], $0x80, v4, vm0, $0xb8;
	[tilespmem:$0x1AA00] =	vst v63  }
0x370: {  	s4 =	simm.s32 $0x7600  }
0x371: {  	[tilespmem:s4], [sflag:$0x1] =	stream.indirect_vreg.gather [hbm4b:s21+s22], $0x80, v4, vm0, $0xb8;
	[tilespmem:$0x1AA00] =	vst v63  }
0x372: {  	s4 =	simm.s32 $0x7E00  }
0x373: {  	[tilespmem:s4], [sflag:$0x1] =	stream.indirect_vreg.gather [hbm4b:s23+s22], $0x80, v4, vm0, $0xb8;
	[tilespmem:$0x1AA00] =	vst v63  }
0x374: {  	v4 =	vld [tilespmem:$0x5460];
	_ =	sdelay $0x4  }
0x375: {  	v5 =	vshrl.u32 v4, $0x3  }
0x376: {  	v5 =	vmul.u32 $0x30, v5  }
0x377: {  	v4 =	vand.u32 $0x7, v4  }
0x378: {  	v4 =	vor.u32 v4, v5  }
0x379: {  	v5 =	vperm.xlane v4, v1;
	_ =	sdelay $0x1  }
0x37a: {  	v5 =	vadd.s32 v2, v5;
	_ =	sdelay $0x3  }
0x37b: {  	s4 =	simm.s32 $0x8600;
	v4 =	vperm.xlane v4, v3  }
0x37c: {  	[tilespmem:s4], [sflag:$0x1] =	stream.indirect_vreg.gather [hbm4b:s28+s22], $0x80, v5, vm0, $0xb8;
	[tilespmem:$0x1AA00] =	vst v63  }
0x37d: {  	v4 =	vadd.s32 v2, v4;
	s4 =	simm.s32 $0x8E00  }
0x37e: {  	[tilespmem:s4], [sflag:$0x1] =	stream.indirect_vreg.gather [hbm4b:s21+s22], $0x80, v5, vm0, $0xb8;
	[tilespmem:$0x1AA00] =	vst v63  }
0x37f: {  	s4 =	simm.s32 $0x9600  }
0x380: {  	[tilespmem:s4], [sflag:$0x1] =	stream.indirect_vreg.gather [hbm4b:s23+s22], $0x80, v5, vm0, $0xb8;
	[tilespmem:$0x1AA00] =	vst v63  }
0x381: {  	s4 =	simm.s32 $0x9E00  }
0x382: {  	[tilespmem:s4], [sflag:$0x1] =	stream.indirect_vreg.gather [hbm4b:s28+s22], $0x80, v4, vm0, $0xb8;
	[tilespmem:$0x1AA00] =	vst v63  }
0x383: {  	s30 =	simm.s32 $0xA600  }
0x384: {  	[tilespmem:s30], [sflag:$0x1] =	stream.indirect_vreg.gather [hbm4b:s21+s22], $0x80, v4, vm0, $0xb8;
	[tilespmem:$0x1AA00] =	vst v63  }
0x385: {  	s4 =	simm.s32 $0xAE00  }
0x386: {  	[tilespmem:s4], [sflag:$0x1] =	stream.indirect_vreg.gather [hbm4b:s23+s22], $0x80, v4, vm0, $0xb8;
	[tilespmem:$0x1AA00] =	vst v63  }
0x387: {  	v4 =	vld.msk [tilespmem:$0x5470], $0xff;
	_ =	sdelay $0x4  }
0x388: {  	v5 =	vshrl.u32 v4, $0x3  }
0x389: {  	v5 =	vmul.u32 $0x30, v5  }
0x38a: {  	v4 =	vand.u32 $0x7, v4  }
0x38b: {  	v4 =	vor.u32 v4, v5  }
0x38c: {  	v4 =	vperm.xlane v4, v1;
	_ =	sdelay $0x1  }
0x38d: {  	v4 =	vadd.s32 v2, v4;
	_ =	sdelay $0x3  }
0x38e: {  	s4 =	simm.s32 $0xB600  }
0x38f: {  	[tilespmem:s4], [sflag:$0x1] =	stream.indirect_vreg.gather [hbm4b:s28+s22], $0x80, v4, vm0, $0xb8;
	[tilespmem:$0x1AA00] =	vst v63  }
0x390: {  	s4 =	simm.s32 $0xBE00  }
0x391: {  	[tilespmem:s4], [sflag:$0x1] =	stream.indirect_vreg.gather [hbm4b:s21+s22], $0x80, v4, vm0, $0xb8;
	[tilespmem:$0x1AA00] =	vst v63  }
0x392: {  	s4 =	simm.s32 $0xC600  }
0x393: {  	[tilespmem:s4], [sflag:$0x1] =	stream.indirect_vreg.gather [hbm4b:s23+s22], $0x80, v4, vm0, $0xb8;
	[tilespmem:$0x1AA00] =	vst v63  }
0x394: {  	_ =	swait.ge [sflag:s31], $0x7800  }
0x395: {  	[sflag:s31] =	ssyncset.done $0x0  }
0x396: {  	s4 =	simm.s32 $0xCE00;
	s1 =	rddreg [dreg:$0x10];
	[sflag:s31] =	ssyncadd.s32 $0xFFFF8800  }
0x397: {  	[hbm4b:s1+s22] =	stream.linear.scatter [tilespmem:s4], [sflag:$0x4], $0x7800, $0x38;
	[tilespmem:$0x1AA00] =	vst v63  }
0x398: {  	_ =	swait.ge [sflag:s7], $0x7800  }
0x399: {  	[sflag:s7] =	ssyncset.done $0x0  }
0x39a: {  	[sflag:s7] =	ssyncadd.s32 $0xFFFF8800  }
0x39b: {  	v4 =	vld [tilespmem:$0x5478];
	_ =	sdelay $0x4  }
0x39c: {  	v5 =	vshrl.u32 v4, $0x3  }
0x39d: {  	v5 =	vmul.u32 $0x30, v5  }
0x39e: {  	v4 =	vand.u32 $0x7, v4  }
0x39f: {  	v4 =	vor.u32 v4, v5  }
0x3a0: {  	v5 =	vperm.xlane v4, v1;
	_ =	sdelay $0x1  }
0x3a1: {  	v5 =	vadd.s32 v2, v5;
	_ =	sdelay $0x3  }
0x3a2: {  	v4 =	vperm.xlane v4, v3  }
0x3a3: {  	[tilespmem:s4], [sflag:$0x2] =	stream.indirect_vreg.gather [hbm4b:s28+s22], $0x80, v5, vm0, $0xb8;
	[tilespmem:$0x1AA00] =	vst v63  }
0x3a4: {  	v4 =	vadd.s32 v2, v4  }
0x3a5: {  	[tilespmem:s26], [sflag:$0x2] =	stream.indirect_vreg.gather [hbm4b:s21+s22], $0x80, v5, vm0, $0xb8;
	[tilespmem:$0x1AA00] =	vst v63  }
0x3a6: {  	_ = 	snop  }
0x3a7: {  	[tilespmem:s29], [sflag:$0x2] =	stream.indirect_vreg.gather [hbm4b:s23+s22], $0x80, v5, vm0, $0xb8;
	[tilespmem:$0x1AA00] =	vst v63  }
0x3a8: {  	_ = 	snop  }
0x3a9: {  	[tilespmem:s5], [sflag:$0x2] =	stream.indirect_vreg.gather [hbm4b:s28+s22], $0x80, v4, vm0, $0xb8;
	[tilespmem:$0x1AA00] =	vst v63  }
0x3aa: {  	_ = 	snop  }
0x3ab: {  	[tilespmem:s6], [sflag:$0x2] =	stream.indirect_vreg.gather [hbm4b:s21+s22], $0x80, v4, vm0, $0xb8;
	[tilespmem:$0x1AA00] =	vst v63  }
0x3ac: {  	_ = 	snop  }
0x3ad: {  	[tilespmem:s17], [sflag:$0x2] =	stream.indirect_vreg.gather [hbm4b:s23+s22], $0x80, v4, vm0, $0xb8;
	[tilespmem:$0x1AA00] =	vst v63  }
0x3ae: {  	v4 =	vld [tilespmem:$0x5488];
	_ =	sdelay $0x4  }
0x3af: {  	v5 =	vshrl.u32 v4, $0x3  }
0x3b0: {  	v5 =	vmul.u32 $0x30, v5  }
0x3b1: {  	v4 =	vand.u32 $0x7, v4  }
0x3b2: {  	v4 =	vor.u32 v4, v5  }
0x3b3: {  	v5 =	vperm.xlane v4, v1;
	_ =	sdelay $0x1  }
0x3b4: {  	v5 =	vadd.s32 v2, v5;
	_ =	sdelay $0x3  }
0x3b5: {  	v4 =	vperm.xlane v4, v3  }
0x3b6: {  	[tilespmem:s18], [sflag:$0x2] =	stream.indirect_vreg.gather [hbm4b:s28+s22], $0x80, v5, vm0, $0xb8;
	[tilespmem:$0x1AA00] =	vst v63  }
0x3b7: {  	v4 =	vadd.s32 v2, v4  }
0x3b8: {  	[tilespmem:s8], [sflag:$0x2] =	stream.indirect_vreg.gather [hbm4b:s21+s22], $0x80, v5, vm0, $0xb8;
	[tilespmem:$0x1AA00] =	vst v63  }
0x3b9: {  	_ = 	snop  }
0x3ba: {  	[tilespmem:s9], [sflag:$0x2] =	stream.indirect_vreg.gather [hbm4b:s23+s22], $0x80, v5, vm0, $0xb8;
	[tilespmem:$0x1AA00] =	vst v63  }
0x3bb: {  	_ = 	snop  }
0x3bc: {  	[tilespmem:s10], [sflag:$0x2] =	stream.indirect_vreg.gather [hbm4b:s28+s22], $0x80, v4, vm0, $0xb8;
	[tilespmem:$0x1AA00] =	vst v63  }
0x3bd: {  	_ = 	snop  }
0x3be: {  	[tilespmem:s14], [sflag:$0x2] =	stream.indirect_vreg.gather [hbm4b:s21+s22], $0x80, v4, vm0, $0xb8;
	[tilespmem:$0x1AA00] =	vst v63  }
0x3bf: {  	_ = 	snop  }
0x3c0: {  	[tilespmem:s19], [sflag:$0x2] =	stream.indirect_vreg.gather [hbm4b:s23+s22], $0x80, v4, vm0, $0xb8;
	[tilespmem:$0x1AA00] =	vst v63  }
0x3c1: {  	v4 =	vld.msk [tilespmem:$0x5498], $0xff;
	_ =	sdelay $0x4  }
0x3c2: {  	v5 =	vshrl.u32 v4, $0x3  }
0x3c3: {  	v5 =	vmul.u32 $0x30, v5  }
0x3c4: {  	v4 =	vand.u32 $0x7, v4  }
0x3c5: {  	v4 =	vor.u32 v4, v5  }
0x3c6: {  	v4 =	vperm.xlane v4, v1;
	_ =	sdelay $0x1  }
0x3c7: {  	v4 =	vadd.s32 v2, v4;
	_ =	sdelay $0x4  }
0x3c8: {  	[tilespmem:s15], [sflag:$0x2] =	stream.indirect_vreg.gather [hbm4b:s28+s22], $0x80, v4, vm0, $0xb8;
	[tilespmem:$0x1AA00] =	vst v63  }
0x3c9: {  	_ = 	snop  }
0x3ca: {  	[tilespmem:s16], [sflag:$0x2] =	stream.indirect_vreg.gather [hbm4b:s21+s22], $0x80, v4, vm0, $0xb8;
	[tilespmem:$0x1AA00] =	vst v63  }
0x3cb: {  	_ = 	snop  }
0x3cc: {  	[tilespmem:s20], [sflag:$0x2] =	stream.indirect_vreg.gather [hbm4b:s23+s22], $0x80, v4, vm0, $0xb8;
	[tilespmem:$0x1AA00] =	vst v63  }
0x3cd: {  	_ =	swait.ge [sflag:s24], $0x7800  }
0x3ce: {  	[sflag:s24] =	ssyncset.done $0x0  }
0x3cf: {  	s19 =	rddreg [dreg:$0x1b];
	[sflag:s24] =	ssyncadd.s32 $0xFFFF8800  }
0x3d0: {  	[hbm4b:s19+s22] =	stream.linear.scatter [tilespmem:s2], [sflag:$0x4], $0x7800, $0x38;
	[tilespmem:$0x1AA00] =	vst v63  }
0x3d1: {  	_ =	swait.ge [sflag:s7], $0x7800  }
0x3d2: {  	[sflag:s7] =	ssyncset.done $0x0  }
0x3d3: {  	[sflag:s7] =	ssyncadd.s32 $0xFFFF8800  }
0x3d4: {  	v4 =	vld [tilespmem:$0x54A0];
	_ =	sdelay $0x4  }
0x3d5: {  	v5 =	vshrl.u32 v4, $0x3  }
0x3d6: {  	v5 =	vmul.u32 $0x30, v5  }
0x3d7: {  	v4 =	vand.u32 $0x7, v4  }
0x3d8: {  	v4 =	vor.u32 v4, v5  }
0x3d9: {  	v5 =	vperm.xlane v4, v1;
	_ =	sdelay $0x1  }
0x3da: {  	v5 =	vadd.s32 v2, v5;
	_ =	sdelay $0x3  }
0x3db: {  	v4 =	vperm.xlane v4, v3  }
0x3dc: {  	[tilespmem:s2], [sflag:$0x1] =	stream.indirect_vreg.gather [hbm4b:s28+s22], $0x80, v5, vm0, $0xb8;
	[tilespmem:$0x1AA00] =	vst v63  }
0x3dd: {  	s20 =	simm.s32 $0x5E00;
	v4 =	vadd.s32 v2, v4  }
0x3de: {  	[tilespmem:s20], [sflag:$0x1] =	stream.indirect_vreg.gather [hbm4b:s21+s22], $0x80, v5, vm0, $0xb8;
	[tilespmem:$0x1AA00] =	vst v63  }
0x3df: {  	s26 =	simm.s32 $0x6600  }
0x3e0: {  	[tilespmem:s26], [sflag:$0x1] =	stream.indirect_vreg.gather [hbm4b:s23+s22], $0x80, v5, vm0, $0xb8;
	[tilespmem:$0x1AA00] =	vst v63  }
0x3e1: {  	s29 =	simm.s32 $0x6E00  }
0x3e2: {  	[tilespmem:s29], [sflag:$0x1] =	stream.indirect_vreg.gather [hbm4b:s28+s22], $0x80, v4, vm0, $0xb8;
	[tilespmem:$0x1AA00] =	vst v63  }
0x3e3: {  	s5 =	simm.s32 $0x7600  }
0x3e4: {  	[tilespmem:s5], [sflag:$0x1] =	stream.indirect_vreg.gather [hbm4b:s21+s22], $0x80, v4, vm0, $0xb8;
	[tilespmem:$0x1AA00] =	vst v63  }
0x3e5: {  	s6 =	simm.s32 $0x7E00  }
0x3e6: {  	[tilespmem:s6], [sflag:$0x1] =	stream.indirect_vreg.gather [hbm4b:s23+s22], $0x80, v4, vm0, $0xb8;
	[tilespmem:$0x1AA00] =	vst v63  }
0x3e7: {  	v4 =	vld [tilespmem:$0x54B0];
	_ =	sdelay $0x4  }
0x3e8: {  	v5 =	vshrl.u32 v4, $0x3  }
0x3e9: {  	v5 =	vmul.u32 $0x30, v5  }
0x3ea: {  	v4 =	vand.u32 $0x7, v4  }
0x3eb: {  	v4 =	vor.u32 v4, v5  }
0x3ec: {  	v5 =	vperm.xlane v4, v1;
	_ =	sdelay $0x1  }
0x3ed: {  	v5 =	vadd.s32 v2, v5;
	_ =	sdelay $0x3  }
0x3ee: {  	s8 =	simm.s32 $0x8600;
	v4 =	vperm.xlane v4, v3  }
0x3ef: {  	[tilespmem:s8], [sflag:$0x1] =	stream.indirect_vreg.gather [hbm4b:s28+s22], $0x80, v5, vm0, $0xb8;
	[tilespmem:$0x1AA00] =	vst v63  }
0x3f0: {  	s9 =	simm.s32 $0x8E00;
	v4 =	vadd.s32 v2, v4  }
0x3f1: {  	[tilespmem:s9], [sflag:$0x1] =	stream.indirect_vreg.gather [hbm4b:s21+s22], $0x80, v5, vm0, $0xb8;
	[tilespmem:$0x1AA00] =	vst v63  }
0x3f2: {  	s10 =	simm.s32 $0x9600  }
0x3f3: {  	[tilespmem:s10], [sflag:$0x1] =	stream.indirect_vreg.gather [hbm4b:s23+s22], $0x80, v5, vm0, $0xb8;
	[tilespmem:$0x1AA00] =	vst v63  }
0x3f4: {  	s14 =	simm.s32 $0x9E00  }
0x3f5: {  	[tilespmem:s14], [sflag:$0x1] =	stream.indirect_vreg.gather [hbm4b:s28+s22], $0x80, v4, vm0, $0xb8;
	[tilespmem:$0x1AA00] =	vst v63  }
0x3f6: {  	s15 =	simm.s32 $0xA600  }
0x3f7: {  	[tilespmem:s15], [sflag:$0x1] =	stream.indirect_vreg.gather [hbm4b:s21+s22], $0x80, v4, vm0, $0xb8;
	[tilespmem:$0x1AA00] =	vst v63  }
0x3f8: {  	s16 =	simm.s32 $0xAE00  }
0x3f9: {  	[tilespmem:s16], [sflag:$0x1] =	stream.indirect_vreg.gather [hbm4b:s23+s22], $0x80, v4, vm0, $0xb8;
	[tilespmem:$0x1AA00] =	vst v63  }
0x3fa: {  	v4 =	vld.msk [tilespmem:$0x54C0], $0xff;
	_ =	sdelay $0x4  }
0x3fb: {  	v5 =	vshrl.u32 v4, $0x3  }
0x3fc: {  	v5 =	vmul.u32 $0x30, v5  }
0x3fd: {  	v4 =	vand.u32 $0x7, v4  }
0x3fe: {  	v4 =	vor.u32 v4, v5  }
0x3ff: {  	v4 =	vperm.xlane v4, v1;
	_ =	sdelay $0x1  }
0x400: {  	v4 =	vadd.s32 v2, v4;
	_ =	sdelay $0x3  }
0x401: {  	s17 =	simm.s32 $0xB600  }
0x402: {  	[tilespmem:s17], [sflag:$0x1] =	stream.indirect_vreg.gather [hbm4b:s28+s22], $0x80, v4, vm0, $0xb8;
	[tilespmem:$0x1AA00] =	vst v63  }
0x403: {  	s30 =	simm.s32 $0xBE00  }
0x404: {  	[tilespmem:s30], [sflag:$0x1] =	stream.indirect_vreg.gather [hbm4b:s21+s22], $0x80, v4, vm0, $0xb8;
	[tilespmem:$0x1AA00] =	vst v63  }
0x405: {  	s18 =	simm.s32 $0xC600  }
0x406: {  	[tilespmem:s18], [sflag:$0x1] =	stream.indirect_vreg.gather [hbm4b:s23+s22], $0x80, v4, vm0, $0xb8;
	[tilespmem:$0x1AA00] =	vst v63  }
0x407: {  	_ =	swait.ge [sflag:s31], $0x7800  }
0x408: {  	[sflag:s31] =	ssyncset.done $0x0  }
0x409: {  	s4 =	simm.s32 $0xCE00;
	s19 =	rddreg [dreg:$0x11];
	[sflag:s31] =	ssyncadd.s32 $0xFFFF8800  }
0x40a: {  	[hbm4b:s19+s22] =	stream.linear.scatter [tilespmem:s4], [sflag:$0x4], $0x7800, $0x38;
	[tilespmem:$0x1AA00] =	vst v63  }
0x40b: {  	_ =	swait.ge [sflag:s7], $0x7800  }
0x40c: {  	[sflag:s7] =	ssyncset.done $0x0  }
0x40d: {  	[sflag:s7] =	ssyncadd.s32 $0xFFFF8800  }
0x40e: {  	_ =	swait.ge [sflag:s24], $0x7800  }
0x40f: {  	[sflag:s24] =	ssyncset.done $0x0  }
0x410: {  	s20 =	rddreg [dreg:$0x1c];
	[sflag:s24] =	ssyncadd.s32 $0xFFFF8800  }
0x411: {  	[hbm4b:s20+s22] =	stream.linear.scatter [tilespmem:s2], [sflag:$0x4], $0x7800, $0x38;
	[tilespmem:$0x1AA00] =	vst v63  }
0x412: {  	_ =	swait.ge [sflag:s7], $0x7800  }
0x413: {  	[sflag:s7] =	ssyncset.done $0x0  }
0x414: {  	s26 =	simm.s32 $0x3;
	[sflag:s7] =	ssyncadd.s32 $0xFFFF8800  }
0x415: {  	_ =	swait.ge [sflag:s26], $0x6400  }
0x416: {  	s29 =	sld [smem:$0x7F6]  }
0x417: {  	[sflag:s26] =	ssyncset.done $0x0  }
.Ltmp5:
0x418: {  	s31 =	simm.s32 $0x14600;
	[sflag:s26] =	ssyncadd.s32 $0xFFFF9C00;
	(pc) =	sbr.rel @p1 .LBB2_9-.Ltmp5, $4  }
0x419: {  	[hbm4b:s29+s22] =	stream.linear.scatter [tilespmem:s31], [sflag:$0x4], $0x6400, $0x38;
	[tilespmem:$0x1AA00] =	vst v63  }
0x41a: {  	_ =	swait.ge [sflag:s7], $0x6400  }
0x41b: {  	[sflag:s7] =	ssyncset.done $0x0  }
0x41c: {  	s30 =	sld [smem:$0x7F3];
	[sflag:s7] =	ssyncadd.s32 $0xFFFF9C00  }
0x41d: {  	s1 =	rddreg [dreg:$0xd];
	s2 =	simm.s32 $0x5400  }
0x41e: {  	[tilespmem:s2], [sflag:$0x4] =	stream.linear.gather [hbm4b:s1+s22], $0xC8, $0x38;
	[tilespmem:$0x1AA00] =	vst v63  }
0x41f: {  	_ =	swait.ge [sflag:s7], $0xC8  }
0x420: {  	[sflag:s7] =	ssyncset.done $0x0  }
0x421: {  	s15 =	simm.s32 $0x5500;
	s26 =	rddreg [dreg:$0xe];
	[sflag:s7] =	ssyncadd.s32 $0xFFFFFF38  }
0x422: {  	[tilespmem:s15], [sflag:$0x4] =	stream.linear.gather [hbm4b:s26+s22], $0xC8, $0x38;
	[tilespmem:$0x1AA00] =	vst v63  }
0x423: {  	_ =	swait.ge [sflag:s7], $0xC8  }
0x424: {  	s29 =	sld [smem:$0x7F7]  }
0x425: {  	[sflag:s7] =	ssyncset.done $0x0  }
0x426: {  	s4 =	simm.s32 $0x14600;
	s31 =	simm.s32 $0xC8;
	[sflag:s7] =	ssyncadd.s32 $0xFFFFFF38  }
0x427: {  	[tilespmem:s4], [sflag:$0x3] =	stream.indirect.gather [hbm4b:s29+s31], $0x80, s15, s31, $0xb8;
	[tilespmem:$0x1AA00] =	vst v63  }
0x428: {  	v4 =	vld [tilespmem:$0x5400];
	_ =	sdelay $0x4  }
0x429: {  	v5 =	vshrl.u32 v4, $0x3  }
0x42a: {  	v5 =	vmul.u32 $0x30, v5  }
0x42b: {  	v4 =	vand.u32 $0x7, v4  }
0x42c: {  	v4 =	vor.u32 v4, v5  }
0x42d: {  	v5 =	vperm.xlane v4, v1;
	_ =	sdelay $0x1  }
0x42e: {  	v5 =	vadd.s32 v2, v5;
	_ =	sdelay $0x3  }
0x42f: {  	s26 =	simm.s32 $0x5600;
	v4 =	vperm.xlane v4, v3  }
0x430: {  	[tilespmem:s26], [sflag:$0x1] =	stream.indirect_vreg.gather [hbm4b:s28+s22], $0x80, v5, vm0, $0xb8;
	[tilespmem:$0x1AA00] =	vst v63  }
0x431: {  	s2 =	simm.s32 $0x5E00;
	v4 =	vadd.s32 v2, v4  }
0x432: {  	[tilespmem:s2], [sflag:$0x1] =	stream.indirect_vreg.gather [hbm4b:s21+s22], $0x80, v5, vm0, $0xb8;
	[tilespmem:$0x1AA00] =	vst v63  }
0x433: {  	s4 =	simm.s32 $0x6600  }
0x434: {  	[tilespmem:s4], [sflag:$0x1] =	stream.indirect_vreg.gather [hbm4b:s23+s22], $0x80, v5, vm0, $0xb8;
	[tilespmem:$0x1AA00] =	vst v63  }
0x435: {  	s5 =	simm.s32 $0x6E00  }
0x436: {  	[tilespmem:s5], [sflag:$0x1] =	stream.indirect_vreg.gather [hbm4b:s28+s22], $0x80, v4, vm0, $0xb8;
	[tilespmem:$0x1AA00] =	vst v63  }
0x437: {  	s6 =	simm.s32 $0x7600  }
0x438: {  	[tilespmem:s6], [sflag:$0x1] =	stream.indirect_vreg.gather [hbm4b:s21+s22], $0x80, v4, vm0, $0xb8;
	[tilespmem:$0x1AA00] =	vst v63  }
0x439: {  	s8 =	simm.s32 $0x7E00  }
0x43a: {  	[tilespmem:s8], [sflag:$0x1] =	stream.indirect_vreg.gather [hbm4b:s23+s22], $0x80, v4, vm0, $0xb8;
	[tilespmem:$0x1AA00] =	vst v63  }
0x43b: {  	v4 =	vld [tilespmem:$0x5410];
	_ =	sdelay $0x4  }
0x43c: {  	v5 =	vshrl.u32 v4, $0x3  }
0x43d: {  	v5 =	vmul.u32 $0x30, v5  }
0x43e: {  	v4 =	vand.u32 $0x7, v4  }
0x43f: {  	v4 =	vor.u32 v4, v5  }
0x440: {  	v5 =	vperm.xlane v4, v1;
	_ =	sdelay $0x1  }
0x441: {  	v5 =	vadd.s32 v2, v5;
	_ =	sdelay $0x3  }
0x442: {  	s9 =	simm.s32 $0x8600;
	v4 =	vperm.xlane v4, v3  }
0x443: {  	[tilespmem:s9], [sflag:$0x1] =	stream.indirect_vreg.gather [hbm4b:s28+s22], $0x80, v5, vm0, $0xb8;
	[tilespmem:$0x1AA00] =	vst v63  }
0x444: {  	s10 =	simm.s32 $0x8E00;
	v4 =	vadd.s32 v2, v4  }
0x445: {  	[tilespmem:s10], [sflag:$0x1] =	stream.indirect_vreg.gather [hbm4b:s21+s22], $0x80, v5, vm0, $0xb8;
	[tilespmem:$0x1AA00] =	vst v63  }
0x446: {  	s14 =	simm.s32 $0x9600  }
0x447: {  	[tilespmem:s14], [sflag:$0x1] =	stream.indirect_vreg.gather [hbm4b:s23+s22], $0x80, v5, vm0, $0xb8;
	[tilespmem:$0x1AA00] =	vst v63  }
0x448: {  	s15 =	simm.s32 $0x9E00  }
0x449: {  	[tilespmem:s15], [sflag:$0x1] =	stream.indirect_vreg.gather [hbm4b:s28+s22], $0x80, v4, vm0, $0xb8;
	[tilespmem:$0x1AA00] =	vst v63  }
0x44a: {  	s16 =	simm.s32 $0xA600  }
0x44b: {  	[tilespmem:s16], [sflag:$0x1] =	stream.indirect_vreg.gather [hbm4b:s21+s22], $0x80, v4, vm0, $0xb8;
	[tilespmem:$0x1AA00] =	vst v63  }
0x44c: {  	s17 =	simm.s32 $0xAE00  }
0x44d: {  	[tilespmem:s17], [sflag:$0x1] =	stream.indirect_vreg.gather [hbm4b:s23+s22], $0x80, v4, vm0, $0xb8;
	[tilespmem:$0x1AA00] =	vst v63  }
0x44e: {  	v4 =	vld.msk [tilespmem:$0x5420], $0xff;
	_ =	sdelay $0x4  }
0x44f: {  	v5 =	vshrl.u32 v4, $0x3  }
0x450: {  	v5 =	vmul.u32 $0x30, v5  }
0x451: {  	v4 =	vand.u32 $0x7, v4  }
0x452: {  	v4 =	vor.u32 v4, v5  }
0x453: {  	v4 =	vperm.xlane v4, v1;
	_ =	sdelay $0x1  }
0x454: {  	v4 =	vadd.s32 v2, v4;
	_ =	sdelay $0x3  }
0x455: {  	s18 =	simm.s32 $0xB600  }
0x456: {  	[tilespmem:s18], [sflag:$0x1] =	stream.indirect_vreg.gather [hbm4b:s28+s22], $0x80, v4, vm0, $0xb8;
	[tilespmem:$0x1AA00] =	vst v63  }
0x457: {  	s19 =	simm.s32 $0xBE00  }
0x458: {  	[tilespmem:s19], [sflag:$0x1] =	stream.indirect_vreg.gather [hbm4b:s21+s22], $0x80, v4, vm0, $0xb8;
	[tilespmem:$0x1AA00] =	vst v63  }
0x459: {  	s20 =	simm.s32 $0xC600  }
0x45a: {  	[tilespmem:s20], [sflag:$0x1] =	stream.indirect_vreg.gather [hbm4b:s23+s22], $0x80, v4, vm0, $0xb8;
	[tilespmem:$0x1AA00] =	vst v63  }
0x45b: {  	v4 =	vld [tilespmem:$0x5428];
	_ =	sdelay $0x4  }
0x45c: {  	v5 =	vshrl.u32 v4, $0x3  }
0x45d: {  	v5 =	vmul.u32 $0x30, v5  }
0x45e: {  	v4 =	vand.u32 $0x7, v4  }
0x45f: {  	v4 =	vor.u32 v4, v5  }
0x460: {  	v5 =	vperm.xlane v4, v1;
	_ =	sdelay $0x1  }
0x461: {  	v5 =	vadd.s32 v2, v5;
	_ =	sdelay $0x3  }
0x462: {  	s29 =	simm.s32 $0xCE00;
	v4 =	vperm.xlane v4, v3  }
0x463: {  	[tilespmem:s29], [sflag:$0x2] =	stream.indirect_vreg.gather [hbm4b:s28+s22], $0x80, v5, vm0, $0xb8;
	[tilespmem:$0x1AA00] =	vst v63  }
0x464: {  	s2 =	simm.s32 $0xD600;
	v4 =	vadd.s32 v2, v4  }
0x465: {  	[tilespmem:s2], [sflag:$0x2] =	stream.indirect_vreg.gather [hbm4b:s21+s22], $0x80, v5, vm0, $0xb8;
	[tilespmem:$0x1AA00] =	vst v63  }
0x466: {  	s4 =	simm.s32 $0xDE00  }
0x467: {  	[tilespmem:s4], [sflag:$0x2] =	stream.indirect_vreg.gather [hbm4b:s23+s22], $0x80, v5, vm0, $0xb8;
	[tilespmem:$0x1AA00] =	vst v63  }
0x468: {  	s5 =	simm.s32 $0xE600  }
0x469: {  	[tilespmem:s5], [sflag:$0x2] =	stream.indirect_vreg.gather [hbm4b:s28+s22], $0x80, v4, vm0, $0xb8;
	[tilespmem:$0x1AA00] =	vst v63  }
0x46a: {  	s6 =	simm.s32 $0xEE00  }
0x46b: {  	[tilespmem:s6], [sflag:$0x2] =	stream.indirect_vreg.gather [hbm4b:s21+s22], $0x80, v4, vm0, $0xb8;
	[tilespmem:$0x1AA00] =	vst v63  }
0x46c: {  	s8 =	simm.s32 $0xF600  }
0x46d: {  	[tilespmem:s8], [sflag:$0x2] =	stream.indirect_vreg.gather [hbm4b:s23+s22], $0x80, v4, vm0, $0xb8;
	[tilespmem:$0x1AA00] =	vst v63  }
0x46e: {  	v4 =	vld [tilespmem:$0x5438];
	_ =	sdelay $0x4  }
0x46f: {  	v5 =	vshrl.u32 v4, $0x3  }
0x470: {  	v5 =	vmul.u32 $0x30, v5  }
0x471: {  	v4 =	vand.u32 $0x7, v4  }
0x472: {  	v4 =	vor.u32 v4, v5  }
0x473: {  	v5 =	vperm.xlane v4, v1;
	_ =	sdelay $0x1  }
0x474: {  	v5 =	vadd.s32 v2, v5;
	_ =	sdelay $0x3  }
0x475: {  	s9 =	simm.s32 $0xFE00;
	v4 =	vperm.xlane v4, v3  }
0x476: {  	[tilespmem:s9], [sflag:$0x2] =	stream.indirect_vreg.gather [hbm4b:s28+s22], $0x80, v5, vm0, $0xb8;
	[tilespmem:$0x1AA00] =	vst v63  }
0x477: {  	s10 =	simm.s32 $0x10600;
	v4 =	vadd.s32 v2, v4  }
0x478: {  	[tilespmem:s10], [sflag:$0x2] =	stream.indirect_vreg.gather [hbm4b:s21+s22], $0x80, v5, vm0, $0xb8;
	[tilespmem:$0x1AA00] =	vst v63  }
0x479: {  	s14 =	simm.s32 $0x10E00  }
0x47a: {  	[tilespmem:s14], [sflag:$0x2] =	stream.indirect_vreg.gather [hbm4b:s23+s22], $0x80, v5, vm0, $0xb8;
	[tilespmem:$0x1AA00] =	vst v63  }
0x47b: {  	s15 =	simm.s32 $0x11600  }
0x47c: {  	[tilespmem:s15], [sflag:$0x2] =	stream.indirect_vreg.gather [hbm4b:s28+s22], $0x80, v4, vm0, $0xb8;
	[tilespmem:$0x1AA00] =	vst v63  }
0x47d: {  	s16 =	simm.s32 $0x11E00  }
0x47e: {  	[tilespmem:s16], [sflag:$0x2] =	stream.indirect_vreg.gather [hbm4b:s21+s22], $0x80, v4, vm0, $0xb8;
	[tilespmem:$0x1AA00] =	vst v63  }
0x47f: {  	s17 =	simm.s32 $0x12600  }
0x480: {  	[tilespmem:s17], [sflag:$0x2] =	stream.indirect_vreg.gather [hbm4b:s23+s22], $0x80, v4, vm0, $0xb8;
	[tilespmem:$0x1AA00] =	vst v63  }
0x481: {  	v4 =	vld.msk [tilespmem:$0x5448], $0xff;
	_ =	sdelay $0x4  }
0x482: {  	v5 =	vshrl.u32 v4, $0x3  }
0x483: {  	v5 =	vmul.u32 $0x30, v5  }
0x484: {  	v4 =	vand.u32 $0x7, v4  }
0x485: {  	v4 =	vor.u32 v4, v5  }
0x486: {  	v4 =	vperm.xlane v4, v1;
	_ =	sdelay $0x1  }
0x487: {  	v4 =	vadd.s32 v2, v4;
	_ =	sdelay $0x3  }
0x488: {  	s18 =	simm.s32 $0x12E00  }
0x489: {  	[tilespmem:s18], [sflag:$0x2] =	stream.indirect_vreg.gather [hbm4b:s28+s22], $0x80, v4, vm0, $0xb8;
	[tilespmem:$0x1AA00] =	vst v63  }
0x48a: {  	s19 =	simm.s32 $0x13600  }
0x48b: {  	[tilespmem:s19], [sflag:$0x2] =	stream.indirect_vreg.gather [hbm4b:s21+s22], $0x80, v4, vm0, $0xb8;
	[tilespmem:$0x1AA00] =	vst v63  }
0x48c: {  	s20 =	simm.s32 $0x13E00  }
0x48d: {  	[tilespmem:s20], [sflag:$0x2] =	stream.indirect_vreg.gather [hbm4b:s23+s22], $0x80, v4, vm0, $0xb8;
	[tilespmem:$0x1AA00] =	vst v63  }
0x48e: {  	_ =	swait.ge [sflag:s24], $0x7800  }
0x48f: {  	[sflag:s24] =	ssyncset.done $0x0  }
0x490: {  	s1 =	rddreg [dreg:$0x12];
	[sflag:s24] =	ssyncadd.s32 $0xFFFF8800  }
0x491: {  	[hbm4b:s1+s22] =	stream.linear.scatter [tilespmem:s26], [sflag:$0x4], $0x7800, $0x38;
	[tilespmem:$0x1AA00] =	vst v63  }
0x492: {  	_ =	swait.ge [sflag:s7], $0x7800  }
0x493: {  	[sflag:s7] =	ssyncset.done $0x0  }
0x494: {  	[sflag:s7] =	ssyncadd.s32 $0xFFFF8800  }
0x495: {  	v4 =	vld [tilespmem:$0x5450];
	_ =	sdelay $0x4  }
0x496: {  	v5 =	vshrl.u32 v4, $0x3  }
0x497: {  	v5 =	vmul.u32 $0x30, v5  }
0x498: {  	v4 =	vand.u32 $0x7, v4  }
0x499: {  	v4 =	vor.u32 v4, v5  }
0x49a: {  	v5 =	vperm.xlane v4, v1;
	_ =	sdelay $0x1  }
0x49b: {  	v5 =	vadd.s32 v2, v5;
	_ =	sdelay $0x3  }
0x49c: {  	v4 =	vperm.xlane v4, v3  }
0x49d: {  	[tilespmem:s26], [sflag:$0x1] =	stream.indirect_vreg.gather [hbm4b:s28+s22], $0x80, v5, vm0, $0xb8;
	[tilespmem:$0x1AA00] =	vst v63  }
0x49e: {  	s1 =	simm.s32 $0x5E00;
	v4 =	vadd.s32 v2, v4  }
0x49f: {  	[tilespmem:s1], [sflag:$0x1] =	stream.indirect_vreg.gather [hbm4b:s21+s22], $0x80, v5, vm0, $0xb8;
	[tilespmem:$0x1AA00] =	vst v63  }
0x4a0: {  	s1 =	simm.s32 $0x6600  }
0x4a1: {  	[tilespmem:s1], [sflag:$0x1] =	stream.indirect_vreg.gather [hbm4b:s23+s22], $0x80, v5, vm0, $0xb8;
	[tilespmem:$0x1AA00] =	vst v63  }
0x4a2: {  	s1 =	simm.s32 $0x6E00  }
0x4a3: {  	[tilespmem:s1], [sflag:$0x1] =	stream.indirect_vreg.gather [hbm4b:s28+s22], $0x80, v4, vm0, $0xb8;
	[tilespmem:$0x1AA00] =	vst v63  }
0x4a4: {  	s1 =	simm.s32 $0x7600  }
0x4a5: {  	[tilespmem:s1], [sflag:$0x1] =	stream.indirect_vreg.gather [hbm4b:s21+s22], $0x80, v4, vm0, $0xb8;
	[tilespmem:$0x1AA00] =	vst v63  }
0x4a6: {  	s1 =	simm.s32 $0x7E00  }
0x4a7: {  	[tilespmem:s1], [sflag:$0x1] =	stream.indirect_vreg.gather [hbm4b:s23+s22], $0x80, v4, vm0, $0xb8;
	[tilespmem:$0x1AA00] =	vst v63  }
0x4a8: {  	v4 =	vld [tilespmem:$0x5460];
	_ =	sdelay $0x4  }
0x4a9: {  	v5 =	vshrl.u32 v4, $0x3  }
0x4aa: {  	v5 =	vmul.u32 $0x30, v5  }
0x4ab: {  	v4 =	vand.u32 $0x7, v4  }
0x4ac: {  	v4 =	vor.u32 v4, v5  }
0x4ad: {  	v5 =	vperm.xlane v4, v1;
	_ =	sdelay $0x1  }
0x4ae: {  	v5 =	vadd.s32 v2, v5;
	_ =	sdelay $0x3  }
0x4af: {  	s31 =	simm.s32 $0x8600;
	v4 =	vperm.xlane v4, v3  }
0x4b0: {  	[tilespmem:s31], [sflag:$0x1] =	stream.indirect_vreg.gather [hbm4b:s28+s22], $0x80, v5, vm0, $0xb8;
	[tilespmem:$0x1AA00] =	vst v63  }
0x4b1: {  	v4 =	vadd.s32 v2, v4;
	s31 =	simm.s32 $0x8E00  }
0x4b2: {  	[tilespmem:s31], [sflag:$0x1] =	stream.indirect_vreg.gather [hbm4b:s21+s22], $0x80, v5, vm0, $0xb8;
	[tilespmem:$0x1AA00] =	vst v63  }
0x4b3: {  	s31 =	simm.s32 $0x9600  }
0x4b4: {  	[tilespmem:s31], [sflag:$0x1] =	stream.indirect_vreg.gather [hbm4b:s23+s22], $0x80, v5, vm0, $0xb8;
	[tilespmem:$0x1AA00] =	vst v63  }
0x4b5: {  	s31 =	simm.s32 $0x9E00  }
0x4b6: {  	[tilespmem:s31], [sflag:$0x1] =	stream.indirect_vreg.gather [hbm4b:s28+s22], $0x80, v4, vm0, $0xb8;
	[tilespmem:$0x1AA00] =	vst v63  }
0x4b7: {  	s31 =	simm.s32 $0xA600  }
0x4b8: {  	[tilespmem:s31], [sflag:$0x1] =	stream.indirect_vreg.gather [hbm4b:s21+s22], $0x80, v4, vm0, $0xb8;
	[tilespmem:$0x1AA00] =	vst v63  }
0x4b9: {  	s31 =	simm.s32 $0xAE00  }
0x4ba: {  	[tilespmem:s31], [sflag:$0x1] =	stream.indirect_vreg.gather [hbm4b:s23+s22], $0x80, v4, vm0, $0xb8;
	[tilespmem:$0x1AA00] =	vst v63  }
0x4bb: {  	v4 =	vld.msk [tilespmem:$0x5470], $0xff;
	_ =	sdelay $0x4  }
0x4bc: {  	v5 =	vshrl.u32 v4, $0x3  }
0x4bd: {  	v5 =	vmul.u32 $0x30, v5  }
0x4be: {  	v4 =	vand.u32 $0x7, v4  }
0x4bf: {  	v4 =	vor.u32 v4, v5  }
0x4c0: {  	v4 =	vperm.xlane v4, v1;
	_ =	sdelay $0x1  }
0x4c1: {  	v4 =	vadd.s32 v2, v4;
	_ =	sdelay $0x3  }
0x4c2: {  	s31 =	simm.s32 $0xB600  }
0x4c3: {  	[tilespmem:s31], [sflag:$0x1] =	stream.indirect_vreg.gather [hbm4b:s28+s22], $0x80, v4, vm0, $0xb8;
	[tilespmem:$0x1AA00] =	vst v63  }
0x4c4: {  	s31 =	simm.s32 $0xBE00  }
0x4c5: {  	[tilespmem:s31], [sflag:$0x1] =	stream.indirect_vreg.gather [hbm4b:s21+s22], $0x80, v4, vm0, $0xb8;
	[tilespmem:$0x1AA00] =	vst v63  }
0x4c6: {  	s31 =	simm.s32 $0xC600  }
0x4c7: {  	[tilespmem:s31], [sflag:$0x1] =	stream.indirect_vreg.gather [hbm4b:s23+s22], $0x80, v4, vm0, $0xb8;
	[tilespmem:$0x1AA00] =	vst v63  }
0x4c8: {  	s31 =	simm.s32 $0x2  }
0x4c9: {  	_ =	swait.ge [sflag:s31], $0x7800  }
0x4ca: {  	[sflag:s31] =	ssyncset.done $0x0  }
0x4cb: {  	s29 =	simm.s32 $0xCE00;
	s1 =	rddreg [dreg:$0x13];
	[sflag:s31] =	ssyncadd.s32 $0xFFFF8800  }
0x4cc: {  	[hbm4b:s1+s22] =	stream.linear.scatter [tilespmem:s29], [sflag:$0x4], $0x7800, $0x38;
	[tilespmem:$0x1AA00] =	vst v63  }
0x4cd: {  	_ =	swait.ge [sflag:s7], $0x7800  }
0x4ce: {  	[sflag:s7] =	ssyncset.done $0x0  }
0x4cf: {  	[sflag:s7] =	ssyncadd.s32 $0xFFFF8800  }
0x4d0: {  	v4 =	vld [tilespmem:$0x5478];
	_ =	sdelay $0x4  }
0x4d1: {  	v5 =	vshrl.u32 v4, $0x3  }
0x4d2: {  	v5 =	vmul.u32 $0x30, v5  }
0x4d3: {  	v4 =	vand.u32 $0x7, v4  }
0x4d4: {  	v4 =	vor.u32 v4, v5  }
0x4d5: {  	v5 =	vperm.xlane v4, v1;
	_ =	sdelay $0x1  }
0x4d6: {  	v5 =	vadd.s32 v2, v5;
	_ =	sdelay $0x3  }
0x4d7: {  	v4 =	vperm.xlane v4, v3  }
0x4d8: {  	[tilespmem:s29], [sflag:$0x2] =	stream.indirect_vreg.gather [hbm4b:s28+s22], $0x80, v5, vm0, $0xb8;
	[tilespmem:$0x1AA00] =	vst v63  }
0x4d9: {  	v4 =	vadd.s32 v2, v4  }
0x4da: {  	[tilespmem:s2], [sflag:$0x2] =	stream.indirect_vreg.gather [hbm4b:s21+s22], $0x80, v5, vm0, $0xb8;
	[tilespmem:$0x1AA00] =	vst v63  }
0x4db: {  	_ = 	snop  }
0x4dc: {  	[tilespmem:s4], [sflag:$0x2] =	stream.indirect_vreg.gather [hbm4b:s23+s22], $0x80, v5, vm0, $0xb8;
	[tilespmem:$0x1AA00] =	vst v63  }
0x4dd: {  	_ = 	snop  }
0x4de: {  	[tilespmem:s5], [sflag:$0x2] =	stream.indirect_vreg.gather [hbm4b:s28+s22], $0x80, v4, vm0, $0xb8;
	[tilespmem:$0x1AA00] =	vst v63  }
0x4df: {  	_ = 	snop  }
0x4e0: {  	[tilespmem:s6], [sflag:$0x2] =	stream.indirect_vreg.gather [hbm4b:s21+s22], $0x80, v4, vm0, $0xb8;
	[tilespmem:$0x1AA00] =	vst v63  }
0x4e1: {  	_ = 	snop  }
0x4e2: {  	[tilespmem:s8], [sflag:$0x2] =	stream.indirect_vreg.gather [hbm4b:s23+s22], $0x80, v4, vm0, $0xb8;
	[tilespmem:$0x1AA00] =	vst v63  }
0x4e3: {  	v4 =	vld [tilespmem:$0x5488];
	_ =	sdelay $0x4  }
0x4e4: {  	v5 =	vshrl.u32 v4, $0x3  }
0x4e5: {  	v5 =	vmul.u32 $0x30, v5  }
0x4e6: {  	v4 =	vand.u32 $0x7, v4  }
0x4e7: {  	v4 =	vor.u32 v4, v5  }
0x4e8: {  	v5 =	vperm.xlane v4, v1;
	_ =	sdelay $0x1  }
0x4e9: {  	v5 =	vadd.s32 v2, v5;
	_ =	sdelay $0x3  }
0x4ea: {  	v4 =	vperm.xlane v4, v3  }
0x4eb: {  	[tilespmem:s9], [sflag:$0x2] =	stream.indirect_vreg.gather [hbm4b:s28+s22], $0x80, v5, vm0, $0xb8;
	[tilespmem:$0x1AA00] =	vst v63  }
0x4ec: {  	v4 =	vadd.s32 v2, v4  }
0x4ed: {  	[tilespmem:s10], [sflag:$0x2] =	stream.indirect_vreg.gather [hbm4b:s21+s22], $0x80, v5, vm0, $0xb8;
	[tilespmem:$0x1AA00] =	vst v63  }
0x4ee: {  	_ = 	snop  }
0x4ef: {  	[tilespmem:s14], [sflag:$0x2] =	stream.indirect_vreg.gather [hbm4b:s23+s22], $0x80, v5, vm0, $0xb8;
	[tilespmem:$0x1AA00] =	vst v63  }
0x4f0: {  	_ = 	snop  }
0x4f1: {  	[tilespmem:s15], [sflag:$0x2] =	stream.indirect_vreg.gather [hbm4b:s28+s22], $0x80, v4, vm0, $0xb8;
	[tilespmem:$0x1AA00] =	vst v63  }
0x4f2: {  	_ = 	snop  }
0x4f3: {  	[tilespmem:s16], [sflag:$0x2] =	stream.indirect_vreg.gather [hbm4b:s21+s22], $0x80, v4, vm0, $0xb8;
	[tilespmem:$0x1AA00] =	vst v63  }
0x4f4: {  	_ = 	snop  }
0x4f5: {  	[tilespmem:s17], [sflag:$0x2] =	stream.indirect_vreg.gather [hbm4b:s23+s22], $0x80, v4, vm0, $0xb8;
	[tilespmem:$0x1AA00] =	vst v63  }
0x4f6: {  	v4 =	vld.msk [tilespmem:$0x5498], $0xff;
	_ =	sdelay $0x4  }
0x4f7: {  	v5 =	vshrl.u32 v4, $0x3  }
0x4f8: {  	v5 =	vmul.u32 $0x30, v5  }
0x4f9: {  	v4 =	vand.u32 $0x7, v4  }
0x4fa: {  	v4 =	vor.u32 v4, v5  }
0x4fb: {  	v4 =	vperm.xlane v4, v1;
	_ =	sdelay $0x1  }
0x4fc: {  	v4 =	vadd.s32 v2, v4;
	_ =	sdelay $0x4  }
0x4fd: {  	[tilespmem:s18], [sflag:$0x2] =	stream.indirect_vreg.gather [hbm4b:s28+s22], $0x80, v4, vm0, $0xb8;
	[tilespmem:$0x1AA00] =	vst v63  }
0x4fe: {  	_ = 	snop  }
0x4ff: {  	[tilespmem:s19], [sflag:$0x2] =	stream.indirect_vreg.gather [hbm4b:s21+s22], $0x80, v4, vm0, $0xb8;
	[tilespmem:$0x1AA00] =	vst v63  }
0x500: {  	_ = 	snop  }
0x501: {  	[tilespmem:s20], [sflag:$0x2] =	stream.indirect_vreg.gather [hbm4b:s23+s22], $0x80, v4, vm0, $0xb8;
	[tilespmem:$0x1AA00] =	vst v63  }
0x502: {  	_ =	swait.ge [sflag:s24], $0x7800  }
0x503: {  	[sflag:s24] =	ssyncset.done $0x0  }
0x504: {  	s18 =	rddreg [dreg:$0x1d];
	[sflag:s24] =	ssyncadd.s32 $0xFFFF8800  }
0x505: {  	[hbm4b:s18+s22] =	stream.linear.scatter [tilespmem:s26], [sflag:$0x4], $0x7800, $0x38;
	[tilespmem:$0x1AA00] =	vst v63  }
0x506: {  	_ =	swait.ge [sflag:s7], $0x7800  }
0x507: {  	[sflag:s7] =	ssyncset.done $0x0  }
0x508: {  	[sflag:s7] =	ssyncadd.s32 $0xFFFF8800  }
0x509: {  	v4 =	vld [tilespmem:$0x54A0];
	_ =	sdelay $0x4  }
0x50a: {  	v5 =	vshrl.u32 v4, $0x3  }
0x50b: {  	v5 =	vmul.u32 $0x30, v5  }
0x50c: {  	v4 =	vand.u32 $0x7, v4  }
0x50d: {  	v4 =	vor.u32 v4, v5  }
0x50e: {  	v5 =	vperm.xlane v4, v1;
	_ =	sdelay $0x1  }
0x50f: {  	v5 =	vadd.s32 v2, v5;
	_ =	sdelay $0x3  }
0x510: {  	v4 =	vperm.xlane v4, v3  }
0x511: {  	[tilespmem:s26], [sflag:$0x1] =	stream.indirect_vreg.gather [hbm4b:s28+s22], $0x80, v5, vm0, $0xb8;
	[tilespmem:$0x1AA00] =	vst v63  }
0x512: {  	s19 =	simm.s32 $0x5E00;
	v4 =	vadd.s32 v2, v4  }
0x513: {  	[tilespmem:s19], [sflag:$0x1] =	stream.indirect_vreg.gather [hbm4b:s21+s22], $0x80, v5, vm0, $0xb8;
	[tilespmem:$0x1AA00] =	vst v63  }
0x514: {  	s20 =	simm.s32 $0x6600  }
0x515: {  	[tilespmem:s20], [sflag:$0x1] =	stream.indirect_vreg.gather [hbm4b:s23+s22], $0x80, v5, vm0, $0xb8;
	[tilespmem:$0x1AA00] =	vst v63  }
0x516: {  	s2 =	simm.s32 $0x6E00  }
0x517: {  	[tilespmem:s2], [sflag:$0x1] =	stream.indirect_vreg.gather [hbm4b:s28+s22], $0x80, v4, vm0, $0xb8;
	[tilespmem:$0x1AA00] =	vst v63  }
0x518: {  	s4 =	simm.s32 $0x7600  }
0x519: {  	[tilespmem:s4], [sflag:$0x1] =	stream.indirect_vreg.gather [hbm4b:s21+s22], $0x80, v4, vm0, $0xb8;
	[tilespmem:$0x1AA00] =	vst v63  }
0x51a: {  	s5 =	simm.s32 $0x7E00  }
0x51b: {  	[tilespmem:s5], [sflag:$0x1] =	stream.indirect_vreg.gather [hbm4b:s23+s22], $0x80, v4, vm0, $0xb8;
	[tilespmem:$0x1AA00] =	vst v63  }
0x51c: {  	v4 =	vld [tilespmem:$0x54B0];
	_ =	sdelay $0x4  }
0x51d: {  	v5 =	vshrl.u32 v4, $0x3  }
0x51e: {  	v5 =	vmul.u32 $0x30, v5  }
0x51f: {  	v4 =	vand.u32 $0x7, v4  }
0x520: {  	v4 =	vor.u32 v4, v5  }
0x521: {  	v5 =	vperm.xlane v4, v1;
	_ =	sdelay $0x1  }
0x522: {  	v5 =	vadd.s32 v2, v5;
	_ =	sdelay $0x3  }
0x523: {  	s6 =	simm.s32 $0x8600;
	v4 =	vperm.xlane v4, v3  }
0x524: {  	[tilespmem:s6], [sflag:$0x1] =	stream.indirect_vreg.gather [hbm4b:s28+s22], $0x80, v5, vm0, $0xb8;
	[tilespmem:$0x1AA00] =	vst v63  }
0x525: {  	s8 =	simm.s32 $0x8E00;
	v4 =	vadd.s32 v2, v4  }
0x526: {  	[tilespmem:s8], [sflag:$0x1] =	stream.indirect_vreg.gather [hbm4b:s21+s22], $0x80, v5, vm0, $0xb8;
	[tilespmem:$0x1AA00] =	vst v63  }
0x527: {  	s9 =	simm.s32 $0x9600  }
0x528: {  	[tilespmem:s9], [sflag:$0x1] =	stream.indirect_vreg.gather [hbm4b:s23+s22], $0x80, v5, vm0, $0xb8;
	[tilespmem:$0x1AA00] =	vst v63  }
0x529: {  	s10 =	simm.s32 $0x9E00  }
0x52a: {  	[tilespmem:s10], [sflag:$0x1] =	stream.indirect_vreg.gather [hbm4b:s28+s22], $0x80, v4, vm0, $0xb8;
	[tilespmem:$0x1AA00] =	vst v63  }
0x52b: {  	s14 =	simm.s32 $0xA600  }
0x52c: {  	[tilespmem:s14], [sflag:$0x1] =	stream.indirect_vreg.gather [hbm4b:s21+s22], $0x80, v4, vm0, $0xb8;
	[tilespmem:$0x1AA00] =	vst v63  }
0x52d: {  	s15 =	simm.s32 $0xAE00  }
0x52e: {  	[tilespmem:s15], [sflag:$0x1] =	stream.indirect_vreg.gather [hbm4b:s23+s22], $0x80, v4, vm0, $0xb8;
	[tilespmem:$0x1AA00] =	vst v63  }
0x52f: {  	v4 =	vld.msk [tilespmem:$0x54C0], $0xff;
	_ =	sdelay $0x4  }
0x530: {  	v5 =	vshrl.u32 v4, $0x3  }
0x531: {  	v5 =	vmul.u32 $0x30, v5  }
0x532: {  	v4 =	vand.u32 $0x7, v4  }
0x533: {  	v4 =	vor.u32 v4, v5  }
0x534: {  	v4 =	vperm.xlane v4, v1;
	_ =	sdelay $0x1  }
0x535: {  	v4 =	vadd.s32 v2, v4;
	_ =	sdelay $0x3  }
0x536: {  	s16 =	simm.s32 $0xB600  }
0x537: {  	[tilespmem:s16], [sflag:$0x1] =	stream.indirect_vreg.gather [hbm4b:s28+s22], $0x80, v4, vm0, $0xb8;
	[tilespmem:$0x1AA00] =	vst v63  }
0x538: {  	s17 =	simm.s32 $0xBE00  }
0x539: {  	[tilespmem:s17], [sflag:$0x1] =	stream.indirect_vreg.gather [hbm4b:s21+s22], $0x80, v4, vm0, $0xb8;
	[tilespmem:$0x1AA00] =	vst v63  }
0x53a: {  	s18 =	simm.s32 $0xC600  }
0x53b: {  	[tilespmem:s18], [sflag:$0x1] =	stream.indirect_vreg.gather [hbm4b:s23+s22], $0x80, v4, vm0, $0xb8;
	[tilespmem:$0x1AA00] =	vst v63  }
0x53c: {  	_ =	swait.ge [sflag:s31], $0x7800  }
0x53d: {  	[sflag:s31] =	ssyncset.done $0x0  }
0x53e: {  	s19 =	rddreg [dreg:$0x14];
	[sflag:s31] =	ssyncadd.s32 $0xFFFF8800  }
0x53f: {  	[hbm4b:s19+s22] =	stream.linear.scatter [tilespmem:s29], [sflag:$0x4], $0x7800, $0x38;
	[tilespmem:$0x1AA00] =	vst v63  }
0x540: {  	_ =	swait.ge [sflag:s7], $0x7800  }
0x541: {  	[sflag:s7] =	ssyncset.done $0x0  }
0x542: {  	[sflag:s7] =	ssyncadd.s32 $0xFFFF8800  }
0x543: {  	_ =	swait.ge [sflag:s24], $0x7800  }
0x544: {  	[sflag:s24] =	ssyncset.done $0x0  }
0x545: {  	s20 =	rddreg [dreg:$0x1e];
	[sflag:s24] =	ssyncadd.s32 $0xFFFF8800  }
0x546: {  	[hbm4b:s20+s22] =	stream.linear.scatter [tilespmem:s26], [sflag:$0x4], $0x7800, $0x38;
	[tilespmem:$0x1AA00] =	vst v63  }
0x547: {  	_ =	swait.ge [sflag:s7], $0x7800  }
0x548: {  	[sflag:s7] =	ssyncset.done $0x0  }
0x549: {  	s26 =	simm.s32 $0x3;
	[sflag:s7] =	ssyncadd.s32 $0xFFFF8800  }
0x54a: {  	_ =	swait.ge [sflag:s26], $0x6400  }
0x54b: {  	s31 =	simm.s32 $0x14600;
	[sflag:s26] =	ssyncset.done $0x0  }
.Ltmp6:
0x54c: {  	s29 =	rddreg [dreg:$0x16];
	[sflag:s26] =	ssyncadd.s32 $0xFFFF9C00;
	(pc) =	sbr.rel .LBB2_9-.Ltmp6, $4  }
0x54d: {  	[hbm4b:s29+s22] =	stream.linear.scatter [tilespmem:s31], [sflag:$0x4], $0x6400, $0x38;
	[tilespmem:$0x1AA00] =	vst v63  }
0x54e: {  	_ =	swait.ge [sflag:s7], $0x6400  }
0x54f: {  	[sflag:s7] =	ssyncset.done $0x0  }
0x550: {  	[sflag:s7] =	ssyncadd.s32 $0xFFFF9C00  }
.LBB2_10:
0x551: {  	_ =	sfence.sel $0x180000  }
0x552: {  	[bflag:$0x0] =	sbarrier.arrive $0xFFFF  }
0x553: {  	_ =	strace $0x90000047  }
0x554: {  	s0 =	stileid.u32;
	[bflag:$0x2] =	sbarrier.arrive $0xFFFF  }
0x555: {  	p0 =	sne.s32 s0, $0x0;
	s0 =	rddreg [dreg:$0x3]  }
0x556: {  	s0 =	sadd.s32 @!p0 $0x100000, s0  }
0x557: {  	[sflag:s0] =	ssyncadd.tile.s32 @!p0 $0x1;
	_ =	shalt  }
.Lfunc_end2:
_tile_overlayer_lowered:
.L_overlay_start_2:
0x558: {  	(tag) =	ssettag $0x2  }
0x559: {  	s0 =	rddreg [dreg:$0x0];
	s2 =	stileid.u32  }
0x55a: {  	s1 =	rddreg [dreg:$0x1];
	p0 =	sne.s32 s2, $0x0  }
0x55b: {  	s3 =	rddreg [dreg:$0x2];
	[bflag:$0x3] =	sbarrier.arrive $0xFFFF;
	s2 =	simm.s32 @!p0 $0x1C04  }
0x55c: {  	[timem:s3], [sflag:s2] =	dma.local @!p0 [hbm:s0], s1  }
0x55d: {  	s0 =	simm.s32 @!p0 $0x4  }
0x55e: {  	_ =	swait.ge @!p0 [sflag:s0], s1  }
0x55f: {  	s1 =	ssub.s32 @!p0 $0x0, s1;
	[sflag:s0] =	ssyncset.done @!p0 $0x0  }
0x560: {  	[sflag:s0] =	ssyncadd.s32 @!p0 s1  }
0x561: {  	[bflag:$0x3] =	sbarrier.arrive $0xFFFF  }
0x562: {  	_ =	shalt  }

</sc_bundles>
